<compile_context>
chip_gen: v7x
topology: tpu7x:2x2x1
jax: 0.10.2.dev20260603
libtpu: 0.0.44.dev20260713+nightly
codegen_flags: <defaults>
</compile_context>

<pallas_src>
import jax
import jax.numpy as jnp
from jax import lax
from jax.experimental import pallas as pl
from jax.experimental.pallas import tpu as pltpu
from jax.experimental.pallas import tpu_sc as plsc

N = 10000
E = 320000
D = 128
H = 64
G = 64
C = 2

NC = 2
NS = 16
CHUNK = 128
CHUNKS = 160
NBUF = 4
EPT = CHUNK * CHUNKS
EP = EPT * NS
ROWS_PER_TILE = 632
NPAD = ROWS_PER_TILE * NS
H2 = H // 2


def _sc_agg_body(h_hbm, src_hbm, dst_hbm, zeros_hbm, out_hbm,
                 src_idx, dst_idx, gbufs, gsems, agg_sh):
    c = lax.axis_index("c")
    s = lax.axis_index("s")
    pltpu.sync_copy(src_hbm.at[c, s], src_idx)
    pltpu.sync_copy(dst_hbm.at[s], dst_idx)
    for b in range(NBUF):
        pltpu.async_copy(h_hbm.at[src_idx.at[b]], gbufs.at[b], gsems.at[b])
    pltpu.sync_copy(zeros_hbm,
                    agg_sh.at[pl.ds(s * ROWS_PER_TILE, ROWS_PER_TILE)])
    plsc.subcore_barrier()

    def outer(jj, carry):
        for b in range(NBUF):
            j = jj * NBUF + b
            pltpu.make_async_copy(
                h_hbm.at[src_idx.at[j]], gbufs.at[b], gsems.at[b]).wait()
            pltpu.sync_copy(gbufs.at[b], agg_sh.at[dst_idx.at[j]], add=True)

            @pl.when(jj < CHUNKS // NBUF - 1)
            def _():
                pltpu.async_copy(
                    h_hbm.at[src_idx.at[j + NBUF]], gbufs.at[b], gsems.at[b])
        return carry

    lax.fori_loop(0, CHUNKS // NBUF, outer, 0)
    plsc.subcore_barrier()
    pltpu.sync_copy(agg_sh.at[pl.ds(s * ROWS_PER_TILE, ROWS_PER_TILE)],
                    out_hbm.at[c, pl.ds(s * ROWS_PER_TILE, ROWS_PER_TILE)])


def _make_sc_agg():
    mesh = plsc.VectorSubcoreMesh(core_axis_name="c", subcore_axis_name="s")
    return pl.kernel(
        _sc_agg_body,
        out_type=jax.ShapeDtypeStruct((NC, NPAD, H2), jnp.float32),
        mesh=mesh,
        compiler_params=pltpu.CompilerParams(use_tc_tiling_on_sc=False),
        scratch_types=[
            pltpu.VMEM((CHUNKS, CHUNK), jnp.int32),
            pltpu.VMEM((CHUNKS, CHUNK), jnp.int32),
            pltpu.VMEM((NBUF, CHUNK, H2), jnp.float32),
            pltpu.SemaphoreType.DMA((NBUF,)),
            pltpu.VMEM_SHARED((NPAD, H2), jnp.float32),
        ],
    )


def _tc_pre_body(x_ref, w1_ref, out_ref):
    out_ref[...] = jnp.dot(x_ref[...], w1_ref[...],
                           preferred_element_type=jnp.float32)


def _mlp_bn(g_ref, agg_ref, b1_ref, w2_ref, b2_ref, eps_ref,
            gamma_ref, beta_ref):
    g = g_ref[...]
    agg = jnp.concatenate([agg_ref[0, :N, :], agg_ref[1, :N, :]], axis=1)
    u = jnp.maximum((1.0 + eps_ref[...]) * g + agg + b1_ref[...], 0.0)
    v = jnp.dot(u, w2_ref[...], preferred_element_type=jnp.float32) + b2_ref[...]
    mean = jnp.mean(v, axis=0, keepdims=True)
    cen = v - mean
    var = jnp.mean(cen * cen, axis=0, keepdims=True)
    v = cen * lax.rsqrt(var + 1e-5) * gamma_ref[...] + beta_ref[...]
    return jnp.maximum(v, 0.0)


def _tc_layer_body(g_ref, agg_ref, b1_ref, w2_ref, b2_ref, eps_ref,
                   gamma_ref, beta_ref, w1n_ref, out_ref):
    h = _mlp_bn(g_ref, agg_ref, b1_ref, w2_ref, b2_ref, eps_ref,
                gamma_ref, beta_ref)
    out_ref[...] = jnp.dot(h, w1n_ref[...], preferred_element_type=jnp.float32)


def _tc_final_body(g_ref, agg_ref, batch_ref, b1_ref, w2_ref, b2_ref,
                   eps_ref, gamma_ref, beta_ref, wc_ref, bc_ref, out_ref):
    h = _mlp_bn(g_ref, agg_ref, b1_ref, w2_ref, b2_ref, eps_ref,
                gamma_ref, beta_ref)
    onehot = (batch_ref[...]
              == lax.broadcasted_iota(jnp.int32, (N, G), 1)).astype(jnp.float32)
    counts = jnp.sum(onehot, axis=0, keepdims=True)
    ohs = onehot * (1.0 / jnp.maximum(counts, 1.0))
    pooled = lax.dot_general(ohs, h, (((0,), (0,)), ((), ())),
                             preferred_element_type=jnp.float32)
    out_ref[...] = (jnp.dot(pooled, wc_ref[...],
                            preferred_element_type=jnp.float32) + bc_ref[...])


def kernel(x, edge_index, batch,
           W1_0, b1_0, W2_0, b2_0, eps_0, gamma_0, beta_0,
           W1_1, b1_1, W2_1, b2_1, eps_1, gamma_1, beta_1,
           W1_2, b1_2, W2_2, b2_2, eps_2, gamma_2, beta_2,
           Wc, bc):
    pad = EP - E
    src2 = 2 * jnp.concatenate([edge_index[0], jnp.zeros((pad,), jnp.int32)])
    src_p = jnp.stack([src2, src2 + 1]).reshape(NC, NS, CHUNKS, CHUNK)
    dst_p = jnp.concatenate(
        [edge_index[1], jnp.full((pad,), N, jnp.int32)]).reshape(NS, CHUNKS, CHUNK)
    zeros_h2 = jnp.zeros((ROWS_PER_TILE, H2), jnp.float32)

    layers = [
        (b1_0, W2_0, b2_0, eps_0, gamma_0, beta_0),
        (b1_1, W2_1, b2_1, eps_1, gamma_1, beta_1),
        (b1_2, W2_2, b2_2, eps_2, gamma_2, beta_2),
    ]
    next_w1 = [W1_1, W1_2]

    sc_agg = _make_sc_agg()
    g = pl.pallas_call(
        _tc_pre_body,
        out_shape=jax.ShapeDtypeStruct((N, H), jnp.float32),
    )(x, W1_0)

    out = None
    for i, (b1, W2, b2, eps, gamma, beta) in enumerate(layers):
        agg = sc_agg(g.reshape(2 * N, H2), src_p, dst_p, zeros_h2)
        common = (g, agg, b1.reshape(1, H), W2, b2.reshape(1, H),
                  eps.reshape(1, 1), gamma.reshape(1, H), beta.reshape(1, H))
        if i < 2:
            g = pl.pallas_call(
                _tc_layer_body,
                out_shape=jax.ShapeDtypeStruct((N, H), jnp.float32),
            )(*common, next_w1[i])
        else:
            out = pl.pallas_call(
                _tc_final_body,
                out_shape=jax.ShapeDtypeStruct((G, C), jnp.float32),
            )(common[0], common[1], batch.reshape(N, 1), *common[2:],
              Wc, bc.reshape(1, C))
    return out

# --- scband reference (transcript-rebuilt; emitter-appended) ---
"""Pipeline reference for scband-gin-13993003450905 (READ-ONLY COPY).

The authoritative reference and input builder live on the scoring server;
editing this copy changes nothing except your own understanding.
"""

import jax, jax.numpy as jnp
import numpy as np

N = 10000
E = 320000
D = 128
H = 64
C = 2
G = 64


def setup_inputs(seed: int = 0) -> dict:
    key = jax.random.key(seed)
    ks = jax.random.split(key, 40)
    inp = {}
    inp["x"] = jax.random.normal(ks[0], (N, D), dtype=jnp.float32)
    inp["edge_index"] = jax.random.randint(ks[1], (2, E), 0, N, dtype=jnp.int32)
    inp["batch"] = jnp.sort(jax.random.randint(ks[2], (N,), 0, G, dtype=jnp.int32))
    dims = [(D, H), (H, H), (H, H)]
    ki = 3
    for i, (din, dh) in enumerate(dims):
        inp[f"W1_{i}"] = jax.random.normal(ks[ki], (din, dh), dtype=jnp.float32) * (1.0 / np.sqrt(din)); ki += 1
        inp[f"b1_{i}"] = jnp.zeros((dh,), dtype=jnp.float32)
        inp[f"W2_{i}"] = jax.random.normal(ks[ki], (dh, dh), dtype=jnp.float32) * (1.0 / np.sqrt(dh)); ki += 1
        inp[f"b2_{i}"] = jnp.zeros((dh,), dtype=jnp.float32)
        inp[f"eps_{i}"] = jnp.zeros((), dtype=jnp.float32)
        inp[f"gamma_{i}"] = jnp.ones((dh,), dtype=jnp.float32)
        inp[f"beta_{i}"] = jnp.zeros((dh,), dtype=jnp.float32)
    inp["Wc"] = jax.random.normal(ks[ki], (H, C), dtype=jnp.float32) * (1.0 / np.sqrt(H)); ki += 1
    inp["bc"] = jnp.zeros((C,), dtype=jnp.float32)
    return inp


def _gin_layer(h, src, dst, W1, b1, W2, b2, eps, gamma, beta):
    # GINConv: nn((1+eps)*x + sum_{j in N(i)} x_j), sum aggregation at dst
    agg = jnp.zeros_like(h).at[dst].add(h[src])
    h2 = (1.0 + eps) * h + agg
    h2 = jnp.maximum(h2 @ W1 + b1, 0.0)
    h2 = h2 @ W2 + b2
    # BatchNorm1d (batch statistics), then ReLU; dropout is identity in eval
    mean = jnp.mean(h2, axis=0)
    var = jnp.var(h2, axis=0)
    h2 = (h2 - mean) / jnp.sqrt(var + 1e-5) * gamma + beta
    return jnp.maximum(h2, 0.0)


def reference(x, edge_index, batch,
              W1_0, b1_0, W2_0, b2_0, eps_0, gamma_0, beta_0,
              W1_1, b1_1, W2_1, b2_1, eps_1, gamma_1, beta_1,
              W1_2, b1_2, W2_2, b2_2, eps_2, gamma_2, beta_2,
              Wc, bc):
    src = edge_index[0]
    dst = edge_index[1]
    layers = [
        (W1_0, b1_0, W2_0, b2_0, eps_0, gamma_0, beta_0),
        (W1_1, b1_1, W2_1, b2_1, eps_1, gamma_1, beta_1),
        (W1_2, b1_2, W2_2, b2_2, eps_2, gamma_2, beta_2),
    ]
    h = x
    for (W1, b1, W2, b2, eps, gamma, beta) in layers:
        h = _gin_layer(h, src, dst, W1, b1, W2, b2, eps, gamma, beta)
    # global_mean_pool over graph ids
    seg_sum = jax.ops.segment_sum(h, batch, num_segments=G)
    counts = jax.ops.segment_sum(jnp.ones((h.shape[0], 1), h.dtype), batch, num_segments=G)
    pooled = seg_sum / jnp.maximum(counts, 1.0)
    return pooled @ Wc + bc

if __name__ == "__main__":
    import jax
    _d = setup_inputs()
    print(jax.jit(kernel)(*tuple(_d.values())))

</pallas_src>

<mosaic_0001>
#map = affine_map<(d0, d1) -> (0, 0)>
#map1 = affine_map<(d0, d1) -> (0, 0, 0, 0)>
#map2 = affine_map<(d0, d1) -> (0, 0, 0)>
module attributes {stable_mosaic.version = 14 : i64} {
  func.func @_sc_agg_body(%arg0: i32, %arg1: i32, %arg2: memref<20000x32xf32, #tpu.memory_space<hbm>>, %arg3: memref<2x16x160x128xi32, #tpu.memory_space<hbm>>, %arg4: memref<16x160x128xi32, #tpu.memory_space<hbm>>, %arg5: memref<632x32xf32, #tpu.memory_space<hbm>>, %arg6: memref<2x10112x32xf32, #tpu.memory_space<hbm>>, %arg7: memref<160x128xi32, #tpu.memory_space<vmem>>, %arg8: memref<160x128xi32, #tpu.memory_space<vmem>>, %arg9: memref<4x128x32xf32, #tpu.memory_space<vmem>>, %arg10: memref<4x!tpu.dma_semaphore, #tpu.memory_space<semaphore_mem>>, %arg11: memref<10112x32xf32, #tpu.memory_space<vmem_shared>>) attributes {dimension_semantics = [#tpu.dimension_semantics<core_parallel>, #tpu.dimension_semantics<subcore_parallel>], iteration_bounds = array<i64: 2, 16>, scalar_prefetch = 0 : i64, scratch_operands = 5 : i64, tpu.core_type = #tpu.core_type<sc_vector_subcore>, window_params = [{transform_indices = #map}, {transform_indices = #map1}, {transform_indices = #map2}, {transform_indices = #map}, {transform_indices = #map2}]} {
    "tpu.region"() ({
      %run_scoped3A = tpu.sem_alloc : memref<!tpu.dma_semaphore, #tpu.memory_space<semaphore_mem>>
      %dma_start3A_70 = arith.constant 0 : i32
      %dma_start3A_71 = arith.constant 0 : i32
      %dma_start3A_72 = tpu.memref_slice %arg3[%arg0, %arg1, %dma_start3A_70, %dma_start3A_71] : memref<2x16x160x128xi32, #tpu.memory_space<hbm>> -> memref<1x1x160x128xi32, #tpu.memory_space<hbm>>
      %dma_start3A_73 = tpu.memref_squeeze %dma_start3A_72 : memref<1x1x160x128xi32, #tpu.memory_space<hbm>> -> memref<160x128xi32, #tpu.memory_space<hbm>>
      %dma_start3A_74 = arith.constant 0 : i32
      %dma_start3A_75 = arith.constant 0 : i32
      %dma_start3A_76 = tpu.memref_slice %arg3[%arg0, %arg1, %dma_start3A_74, %dma_start3A_75] : memref<2x16x160x128xi32, #tpu.memory_space<hbm>> -> memref<1x1x160x128xi32, #tpu.memory_space<hbm>>
      %dma_start3A_77 = tpu.memref_squeeze %dma_start3A_76 : memref<1x1x160x128xi32, #tpu.memory_space<hbm>> -> memref<160x128xi32, #tpu.memory_space<hbm>>
      tpu.enqueue_dma source(%dma_start3A_77 : memref<160x128xi32, #tpu.memory_space<hbm>>) target(%arg7 : memref<160x128xi32, #tpu.memory_space<vmem>>) target_semaphore(%run_scoped3A : memref<!tpu.dma_semaphore, #tpu.memory_space<semaphore_mem>>)
      %dma_wait3A = arith.constant 0 : i32
      %dma_wait3A_78 = arith.constant 0 : i32
      %dma_wait3A_79 = tpu.memref_slice %arg3[%arg0, %arg1, %dma_wait3A, %dma_wait3A_78] : memref<2x16x160x128xi32, #tpu.memory_space<hbm>> -> memref<1x1x160x128xi32, #tpu.memory_space<hbm>>
      %dma_wait3A_80 = tpu.memref_squeeze %dma_wait3A_79 : memref<1x1x160x128xi32, #tpu.memory_space<hbm>> -> memref<160x128xi32, #tpu.memory_space<hbm>>
      %dma_wait3A_81 = arith.constant 0 : i32
      %dma_wait3A_82 = arith.constant 0 : i32
      %dma_wait3A_83 = tpu.memref_slice %arg3[%arg0, %arg1, %dma_wait3A_81, %dma_wait3A_82] : memref<2x16x160x128xi32, #tpu.memory_space<hbm>> -> memref<1x1x160x128xi32, #tpu.memory_space<hbm>>
      %dma_wait3A_84 = tpu.memref_squeeze %dma_wait3A_83 : memref<1x1x160x128xi32, #tpu.memory_space<hbm>> -> memref<160x128xi32, #tpu.memory_space<hbm>>
      tpu.wait_dma2 semaphore(%run_scoped3A : memref<!tpu.dma_semaphore, #tpu.memory_space<semaphore_mem>>) src(%dma_wait3A_84 : memref<160x128xi32, #tpu.memory_space<hbm>>) dst(%arg7 : memref<160x128xi32, #tpu.memory_space<vmem>>)
      tpu.yield
    }) : () -> ()
    "tpu.region"() ({
      %run_scoped3A = tpu.sem_alloc : memref<!tpu.dma_semaphore, #tpu.memory_space<semaphore_mem>>
      %dma_start3A_70 = arith.constant 0 : i32
      %dma_start3A_71 = arith.constant 0 : i32
      %dma_start3A_72 = tpu.memref_slice %arg4[%arg1, %dma_start3A_70, %dma_start3A_71] : memref<16x160x128xi32, #tpu.memory_space<hbm>> -> memref<1x160x128xi32, #tpu.memory_space<hbm>>
      %dma_start3A_73 = tpu.memref_squeeze %dma_start3A_72 : memref<1x160x128xi32, #tpu.memory_space<hbm>> -> memref<160x128xi32, #tpu.memory_space<hbm>>
      %dma_start3A_74 = arith.constant 0 : i32
      %dma_start3A_75 = arith.constant 0 : i32
      %dma_start3A_76 = tpu.memref_slice %arg4[%arg1, %dma_start3A_74, %dma_start3A_75] : memref<16x160x128xi32, #tpu.memory_space<hbm>> -> memref<1x160x128xi32, #tpu.memory_space<hbm>>
      %dma_start3A_77 = tpu.memref_squeeze %dma_start3A_76 : memref<1x160x128xi32, #tpu.memory_space<hbm>> -> memref<160x128xi32, #tpu.memory_space<hbm>>
      tpu.enqueue_dma source(%dma_start3A_77 : memref<160x128xi32, #tpu.memory_space<hbm>>) target(%arg8 : memref<160x128xi32, #tpu.memory_space<vmem>>) target_semaphore(%run_scoped3A : memref<!tpu.dma_semaphore, #tpu.memory_space<semaphore_mem>>)
      %dma_wait3A = arith.constant 0 : i32
      %dma_wait3A_78 = arith.constant 0 : i32
      %dma_wait3A_79 = tpu.memref_slice %arg4[%arg1, %dma_wait3A, %dma_wait3A_78] : memref<16x160x128xi32, #tpu.memory_space<hbm>> -> memref<1x160x128xi32, #tpu.memory_space<hbm>>
      %dma_wait3A_80 = tpu.memref_squeeze %dma_wait3A_79 : memref<1x160x128xi32, #tpu.memory_space<hbm>> -> memref<160x128xi32, #tpu.memory_space<hbm>>
      %dma_wait3A_81 = arith.constant 0 : i32
      %dma_wait3A_82 = arith.constant 0 : i32
      %dma_wait3A_83 = tpu.memref_slice %arg4[%arg1, %dma_wait3A_81, %dma_wait3A_82] : memref<16x160x128xi32, #tpu.memory_space<hbm>> -> memref<1x160x128xi32, #tpu.memory_space<hbm>>
      %dma_wait3A_84 = tpu.memref_squeeze %dma_wait3A_83 : memref<1x160x128xi32, #tpu.memory_space<hbm>> -> memref<160x128xi32, #tpu.memory_space<hbm>>
      tpu.wait_dma2 semaphore(%run_scoped3A : memref<!tpu.dma_semaphore, #tpu.memory_space<semaphore_mem>>) src(%dma_wait3A_84 : memref<160x128xi32, #tpu.memory_space<hbm>>) dst(%arg8 : memref<160x128xi32, #tpu.memory_space<vmem>>)
      tpu.yield
    }) : () -> ()
    %dma_start3A = arith.constant 0 : i32
    %dma_start3A_0 = arith.constant 0 : i32
    %dma_start3A_1 = arith.constant 0 : i32
    %dma_start3A_2 = arith.constant 0 : i32
    %dma_start3A_3 = arith.constant 0 : i32
    %dma_start3A_4 = tpu.memref_slice %arg9[%dma_start3A_0, %dma_start3A_2, %dma_start3A_3] : memref<4x128x32xf32, #tpu.memory_space<vmem>> -> memref<1x128x32xf32, #tpu.memory_space<vmem>>
    %dma_start3A_5 = tpu.memref_squeeze %dma_start3A_4 : memref<1x128x32xf32, #tpu.memory_space<vmem>> -> memref<128x32xf32, #tpu.memory_space<vmem>>
    %dma_start3A_6 = arith.constant 0 : i32
    %dma_start3A_7 = tpu.memref_slice %arg7[%dma_start3A, %dma_start3A_6] : memref<160x128xi32, #tpu.memory_space<vmem>> -> memref<1x128xi32, #tpu.memory_space<vmem>>
    %dma_start3A_8 = tpu.memref_squeeze %dma_start3A_7 : memref<1x128xi32, #tpu.memory_space<vmem>> -> memref<128xi32, #tpu.memory_space<vmem>>
    %dma_start3A_9 = arith.constant 0 : i32
    %dma_start3A_10 = arith.constant 0 : i32
    %dma_start3A_11 = tpu.memref_slice %arg2[%dma_start3A_9, %dma_start3A_10] : memref<20000x32xf32, #tpu.memory_space<hbm>> -> memref<20000x32xf32, #tpu.memory_space<hbm>>
    %dma_start3A_12 = tpu.memref_slice %arg10[%dma_start3A_1] : memref<4x!tpu.dma_semaphore, #tpu.memory_space<semaphore_mem>> -> memref<1x!tpu.dma_semaphore, #tpu.memory_space<semaphore_mem>>
    %dma_start3A_13 = tpu.memref_squeeze %dma_start3A_12 : memref<1x!tpu.dma_semaphore, #tpu.memory_space<semaphore_mem>> -> memref<!tpu.dma_semaphore, #tpu.memory_space<semaphore_mem>>
    tpu.enqueue_indirect_dma source(%dma_start3A_11 : memref<20000x32xf32, #tpu.memory_space<hbm>>) target(%dma_start3A_5 : memref<128x32xf32, #tpu.memory_space<vmem>>) offsets(%dma_start3A_8 : memref<128xi32, #tpu.memory_space<vmem>>) semaphore(%dma_start3A_13 : memref<!tpu.dma_semaphore, #tpu.memory_space<semaphore_mem>>)
    %dma_start3A_14 = arith.constant 1 : i32
    %dma_start3A_15 = arith.constant 1 : i32
    %dma_start3A_16 = arith.constant 1 : i32
    %dma_start3A_17 = arith.constant 0 : i32
    %dma_start3A_18 = arith.constant 0 : i32
    %dma_start3A_19 = tpu.memref_slice %arg9[%dma_start3A_15, %dma_start3A_17, %dma_start3A_18] : memref<4x128x32xf32, #tpu.memory_space<vmem>> -> memref<1x128x32xf32, #tpu.memory_space<vmem>>
    %dma_start3A_20 = tpu.memref_squeeze %dma_start3A_19 : memref<1x128x32xf32, #tpu.memory_space<vmem>> -> memref<128x32xf32, #tpu.memory_space<vmem>>
    %dma_start3A_21 = arith.constant 0 : i32
    %dma_start3A_22 = tpu.memref_slice %arg7[%dma_start3A_14, %dma_start3A_21] : memref<160x128xi32, #tpu.memory_space<vmem>> -> memref<1x128xi32, #tpu.memory_space<vmem>>
    %dma_start3A_23 = tpu.memref_squeeze %dma_start3A_22 : memref<1x128xi32, #tpu.memory_space<vmem>> -> memref<128xi32, #tpu.memory_space<vmem>>
    %dma_start3A_24 = arith.constant 0 : i32
    %dma_start3A_25 = arith.constant 0 : i32
    %dma_start3A_26 = tpu.memref_slice %arg2[%dma_start3A_24, %dma_start3A_25] : memref<20000x32xf32, #tpu.memory_space<hbm>> -> memref<20000x32xf32, #tpu.memory_space<hbm>>
    %dma_start3A_27 = tpu.memref_slice %arg10[%dma_start3A_16] : memref<4x!tpu.dma_semaphore, #tpu.memory_space<semaphore_mem>> -> memref<1x!tpu.dma_semaphore, #tpu.memory_space<semaphore_mem>>
    %dma_start3A_28 = tpu.memref_squeeze %dma_start3A_27 : memref<1x!tpu.dma_semaphore, #tpu.memory_space<semaphore_mem>> -> memref<!tpu.dma_semaphore, #tpu.memory_space<semaphore_mem>>
    tpu.enqueue_indirect_dma source(%dma_start3A_26 : memref<20000x32xf32, #tpu.memory_space<hbm>>) target(%dma_start3A_20 : memref<128x32xf32, #tpu.memory_space<vmem>>) offsets(%dma_start3A_23 : memref<128xi32, #tpu.memory_space<vmem>>) semaphore(%dma_start3A_28 : memref<!tpu.dma_semaphore, #tpu.memory_space<semaphore_mem>>)
    %dma_start3A_29 = arith.constant 2 : i32
    %dma_start3A_30 = arith.constant 2 : i32
    %dma_start3A_31 = arith.constant 2 : i32
    %dma_start3A_32 = arith.constant 0 : i32
    %dma_start3A_33 = arith.constant 0 : i32
    %dma_start3A_34 = tpu.memref_slice %arg9[%dma_start3A_30, %dma_start3A_32, %dma_start3A_33] : memref<4x128x32xf32, #tpu.memory_space<vmem>> -> memref<1x128x32xf32, #tpu.memory_space<vmem>>
    %dma_start3A_35 = tpu.memref_squeeze %dma_start3A_34 : memref<1x128x32xf32, #tpu.memory_space<vmem>> -> memref<128x32xf32, #tpu.memory_space<vmem>>
    %dma_start3A_36 = arith.constant 0 : i32
    %dma_start3A_37 = tpu.memref_slice %arg7[%dma_start3A_29, %dma_start3A_36] : memref<160x128xi32, #tpu.memory_space<vmem>> -> memref<1x128xi32, #tpu.memory_space<vmem>>
    %dma_start3A_38 = tpu.memref_squeeze %dma_start3A_37 : memref<1x128xi32, #tpu.memory_space<vmem>> -> memref<128xi32, #tpu.memory_space<vmem>>
    %dma_start3A_39 = arith.constant 0 : i32
    %dma_start3A_40 = arith.constant 0 : i32
    %dma_start3A_41 = tpu.memref_slice %arg2[%dma_start3A_39, %dma_start3A_40] : memref<20000x32xf32, #tpu.memory_space<hbm>> -> memref<20000x32xf32, #tpu.memory_space<hbm>>
    %dma_start3A_42 = tpu.memref_slice %arg10[%dma_start3A_31] : memref<4x!tpu.dma_semaphore, #tpu.memory_space<semaphore_mem>> -> memref<1x!tpu.dma_semaphore, #tpu.memory_space<semaphore_mem>>
    %dma_start3A_43 = tpu.memref_squeeze %dma_start3A_42 : memref<1x!tpu.dma_semaphore, #tpu.memory_space<semaphore_mem>> -> memref<!tpu.dma_semaphore, #tpu.memory_space<semaphore_mem>>
    tpu.enqueue_indirect_dma source(%dma_start3A_41 : memref<20000x32xf32, #tpu.memory_space<hbm>>) target(%dma_start3A_35 : memref<128x32xf32, #tpu.memory_space<vmem>>) offsets(%dma_start3A_38 : memref<128xi32, #tpu.memory_space<vmem>>) semaphore(%dma_start3A_43 : memref<!tpu.dma_semaphore, #tpu.memory_space<semaphore_mem>>)
    %dma_start3A_44 = arith.constant 3 : i32
    %dma_start3A_45 = arith.constant 3 : i32
    %dma_start3A_46 = arith.constant 3 : i32
    %dma_start3A_47 = arith.constant 0 : i32
    %dma_start3A_48 = arith.constant 0 : i32
    %dma_start3A_49 = tpu.memref_slice %arg9[%dma_start3A_45, %dma_start3A_47, %dma_start3A_48] : memref<4x128x32xf32, #tpu.memory_space<vmem>> -> memref<1x128x32xf32, #tpu.memory_space<vmem>>
    %dma_start3A_50 = tpu.memref_squeeze %dma_start3A_49 : memref<1x128x32xf32, #tpu.memory_space<vmem>> -> memref<128x32xf32, #tpu.memory_space<vmem>>
    %dma_start3A_51 = arith.constant 0 : i32
    %dma_start3A_52 = tpu.memref_slice %arg7[%dma_start3A_44, %dma_start3A_51] : memref<160x128xi32, #tpu.memory_space<vmem>> -> memref<1x128xi32, #tpu.memory_space<vmem>>
    %dma_start3A_53 = tpu.memref_squeeze %dma_start3A_52 : memref<1x128xi32, #tpu.memory_space<vmem>> -> memref<128xi32, #tpu.memory_space<vmem>>
    %dma_start3A_54 = arith.constant 0 : i32
    %dma_start3A_55 = arith.constant 0 : i32
    %dma_start3A_56 = tpu.memref_slice %arg2[%dma_start3A_54, %dma_start3A_55] : memref<20000x32xf32, #tpu.memory_space<hbm>> -> memref<20000x32xf32, #tpu.memory_space<hbm>>
    %dma_start3A_57 = tpu.memref_slice %arg10[%dma_start3A_46] : memref<4x!tpu.dma_semaphore, #tpu.memory_space<semaphore_mem>> -> memref<1x!tpu.dma_semaphore, #tpu.memory_space<semaphore_mem>>
    %dma_start3A_58 = tpu.memref_squeeze %dma_start3A_57 : memref<1x!tpu.dma_semaphore, #tpu.memory_space<semaphore_mem>> -> memref<!tpu.dma_semaphore, #tpu.memory_space<semaphore_mem>>
    tpu.enqueue_indirect_dma source(%dma_start3A_56 : memref<20000x32xf32, #tpu.memory_space<hbm>>) target(%dma_start3A_50 : memref<128x32xf32, #tpu.memory_space<vmem>>) offsets(%dma_start3A_53 : memref<128xi32, #tpu.memory_space<vmem>>) semaphore(%dma_start3A_58 : memref<!tpu.dma_semaphore, #tpu.memory_space<semaphore_mem>>)
    %mul3A = arith.constant 632 : i32
    %mul3A_59 = arith.muli %arg1, %mul3A : i32
    "tpu.region"() ({
      %run_scoped3A = tpu.sem_alloc : memref<!tpu.dma_semaphore, #tpu.memory_space<semaphore_mem>>
      %dma_start3A_70 = arith.constant 0 : i32
      %dma_start3A_71 = tpu.memref_slice %arg11[%mul3A_59, %dma_start3A_70] : memref<10112x32xf32, #tpu.memory_space<vmem_shared>> -> memref<632x32xf32, #tpu.memory_space<vmem_shared>>
      tpu.enqueue_dma source(%arg5 : memref<632x32xf32, #tpu.memory_space<hbm>>) target(%dma_start3A_71 : memref<632x32xf32, #tpu.memory_space<vmem_shared>>) target_semaphore(%run_scoped3A : memref<!tpu.dma_semaphore, #tpu.memory_space<semaphore_mem>>)
      %dma_wait3A = arith.constant 0 : i32
      %dma_wait3A_72 = tpu.memref_slice %arg11[%mul3A_59, %dma_wait3A] : memref<10112x32xf32, #tpu.memory_space<vmem_shared>> -> memref<632x32xf32, #tpu.memory_space<vmem_shared>>
      tpu.wait_dma2 semaphore(%run_scoped3A : memref<!tpu.dma_semaphore, #tpu.memory_space<semaphore_mem>>) src(%arg5 : memref<632x32xf32, #tpu.memory_space<hbm>>) dst(%dma_wait3A_72 : memref<632x32xf32, #tpu.memory_space<vmem_shared>>)
      tpu.yield
    }) : () -> ()
    %barrier3A = arith.constant 0 : index
    tpu.barrier barrier_id(%barrier3A)
    %scan3A = arith.constant 0 : i32
    %scan3A_60 = arith.constant 0 : i32
    %scan3A_61 = arith.constant 40 : i32
    %scan3A_62 = arith.addi %scan3A_60, %scan3A_61 : i32
    %scan3A_63 = arith.constant 1 : i32
    scf.for %scan3A_70 = %scan3A_60 to %scan3A_62 step %scan3A_63  : i32 {
      %mul3A_71 = arith.constant 4 : i32
      %mul3A_72 = arith.muli %scan3A_70, %mul3A_71 : i32
      %add3A = arith.constant 0 : i32
      %add3A_73 = arith.addi %mul3A_72, %add3A : i32
      %dma_wait3A = arith.constant 0 : i32
      %dma_wait3A_74 = arith.constant 0 : i32
      %dma_wait3A_75 = arith.constant 0 : i32
      %dma_wait3A_76 = arith.constant 0 : i32
      %dma_wait3A_77 = tpu.memref_slice %arg9[%dma_wait3A, %dma_wait3A_75, %dma_wait3A_76] : memref<4x128x32xf32, #tpu.memory_space<vmem>> -> memref<1x128x32xf32, #tpu.memory_space<vmem>>
      %dma_wait3A_78 = tpu.memref_squeeze %dma_wait3A_77 : memref<1x128x32xf32, #tpu.memory_space<vmem>> -> memref<128x32xf32, #tpu.memory_space<vmem>>
      %dma_wait3A_79 = arith.constant 0 : i32
      %dma_wait3A_80 = tpu.memref_slice %arg7[%add3A_73, %dma_wait3A_79] : memref<160x128xi32, #tpu.memory_space<vmem>> -> memref<1x128xi32, #tpu.memory_space<vmem>>
      %dma_wait3A_81 = tpu.memref_squeeze %dma_wait3A_80 : memref<1x128xi32, #tpu.memory_space<vmem>> -> memref<128xi32, #tpu.memory_space<vmem>>
      %dma_wait3A_82 = arith.constant 0 : i32
      %dma_wait3A_83 = arith.constant 0 : i32
      %dma_wait3A_84 = tpu.memref_slice %arg2[%dma_wait3A_82, %dma_wait3A_83] : memref<20000x32xf32, #tpu.memory_space<hbm>> -> memref<20000x32xf32, #tpu.memory_space<hbm>>
      %dma_wait3A_85 = tpu.memref_slice %arg10[%dma_wait3A_74] : memref<4x!tpu.dma_semaphore, #tpu.memory_space<semaphore_mem>> -> memref<1x!tpu.dma_semaphore, #tpu.memory_space<semaphore_mem>>
      %dma_wait3A_86 = tpu.memref_squeeze %dma_wait3A_85 : memref<1x!tpu.dma_semaphore, #tpu.memory_space<semaphore_mem>> -> memref<!tpu.dma_semaphore, #tpu.memory_space<semaphore_mem>>
      tpu.wait_indirect_dma semaphore(%dma_wait3A_86 : memref<!tpu.dma_semaphore, #tpu.memory_space<semaphore_mem>>) src(%dma_wait3A_84 : memref<20000x32xf32, #tpu.memory_space<hbm>>) dst(%dma_wait3A_78 : memref<128x32xf32, #tpu.memory_space<vmem>>)
      %run_scoped3A = arith.constant 0 : i32
      "tpu.region"() ({
        %run_scoped3A_161 = tpu.sem_alloc : memref<!tpu.dma_semaphore, #tpu.memory_space<semaphore_mem>>
        %dma_start3A_162 = arith.constant 0 : i32
        %dma_start3A_163 = arith.constant 0 : i32
        %dma_start3A_164 = tpu.memref_slice %arg9[%run_scoped3A, %dma_start3A_162, %dma_start3A_163] : memref<4x128x32xf32, #tpu.memory_space<vmem>> -> memref<1x128x32xf32, #tpu.memory_space<vmem>>
        %dma_start3A_165 = tpu.memref_squeeze %dma_start3A_164 : memref<1x128x32xf32, #tpu.memory_space<vmem>> -> memref<128x32xf32, #tpu.memory_space<vmem>>
        %dma_start3A_166 = arith.constant 0 : i32
        %dma_start3A_167 = tpu.memref_slice %arg8[%add3A_73, %dma_start3A_166] : memref<160x128xi32, #tpu.memory_space<vmem>> -> memref<1x128xi32, #tpu.memory_space<vmem>>
        %dma_start3A_168 = tpu.memref_squeeze %dma_start3A_167 : memref<1x128xi32, #tpu.memory_space<vmem>> -> memref<128xi32, #tpu.memory_space<vmem>>
        %dma_start3A_169 = arith.constant 0 : i32
        %dma_start3A_170 = arith.constant 0 : i32
        %dma_start3A_171 = tpu.memref_slice %arg11[%dma_start3A_169, %dma_start3A_170] : memref<10112x32xf32, #tpu.memory_space<vmem_shared>> -> memref<10112x32xf32, #tpu.memory_space<vmem_shared>>
        tpu.enqueue_indirect_dma source(%dma_start3A_165 : memref<128x32xf32, #tpu.memory_space<vmem>>) target(%dma_start3A_171 : memref<10112x32xf32, #tpu.memory_space<vmem_shared>>) offsets(%dma_start3A_168 : memref<128xi32, #tpu.memory_space<vmem>>) semaphore(%run_scoped3A_161 : memref<!tpu.dma_semaphore, #tpu.memory_space<semaphore_mem>>) {add = true}
        %dma_wait3A_172 = arith.constant 0 : i32
        %dma_wait3A_173 = arith.constant 0 : i32
        %dma_wait3A_174 = tpu.memref_slice %arg9[%run_scoped3A, %dma_wait3A_172, %dma_wait3A_173] : memref<4x128x32xf32, #tpu.memory_space<vmem>> -> memref<1x128x32xf32, #tpu.memory_space<vmem>>
        %dma_wait3A_175 = tpu.memref_squeeze %dma_wait3A_174 : memref<1x128x32xf32, #tpu.memory_space<vmem>> -> memref<128x32xf32, #tpu.memory_space<vmem>>
        %dma_wait3A_176 = arith.constant 0 : i32
        %dma_wait3A_177 = tpu.memref_slice %arg8[%add3A_73, %dma_wait3A_176] : memref<160x128xi32, #tpu.memory_space<vmem>> -> memref<1x128xi32, #tpu.memory_space<vmem>>
        %dma_wait3A_178 = tpu.memref_squeeze %dma_wait3A_177 : memref<1x128xi32, #tpu.memory_space<vmem>> -> memref<128xi32, #tpu.memory_space<vmem>>
        %dma_wait3A_179 = arith.constant 0 : i32
        %dma_wait3A_180 = arith.constant 0 : i32
        %dma_wait3A_181 = tpu.memref_slice %arg11[%dma_wait3A_179, %dma_wait3A_180] : memref<10112x32xf32, #tpu.memory_space<vmem_shared>> -> memref<10112x32xf32, #tpu.memory_space<vmem_shared>>
        tpu.wait_indirect_dma semaphore(%run_scoped3A_161 : memref<!tpu.dma_semaphore, #tpu.memory_space<semaphore_mem>>) src(%dma_wait3A_175 : memref<128x32xf32, #tpu.memory_space<vmem>>) dst(%dma_wait3A_181 : memref<10112x32xf32, #tpu.memory_space<vmem_shared>>)
        tpu.yield
      }) : () -> ()
      %lt3A = arith.constant 39 : i32
      %lt3A_87 = arith.cmpi slt, %scan3A_70, %lt3A : i32
      %convert_element_type3A = arith.extui %lt3A_87 : i1 to i32
      %cond3A = arith.constant 0 : i32
      %cond3A_88 = arith.cmpi ne, %convert_element_type3A, %cond3A : i32
      scf.if %cond3A_88 {
        %add3A_161 = arith.constant 4 : i32
        %add3A_162 = arith.addi %add3A_73, %add3A_161 : i32
        %dma_start3A_163 = arith.constant 0 : i32
        %dma_start3A_164 = arith.constant 0 : i32
        %dma_start3A_165 = arith.constant 0 : i32
        %dma_start3A_166 = arith.constant 0 : i32
        %dma_start3A_167 = tpu.memref_slice %arg9[%dma_start3A_163, %dma_start3A_165, %dma_start3A_166] : memref<4x128x32xf32, #tpu.memory_space<vmem>> -> memref<1x128x32xf32, #tpu.memory_space<vmem>>
        %dma_start3A_168 = tpu.memref_squeeze %dma_start3A_167 : memref<1x128x32xf32, #tpu.memory_space<vmem>> -> memref<128x32xf32, #tpu.memory_space<vmem>>
        %dma_start3A_169 = arith.constant 0 : i32
        %dma_start3A_170 = tpu.memref_slice %arg7[%add3A_162, %dma_start3A_169] : memref<160x128xi32, #tpu.memory_space<vmem>> -> memref<1x128xi32, #tpu.memory_space<vmem>>
        %dma_start3A_171 = tpu.memref_squeeze %dma_start3A_170 : memref<1x128xi32, #tpu.memory_space<vmem>> -> memref<128xi32, #tpu.memory_space<vmem>>
        %dma_start3A_172 = arith.constant 0 : i32
        %dma_start3A_173 = arith.constant 0 : i32
        %dma_start3A_174 = tpu.memref_slice %arg2[%dma_start3A_172, %dma_start3A_173] : memref<20000x32xf32, #tpu.memory_space<hbm>> -> memref<20000x32xf32, #tpu.memory_space<hbm>>
        %dma_start3A_175 = tpu.memref_slice %arg10[%dma_start3A_164] : memref<4x!tpu.dma_semaphore, #tpu.memory_space<semaphore_mem>> -> memref<1x!tpu.dma_semaphore, #tpu.memory_space<semaphore_mem>>
        %dma_start3A_176 = tpu.memref_squeeze %dma_start3A_175 : memref<1x!tpu.dma_semaphore, #tpu.memory_space<semaphore_mem>> -> memref<!tpu.dma_semaphore, #tpu.memory_space<semaphore_mem>>
        tpu.enqueue_indirect_dma source(%dma_start3A_174 : memref<20000x32xf32, #tpu.memory_space<hbm>>) target(%dma_start3A_168 : memref<128x32xf32, #tpu.memory_space<vmem>>) offsets(%dma_start3A_171 : memref<128xi32, #tpu.memory_space<vmem>>) semaphore(%dma_start3A_176 : memref<!tpu.dma_semaphore, #tpu.memory_space<semaphore_mem>>)
      } else {
      }
      %mul3A_89 = arith.constant 4 : i32
      %mul3A_90 = arith.muli %scan3A_70, %mul3A_89 : i32
      %add3A_91 = arith.constant 1 : i32
      %add3A_92 = arith.addi %mul3A_90, %add3A_91 : i32
      %dma_wait3A_93 = arith.constant 1 : i32
      %dma_wait3A_94 = arith.constant 1 : i32
      %dma_wait3A_95 = arith.constant 0 : i32
      %dma_wait3A_96 = arith.constant 0 : i32
      %dma_wait3A_97 = tpu.memref_slice %arg9[%dma_wait3A_93, %dma_wait3A_95, %dma_wait3A_96] : memref<4x128x32xf32, #tpu.memory_space<vmem>> -> memref<1x128x32xf32, #tpu.memory_space<vmem>>
      %dma_wait3A_98 = tpu.memref_squeeze %dma_wait3A_97 : memref<1x128x32xf32, #tpu.memory_space<vmem>> -> memref<128x32xf32, #tpu.memory_space<vmem>>
      %dma_wait3A_99 = arith.constant 0 : i32
      %dma_wait3A_100 = tpu.memref_slice %arg7[%add3A_92, %dma_wait3A_99] : memref<160x128xi32, #tpu.memory_space<vmem>> -> memref<1x128xi32, #tpu.memory_space<vmem>>
      %dma_wait3A_101 = tpu.memref_squeeze %dma_wait3A_100 : memref<1x128xi32, #tpu.memory_space<vmem>> -> memref<128xi32, #tpu.memory_space<vmem>>
      %dma_wait3A_102 = arith.constant 0 : i32
      %dma_wait3A_103 = arith.constant 0 : i32
      %dma_wait3A_104 = tpu.memref_slice %arg2[%dma_wait3A_102, %dma_wait3A_103] : memref<20000x32xf32, #tpu.memory_space<hbm>> -> memref<20000x32xf32, #tpu.memory_space<hbm>>
      %dma_wait3A_105 = tpu.memref_slice %arg10[%dma_wait3A_94] : memref<4x!tpu.dma_semaphore, #tpu.memory_space<semaphore_mem>> -> memref<1x!tpu.dma_semaphore, #tpu.memory_space<semaphore_mem>>
      %dma_wait3A_106 = tpu.memref_squeeze %dma_wait3A_105 : memref<1x!tpu.dma_semaphore, #tpu.memory_space<semaphore_mem>> -> memref<!tpu.dma_semaphore, #tpu.memory_space<semaphore_mem>>
      tpu.wait_indirect_dma semaphore(%dma_wait3A_106 : memref<!tpu.dma_semaphore, #tpu.memory_space<semaphore_mem>>) src(%dma_wait3A_104 : memref<20000x32xf32, #tpu.memory_space<hbm>>) dst(%dma_wait3A_98 : memref<128x32xf32, #tpu.memory_space<vmem>>)
      %run_scoped3A_107 = arith.constant 1 : i32
      "tpu.region"() ({
        %run_scoped3A_161 = tpu.sem_alloc : memref<!tpu.dma_semaphore, #tpu.memory_space<semaphore_mem>>
        %dma_start3A_162 = arith.constant 0 : i32
        %dma_start3A_163 = arith.constant 0 : i32
        %dma_start3A_164 = tpu.memref_slice %arg9[%run_scoped3A_107, %dma_start3A_162, %dma_start3A_163] : memref<4x128x32xf32, #tpu.memory_space<vmem>> -> memref<1x128x32xf32, #tpu.memory_space<vmem>>
        %dma_start3A_165 = tpu.memref_squeeze %dma_start3A_164 : memref<1x128x32xf32, #tpu.memory_space<vmem>> -> memref<128x32xf32, #tpu.memory_space<vmem>>
        %dma_start3A_166 = arith.constant 0 : i32
        %dma_start3A_167 = tpu.memref_slice %arg8[%add3A_92, %dma_start3A_166] : memref<160x128xi32, #tpu.memory_space<vmem>> -> memref<1x128xi32, #tpu.memory_space<vmem>>
        %dma_start3A_168 = tpu.memref_squeeze %dma_start3A_167 : memref<1x128xi32, #tpu.memory_space<vmem>> -> memref<128xi32, #tpu.memory_space<vmem>>
        %dma_start3A_169 = arith.constant 0 : i32
        %dma_start3A_170 = arith.constant 0 : i32
        %dma_start3A_171 = tpu.memref_slice %arg11[%dma_start3A_169, %dma_start3A_170] : memref<10112x32xf32, #tpu.memory_space<vmem_shared>> -> memref<10112x32xf32, #tpu.memory_space<vmem_shared>>
        tpu.enqueue_indirect_dma source(%dma_start3A_165 : memref<128x32xf32, #tpu.memory_space<vmem>>) target(%dma_start3A_171 : memref<10112x32xf32, #tpu.memory_space<vmem_shared>>) offsets(%dma_start3A_168 : memref<128xi32, #tpu.memory_space<vmem>>) semaphore(%run_scoped3A_161 : memref<!tpu.dma_semaphore, #tpu.memory_space<semaphore_mem>>) {add = true}
        %dma_wait3A_172 = arith.constant 0 : i32
        %dma_wait3A_173 = arith.constant 0 : i32
        %dma_wait3A_174 = tpu.memref_slice %arg9[%run_scoped3A_107, %dma_wait3A_172, %dma_wait3A_173] : memref<4x128x32xf32, #tpu.memory_space<vmem>> -> memref<1x128x32xf32, #tpu.memory_space<vmem>>
        %dma_wait3A_175 = tpu.memref_squeeze %dma_wait3A_174 : memref<1x128x32xf32, #tpu.memory_space<vmem>> -> memref<128x32xf32, #tpu.memory_space<vmem>>
        %dma_wait3A_176 = arith.constant 0 : i32
        %dma_wait3A_177 = tpu.memref_slice %arg8[%add3A_92, %dma_wait3A_176] : memref<160x128xi32, #tpu.memory_space<vmem>> -> memref<1x128xi32, #tpu.memory_space<vmem>>
        %dma_wait3A_178 = tpu.memref_squeeze %dma_wait3A_177 : memref<1x128xi32, #tpu.memory_space<vmem>> -> memref<128xi32, #tpu.memory_space<vmem>>
        %dma_wait3A_179 = arith.constant 0 : i32
        %dma_wait3A_180 = arith.constant 0 : i32
        %dma_wait3A_181 = tpu.memref_slice %arg11[%dma_wait3A_179, %dma_wait3A_180] : memref<10112x32xf32, #tpu.memory_space<vmem_shared>> -> memref<10112x32xf32, #tpu.memory_space<vmem_shared>>
        tpu.wait_indirect_dma semaphore(%run_scoped3A_161 : memref<!tpu.dma_semaphore, #tpu.memory_space<semaphore_mem>>) src(%dma_wait3A_175 : memref<128x32xf32, #tpu.memory_space<vmem>>) dst(%dma_wait3A_181 : memref<10112x32xf32, #tpu.memory_space<vmem_shared>>)
        tpu.yield
      }) : () -> ()
      %lt3A_108 = arith.constant 39 : i32
      %lt3A_109 = arith.cmpi slt, %scan3A_70, %lt3A_108 : i32
      %convert_element_type3A_110 = arith.extui %lt3A_109 : i1 to i32
      %cond3A_111 = arith.constant 0 : i32
      %cond3A_112 = arith.cmpi ne, %convert_element_type3A_110, %cond3A_111 : i32
      scf.if %cond3A_112 {
        %add3A_161 = arith.constant 4 : i32
        %add3A_162 = arith.addi %add3A_92, %add3A_161 : i32
        %dma_start3A_163 = arith.constant 1 : i32
        %dma_start3A_164 = arith.constant 1 : i32
        %dma_start3A_165 = arith.constant 0 : i32
        %dma_start3A_166 = arith.constant 0 : i32
        %dma_start3A_167 = tpu.memref_slice %arg9[%dma_start3A_163, %dma_start3A_165, %dma_start3A_166] : memref<4x128x32xf32, #tpu.memory_space<vmem>> -> memref<1x128x32xf32, #tpu.memory_space<vmem>>
        %dma_start3A_168 = tpu.memref_squeeze %dma_start3A_167 : memref<1x128x32xf32, #tpu.memory_space<vmem>> -> memref<128x32xf32, #tpu.memory_space<vmem>>
        %dma_start3A_169 = arith.constant 0 : i32
        %dma_start3A_170 = tpu.memref_slice %arg7[%add3A_162, %dma_start3A_169] : memref<160x128xi32, #tpu.memory_space<vmem>> -> memref<1x128xi32, #tpu.memory_space<vmem>>
        %dma_start3A_171 = tpu.memref_squeeze %dma_start3A_170 : memref<1x128xi32, #tpu.memory_space<vmem>> -> memref<128xi32, #tpu.memory_space<vmem>>
        %dma_start3A_172 = arith.constant 0 : i32
        %dma_start3A_173 = arith.constant 0 : i32
        %dma_start3A_174 = tpu.memref_slice %arg2[%dma_start3A_172, %dma_start3A_173] : memref<20000x32xf32, #tpu.memory_space<hbm>> -> memref<20000x32xf32, #tpu.memory_space<hbm>>
        %dma_start3A_175 = tpu.memref_slice %arg10[%dma_start3A_164] : memref<4x!tpu.dma_semaphore, #tpu.memory_space<semaphore_mem>> -> memref<1x!tpu.dma_semaphore, #tpu.memory_space<semaphore_mem>>
        %dma_start3A_176 = tpu.memref_squeeze %dma_start3A_175 : memref<1x!tpu.dma_semaphore, #tpu.memory_space<semaphore_mem>> -> memref<!tpu.dma_semaphore, #tpu.memory_space<semaphore_mem>>
        tpu.enqueue_indirect_dma source(%dma_start3A_174 : memref<20000x32xf32, #tpu.memory_space<hbm>>) target(%dma_start3A_168 : memref<128x32xf32, #tpu.memory_space<vmem>>) offsets(%dma_start3A_171 : memref<128xi32, #tpu.memory_space<vmem>>) semaphore(%dma_start3A_176 : memref<!tpu.dma_semaphore, #tpu.memory_space<semaphore_mem>>)
      } else {
      }
      %mul3A_113 = arith.constant 4 : i32
      %mul3A_114 = arith.muli %scan3A_70, %mul3A_113 : i32
      %add3A_115 = arith.constant 2 : i32
      %add3A_116 = arith.addi %mul3A_114, %add3A_115 : i32
      %dma_wait3A_117 = arith.constant 2 : i32
      %dma_wait3A_118 = arith.constant 2 : i32
      %dma_wait3A_119 = arith.constant 0 : i32
      %dma_wait3A_120 = arith.constant 0 : i32
      %dma_wait3A_121 = tpu.memref_slice %arg9[%dma_wait3A_117, %dma_wait3A_119, %dma_wait3A_120] : memref<4x128x32xf32, #tpu.memory_space<vmem>> -> memref<1x128x32xf32, #tpu.memory_space<vmem>>
      %dma_wait3A_122 = tpu.memref_squeeze %dma_wait3A_121 : memref<1x128x32xf32, #tpu.memory_space<vmem>> -> memref<128x32xf32, #tpu.memory_space<vmem>>
      %dma_wait3A_123 = arith.constant 0 : i32
      %dma_wait3A_124 = tpu.memref_slice %arg7[%add3A_116, %dma_wait3A_123] : memref<160x128xi32, #tpu.memory_space<vmem>> -> memref<1x128xi32, #tpu.memory_space<vmem>>
      %dma_wait3A_125 = tpu.memref_squeeze %dma_wait3A_124 : memref<1x128xi32, #tpu.memory_space<vmem>> -> memref<128xi32, #tpu.memory_space<vmem>>
      %dma_wait3A_126 = arith.constant 0 : i32
      %dma_wait3A_127 = arith.constant 0 : i32
      %dma_wait3A_128 = tpu.memref_slice %arg2[%dma_wait3A_126, %dma_wait3A_127] : memref<20000x32xf32, #tpu.memory_space<hbm>> -> memref<20000x32xf32, #tpu.memory_space<hbm>>
      %dma_wait3A_129 = tpu.memref_slice %arg10[%dma_wait3A_118] : memref<4x!tpu.dma_semaphore, #tpu.memory_space<semaphore_mem>> -> memref<1x!tpu.dma_semaphore, #tpu.memory_space<semaphore_mem>>
      %dma_wait3A_130 = tpu.memref_squeeze %dma_wait3A_129 : memref<1x!tpu.dma_semaphore, #tpu.memory_space<semaphore_mem>> -> memref<!tpu.dma_semaphore, #tpu.memory_space<semaphore_mem>>
      tpu.wait_indirect_dma semaphore(%dma_wait3A_130 : memref<!tpu.dma_semaphore, #tpu.memory_space<semaphore_mem>>) src(%dma_wait3A_128 : memref<20000x32xf32, #tpu.memory_space<hbm>>) dst(%dma_wait3A_122 : memref<128x32xf32, #tpu.memory_space<vmem>>)
      %run_scoped3A_131 = arith.constant 2 : i32
      "tpu.region"() ({
        %run_scoped3A_161 = tpu.sem_alloc : memref<!tpu.dma_semaphore, #tpu.memory_space<semaphore_mem>>
        %dma_start3A_162 = arith.constant 0 : i32
        %dma_start3A_163 = arith.constant 0 : i32
        %dma_start3A_164 = tpu.memref_slice %arg9[%run_scoped3A_131, %dma_start3A_162, %dma_start3A_163] : memref<4x128x32xf32, #tpu.memory_space<vmem>> -> memref<1x128x32xf32, #tpu.memory_space<vmem>>
        %dma_start3A_165 = tpu.memref_squeeze %dma_start3A_164 : memref<1x128x32xf32, #tpu.memory_space<vmem>> -> memref<128x32xf32, #tpu.memory_space<vmem>>
        %dma_start3A_166 = arith.constant 0 : i32
        %dma_start3A_167 = tpu.memref_slice %arg8[%add3A_116, %dma_start3A_166] : memref<160x128xi32, #tpu.memory_space<vmem>> -> memref<1x128xi32, #tpu.memory_space<vmem>>
        %dma_start3A_168 = tpu.memref_squeeze %dma_start3A_167 : memref<1x128xi32, #tpu.memory_space<vmem>> -> memref<128xi32, #tpu.memory_space<vmem>>
        %dma_start3A_169 = arith.constant 0 : i32
        %dma_start3A_170 = arith.constant 0 : i32
        %dma_start3A_171 = tpu.memref_slice %arg11[%dma_start3A_169, %dma_start3A_170] : memref<10112x32xf32, #tpu.memory_space<vmem_shared>> -> memref<10112x32xf32, #tpu.memory_space<vmem_shared>>
        tpu.enqueue_indirect_dma source(%dma_start3A_165 : memref<128x32xf32, #tpu.memory_space<vmem>>) target(%dma_start3A_171 : memref<10112x32xf32, #tpu.memory_space<vmem_shared>>) offsets(%dma_start3A_168 : memref<128xi32, #tpu.memory_space<vmem>>) semaphore(%run_scoped3A_161 : memref<!tpu.dma_semaphore, #tpu.memory_space<semaphore_mem>>) {add = true}
        %dma_wait3A_172 = arith.constant 0 : i32
        %dma_wait3A_173 = arith.constant 0 : i32
        %dma_wait3A_174 = tpu.memref_slice %arg9[%run_scoped3A_131, %dma_wait3A_172, %dma_wait3A_173] : memref<4x128x32xf32, #tpu.memory_space<vmem>> -> memref<1x128x32xf32, #tpu.memory_space<vmem>>
        %dma_wait3A_175 = tpu.memref_squeeze %dma_wait3A_174 : memref<1x128x32xf32, #tpu.memory_space<vmem>> -> memref<128x32xf32, #tpu.memory_space<vmem>>
        %dma_wait3A_176 = arith.constant 0 : i32
        %dma_wait3A_177 = tpu.memref_slice %arg8[%add3A_116, %dma_wait3A_176] : memref<160x128xi32, #tpu.memory_space<vmem>> -> memref<1x128xi32, #tpu.memory_space<vmem>>
        %dma_wait3A_178 = tpu.memref_squeeze %dma_wait3A_177 : memref<1x128xi32, #tpu.memory_space<vmem>> -> memref<128xi32, #tpu.memory_space<vmem>>
        %dma_wait3A_179 = arith.constant 0 : i32
        %dma_wait3A_180 = arith.constant 0 : i32
        %dma_wait3A_181 = tpu.memref_slice %arg11[%dma_wait3A_179, %dma_wait3A_180] : memref<10112x32xf32, #tpu.memory_space<vmem_shared>> -> memref<10112x32xf32, #tpu.memory_space<vmem_shared>>
        tpu.wait_indirect_dma semaphore(%run_scoped3A_161 : memref<!tpu.dma_semaphore, #tpu.memory_space<semaphore_mem>>) src(%dma_wait3A_175 : memref<128x32xf32, #tpu.memory_space<vmem>>) dst(%dma_wait3A_181 : memref<10112x32xf32, #tpu.memory_space<vmem_shared>>)
        tpu.yield
      }) : () -> ()
      %lt3A_132 = arith.constant 39 : i32
      %lt3A_133 = arith.cmpi slt, %scan3A_70, %lt3A_132 : i32
      %convert_element_type3A_134 = arith.extui %lt3A_133 : i1 to i32
      %cond3A_135 = arith.constant 0 : i32
      %cond3A_136 = arith.cmpi ne, %convert_element_type3A_134, %cond3A_135 : i32
      scf.if %cond3A_136 {
        %add3A_161 = arith.constant 4 : i32
        %add3A_162 = arith.addi %add3A_116, %add3A_161 : i32
        %dma_start3A_163 = arith.constant 2 : i32
        %dma_start3A_164 = arith.constant 2 : i32
        %dma_start3A_165 = arith.constant 0 : i32
        %dma_start3A_166 = arith.constant 0 : i32
        %dma_start3A_167 = tpu.memref_slice %arg9[%dma_start3A_163, %dma_start3A_165, %dma_start3A_166] : memref<4x128x32xf32, #tpu.memory_space<vmem>> -> memref<1x128x32xf32, #tpu.memory_space<vmem>>
        %dma_start3A_168 = tpu.memref_squeeze %dma_start3A_167 : memref<1x128x32xf32, #tpu.memory_space<vmem>> -> memref<128x32xf32, #tpu.memory_space<vmem>>
        %dma_start3A_169 = arith.constant 0 : i32
        %dma_start3A_170 = tpu.memref_slice %arg7[%add3A_162, %dma_start3A_169] : memref<160x128xi32, #tpu.memory_space<vmem>> -> memref<1x128xi32, #tpu.memory_space<vmem>>
        %dma_start3A_171 = tpu.memref_squeeze %dma_start3A_170 : memref<1x128xi32, #tpu.memory_space<vmem>> -> memref<128xi32, #tpu.memory_space<vmem>>
        %dma_start3A_172 = arith.constant 0 : i32
        %dma_start3A_173 = arith.constant 0 : i32
        %dma_start3A_174 = tpu.memref_slice %arg2[%dma_start3A_172, %dma_start3A_173] : memref<20000x32xf32, #tpu.memory_space<hbm>> -> memref<20000x32xf32, #tpu.memory_space<hbm>>
        %dma_start3A_175 = tpu.memref_slice %arg10[%dma_start3A_164] : memref<4x!tpu.dma_semaphore, #tpu.memory_space<semaphore_mem>> -> memref<1x!tpu.dma_semaphore, #tpu.memory_space<semaphore_mem>>
        %dma_start3A_176 = tpu.memref_squeeze %dma_start3A_175 : memref<1x!tpu.dma_semaphore, #tpu.memory_space<semaphore_mem>> -> memref<!tpu.dma_semaphore, #tpu.memory_space<semaphore_mem>>
        tpu.enqueue_indirect_dma source(%dma_start3A_174 : memref<20000x32xf32, #tpu.memory_space<hbm>>) target(%dma_start3A_168 : memref<128x32xf32, #tpu.memory_space<vmem>>) offsets(%dma_start3A_171 : memref<128xi32, #tpu.memory_space<vmem>>) semaphore(%dma_start3A_176 : memref<!tpu.dma_semaphore, #tpu.memory_space<semaphore_mem>>)
      } else {
      }
      %mul3A_137 = arith.constant 4 : i32
      %mul3A_138 = arith.muli %scan3A_70, %mul3A_137 : i32
      %add3A_139 = arith.constant 3 : i32
      %add3A_140 = arith.addi %mul3A_138, %add3A_139 : i32
      %dma_wait3A_141 = arith.constant 3 : i32
      %dma_wait3A_142 = arith.constant 3 : i32
      %dma_wait3A_143 = arith.constant 0 : i32
      %dma_wait3A_144 = arith.constant 0 : i32
      %dma_wait3A_145 = tpu.memref_slice %arg9[%dma_wait3A_141, %dma_wait3A_143, %dma_wait3A_144] : memref<4x128x32xf32, #tpu.memory_space<vmem>> -> memref<1x128x32xf32, #tpu.memory_space<vmem>>
      %dma_wait3A_146 = tpu.memref_squeeze %dma_wait3A_145 : memref<1x128x32xf32, #tpu.memory_space<vmem>> -> memref<128x32xf32, #tpu.memory_space<vmem>>
      %dma_wait3A_147 = arith.constant 0 : i32
      %dma_wait3A_148 = tpu.memref_slice %arg7[%add3A_140, %dma_wait3A_147] : memref<160x128xi32, #tpu.memory_space<vmem>> -> memref<1x128xi32, #tpu.memory_space<vmem>>
      %dma_wait3A_149 = tpu.memref_squeeze %dma_wait3A_148 : memref<1x128xi32, #tpu.memory_space<vmem>> -> memref<128xi32, #tpu.memory_space<vmem>>
      %dma_wait3A_150 = arith.constant 0 : i32
      %dma_wait3A_151 = arith.constant 0 : i32
      %dma_wait3A_152 = tpu.memref_slice %arg2[%dma_wait3A_150, %dma_wait3A_151] : memref<20000x32xf32, #tpu.memory_space<hbm>> -> memref<20000x32xf32, #tpu.memory_space<hbm>>
      %dma_wait3A_153 = tpu.memref_slice %arg10[%dma_wait3A_142] : memref<4x!tpu.dma_semaphore, #tpu.memory_space<semaphore_mem>> -> memref<1x!tpu.dma_semaphore, #tpu.memory_space<semaphore_mem>>
      %dma_wait3A_154 = tpu.memref_squeeze %dma_wait3A_153 : memref<1x!tpu.dma_semaphore, #tpu.memory_space<semaphore_mem>> -> memref<!tpu.dma_semaphore, #tpu.memory_space<semaphore_mem>>
      tpu.wait_indirect_dma semaphore(%dma_wait3A_154 : memref<!tpu.dma_semaphore, #tpu.memory_space<semaphore_mem>>) src(%dma_wait3A_152 : memref<20000x32xf32, #tpu.memory_space<hbm>>) dst(%dma_wait3A_146 : memref<128x32xf32, #tpu.memory_space<vmem>>)
      %run_scoped3A_155 = arith.constant 3 : i32
      "tpu.region"() ({
        %run_scoped3A_161 = tpu.sem_alloc : memref<!tpu.dma_semaphore, #tpu.memory_space<semaphore_mem>>
        %dma_start3A_162 = arith.constant 0 : i32
        %dma_start3A_163 = arith.constant 0 : i32
        %dma_start3A_164 = tpu.memref_slice %arg9[%run_scoped3A_155, %dma_start3A_162, %dma_start3A_163] : memref<4x128x32xf32, #tpu.memory_space<vmem>> -> memref<1x128x32xf32, #tpu.memory_space<vmem>>
        %dma_start3A_165 = tpu.memref_squeeze %dma_start3A_164 : memref<1x128x32xf32, #tpu.memory_space<vmem>> -> memref<128x32xf32, #tpu.memory_space<vmem>>
        %dma_start3A_166 = arith.constant 0 : i32
        %dma_start3A_167 = tpu.memref_slice %arg8[%add3A_140, %dma_start3A_166] : memref<160x128xi32, #tpu.memory_space<vmem>> -> memref<1x128xi32, #tpu.memory_space<vmem>>
        %dma_start3A_168 = tpu.memref_squeeze %dma_start3A_167 : memref<1x128xi32, #tpu.memory_space<vmem>> -> memref<128xi32, #tpu.memory_space<vmem>>
        %dma_start3A_169 = arith.constant 0 : i32
        %dma_start3A_170 = arith.constant 0 : i32
        %dma_start3A_171 = tpu.memref_slice %arg11[%dma_start3A_169, %dma_start3A_170] : memref<10112x32xf32, #tpu.memory_space<vmem_shared>> -> memref<10112x32xf32, #tpu.memory_space<vmem_shared>>
        tpu.enqueue_indirect_dma source(%dma_start3A_165 : memref<128x32xf32, #tpu.memory_space<vmem>>) target(%dma_start3A_171 : memref<10112x32xf32, #tpu.memory_space<vmem_shared>>) offsets(%dma_start3A_168 : memref<128xi32, #tpu.memory_space<vmem>>) semaphore(%run_scoped3A_161 : memref<!tpu.dma_semaphore, #tpu.memory_space<semaphore_mem>>) {add = true}
        %dma_wait3A_172 = arith.constant 0 : i32
        %dma_wait3A_173 = arith.constant 0 : i32
        %dma_wait3A_174 = tpu.memref_slice %arg9[%run_scoped3A_155, %dma_wait3A_172, %dma_wait3A_173] : memref<4x128x32xf32, #tpu.memory_space<vmem>> -> memref<1x128x32xf32, #tpu.memory_space<vmem>>
        %dma_wait3A_175 = tpu.memref_squeeze %dma_wait3A_174 : memref<1x128x32xf32, #tpu.memory_space<vmem>> -> memref<128x32xf32, #tpu.memory_space<vmem>>
        %dma_wait3A_176 = arith.constant 0 : i32
        %dma_wait3A_177 = tpu.memref_slice %arg8[%add3A_140, %dma_wait3A_176] : memref<160x128xi32, #tpu.memory_space<vmem>> -> memref<1x128xi32, #tpu.memory_space<vmem>>
        %dma_wait3A_178 = tpu.memref_squeeze %dma_wait3A_177 : memref<1x128xi32, #tpu.memory_space<vmem>> -> memref<128xi32, #tpu.memory_space<vmem>>
        %dma_wait3A_179 = arith.constant 0 : i32
        %dma_wait3A_180 = arith.constant 0 : i32
        %dma_wait3A_181 = tpu.memref_slice %arg11[%dma_wait3A_179, %dma_wait3A_180] : memref<10112x32xf32, #tpu.memory_space<vmem_shared>> -> memref<10112x32xf32, #tpu.memory_space<vmem_shared>>
        tpu.wait_indirect_dma semaphore(%run_scoped3A_161 : memref<!tpu.dma_semaphore, #tpu.memory_space<semaphore_mem>>) src(%dma_wait3A_175 : memref<128x32xf32, #tpu.memory_space<vmem>>) dst(%dma_wait3A_181 : memref<10112x32xf32, #tpu.memory_space<vmem_shared>>)
        tpu.yield
      }) : () -> ()
      %lt3A_156 = arith.constant 39 : i32
      %lt3A_157 = arith.cmpi slt, %scan3A_70, %lt3A_156 : i32
      %convert_element_type3A_158 = arith.extui %lt3A_157 : i1 to i32
      %cond3A_159 = arith.constant 0 : i32
      %cond3A_160 = arith.cmpi ne, %convert_element_type3A_158, %cond3A_159 : i32
      scf.if %cond3A_160 {
        %add3A_161 = arith.constant 4 : i32
        %add3A_162 = arith.addi %add3A_140, %add3A_161 : i32
        %dma_start3A_163 = arith.constant 3 : i32
        %dma_start3A_164 = arith.constant 3 : i32
        %dma_start3A_165 = arith.constant 0 : i32
        %dma_start3A_166 = arith.constant 0 : i32
        %dma_start3A_167 = tpu.memref_slice %arg9[%dma_start3A_163, %dma_start3A_165, %dma_start3A_166] : memref<4x128x32xf32, #tpu.memory_space<vmem>> -> memref<1x128x32xf32, #tpu.memory_space<vmem>>
        %dma_start3A_168 = tpu.memref_squeeze %dma_start3A_167 : memref<1x128x32xf32, #tpu.memory_space<vmem>> -> memref<128x32xf32, #tpu.memory_space<vmem>>
        %dma_start3A_169 = arith.constant 0 : i32
        %dma_start3A_170 = tpu.memref_slice %arg7[%add3A_162, %dma_start3A_169] : memref<160x128xi32, #tpu.memory_space<vmem>> -> memref<1x128xi32, #tpu.memory_space<vmem>>
        %dma_start3A_171 = tpu.memref_squeeze %dma_start3A_170 : memref<1x128xi32, #tpu.memory_space<vmem>> -> memref<128xi32, #tpu.memory_space<vmem>>
        %dma_start3A_172 = arith.constant 0 : i32
        %dma_start3A_173 = arith.constant 0 : i32
        %dma_start3A_174 = tpu.memref_slice %arg2[%dma_start3A_172, %dma_start3A_173] : memref<20000x32xf32, #tpu.memory_space<hbm>> -> memref<20000x32xf32, #tpu.memory_space<hbm>>
        %dma_start3A_175 = tpu.memref_slice %arg10[%dma_start3A_164] : memref<4x!tpu.dma_semaphore, #tpu.memory_space<semaphore_mem>> -> memref<1x!tpu.dma_semaphore, #tpu.memory_space<semaphore_mem>>
        %dma_start3A_176 = tpu.memref_squeeze %dma_start3A_175 : memref<1x!tpu.dma_semaphore, #tpu.memory_space<semaphore_mem>> -> memref<!tpu.dma_semaphore, #tpu.memory_space<semaphore_mem>>
        tpu.enqueue_indirect_dma source(%dma_start3A_174 : memref<20000x32xf32, #tpu.memory_space<hbm>>) target(%dma_start3A_168 : memref<128x32xf32, #tpu.memory_space<vmem>>) offsets(%dma_start3A_171 : memref<128xi32, #tpu.memory_space<vmem>>) semaphore(%dma_start3A_176 : memref<!tpu.dma_semaphore, #tpu.memory_space<semaphore_mem>>)
      } else {
      }
    }
    %scan3A_64 = arith.constant 40 : i32
    %barrier3A_65 = arith.constant 0 : index
    tpu.barrier barrier_id(%barrier3A_65)
    %mul3A_66 = arith.constant 632 : i32
    %mul3A_67 = arith.muli %arg1, %mul3A_66 : i32
    %mul3A_68 = arith.constant 632 : i32
    %mul3A_69 = arith.muli %arg1, %mul3A_68 : i32
    "tpu.region"() ({
      %run_scoped3A = tpu.sem_alloc : memref<!tpu.dma_semaphore, #tpu.memory_space<semaphore_mem>>
      %dma_start3A_70 = arith.constant 0 : i32
      %dma_start3A_71 = tpu.memref_slice %arg6[%arg0, %mul3A_69, %dma_start3A_70] : memref<2x10112x32xf32, #tpu.memory_space<hbm>> -> memref<1x632x32xf32, #tpu.memory_space<hbm>>
      %dma_start3A_72 = tpu.memref_squeeze %dma_start3A_71 : memref<1x632x32xf32, #tpu.memory_space<hbm>> -> memref<632x32xf32, #tpu.memory_space<hbm>>
      %dma_start3A_73 = arith.constant 0 : i32
      %dma_start3A_74 = tpu.memref_slice %arg11[%mul3A_67, %dma_start3A_73] : memref<10112x32xf32, #tpu.memory_space<vmem_shared>> -> memref<632x32xf32, #tpu.memory_space<vmem_shared>>
      tpu.enqueue_dma source(%dma_start3A_74 : memref<632x32xf32, #tpu.memory_space<vmem_shared>>) target(%dma_start3A_72 : memref<632x32xf32, #tpu.memory_space<hbm>>) target_semaphore(%run_scoped3A : memref<!tpu.dma_semaphore, #tpu.memory_space<semaphore_mem>>)
      %dma_wait3A = arith.constant 0 : i32
      %dma_wait3A_75 = tpu.memref_slice %arg6[%arg0, %mul3A_69, %dma_wait3A] : memref<2x10112x32xf32, #tpu.memory_space<hbm>> -> memref<1x632x32xf32, #tpu.memory_space<hbm>>
      %dma_wait3A_76 = tpu.memref_squeeze %dma_wait3A_75 : memref<1x632x32xf32, #tpu.memory_space<hbm>> -> memref<632x32xf32, #tpu.memory_space<hbm>>
      %dma_wait3A_77 = arith.constant 0 : i32
      %dma_wait3A_78 = tpu.memref_slice %arg11[%mul3A_67, %dma_wait3A_77] : memref<10112x32xf32, #tpu.memory_space<vmem_shared>> -> memref<632x32xf32, #tpu.memory_space<vmem_shared>>
      tpu.wait_dma2 semaphore(%run_scoped3A : memref<!tpu.dma_semaphore, #tpu.memory_space<semaphore_mem>>) src(%dma_wait3A_78 : memref<632x32xf32, #tpu.memory_space<vmem_shared>>) dst(%dma_wait3A_76 : memref<632x32xf32, #tpu.memory_space<hbm>>)
      tpu.yield
    }) : () -> ()
    return
  }
}

#map = affine_map<(d0, d1) -> (0, 0)>
#map1 = affine_map<(d0, d1) -> (0, 0, 0, 0)>
#map2 = affine_map<(d0, d1) -> (0, 0, 0)>
module attributes {stable_mosaic.version = 14 : i64} {
  func.func @_sc_agg_body(%arg0: i32, %arg1: i32, %arg2: memref<20000x32xf32, #tpu.memory_space<hbm>>, %arg3: memref<2x16x160x128xi32, #tpu.memory_space<hbm>>, %arg4: memref<16x160x128xi32, #tpu.memory_space<hbm>>, %arg5: memref<632x32xf32, #tpu.memory_space<hbm>>, %arg6: memref<2x10112x32xf32, #tpu.memory_space<hbm>>, %arg7: memref<160x128xi32, #tpu.memory_space<vmem>>, %arg8: memref<160x128xi32, #tpu.memory_space<vmem>>, %arg9: memref<4x128x32xf32, #tpu.memory_space<vmem>>, %arg10: memref<4x!tpu.dma_semaphore, #tpu.memory_space<semaphore_mem>>, %arg11: memref<10112x32xf32, #tpu.memory_space<vmem_shared>>) attributes {dimension_semantics = [#tpu.dimension_semantics<core_parallel>, #tpu.dimension_semantics<subcore_parallel>], iteration_bounds = array<i64: 2, 16>, scalar_prefetch = 0 : i64, scratch_operands = 5 : i64, tpu.core_type = #tpu.core_type<sc_vector_subcore>, window_params = [{transform_indices = #map}, {transform_indices = #map1}, {transform_indices = #map2}, {transform_indices = #map}, {transform_indices = #map2}]} {
    "tpu.region"() ({
      %run_scoped3A = tpu.sem_alloc : memref<!tpu.dma_semaphore, #tpu.memory_space<semaphore_mem>>
      %dma_start3A_70 = arith.constant 0 : i32
      %dma_start3A_71 = arith.constant 0 : i32
      %dma_start3A_72 = tpu.memref_slice %arg3[%arg0, %arg1, %dma_start3A_70, %dma_start3A_71] : memref<2x16x160x128xi32, #tpu.memory_space<hbm>> -> memref<1x1x160x128xi32, #tpu.memory_space<hbm>>
      %dma_start3A_73 = tpu.memref_squeeze %dma_start3A_72 : memref<1x1x160x128xi32, #tpu.memory_space<hbm>> -> memref<160x128xi32, #tpu.memory_space<hbm>>
      %dma_start3A_74 = arith.constant 0 : i32
      %dma_start3A_75 = arith.constant 0 : i32
      %dma_start3A_76 = tpu.memref_slice %arg3[%arg0, %arg1, %dma_start3A_74, %dma_start3A_75] : memref<2x16x160x128xi32, #tpu.memory_space<hbm>> -> memref<1x1x160x128xi32, #tpu.memory_space<hbm>>
      %dma_start3A_77 = tpu.memref_squeeze %dma_start3A_76 : memref<1x1x160x128xi32, #tpu.memory_space<hbm>> -> memref<160x128xi32, #tpu.memory_space<hbm>>
      tpu.enqueue_dma source(%dma_start3A_77 : memref<160x128xi32, #tpu.memory_space<hbm>>) target(%arg7 : memref<160x128xi32, #tpu.memory_space<vmem>>) target_semaphore(%run_scoped3A : memref<!tpu.dma_semaphore, #tpu.memory_space<semaphore_mem>>)
      %dma_wait3A = arith.constant 0 : i32
      %dma_wait3A_78 = arith.constant 0 : i32
      %dma_wait3A_79 = tpu.memref_slice %arg3[%arg0, %arg1, %dma_wait3A, %dma_wait3A_78] : memref<2x16x160x128xi32, #tpu.memory_space<hbm>> -> memref<1x1x160x128xi32, #tpu.memory_space<hbm>>
      %dma_wait3A_80 = tpu.memref_squeeze %dma_wait3A_79 : memref<1x1x160x128xi32, #tpu.memory_space<hbm>> -> memref<160x128xi32, #tpu.memory_space<hbm>>
      %dma_wait3A_81 = arith.constant 0 : i32
      %dma_wait3A_82 = arith.constant 0 : i32
      %dma_wait3A_83 = tpu.memref_slice %arg3[%arg0, %arg1, %dma_wait3A_81, %dma_wait3A_82] : memref<2x16x160x128xi32, #tpu.memory_space<hbm>> -> memref<1x1x160x128xi32, #tpu.memory_space<hbm>>
      %dma_wait3A_84 = tpu.memref_squeeze %dma_wait3A_83 : memref<1x1x160x128xi32, #tpu.memory_space<hbm>> -> memref<160x128xi32, #tpu.memory_space<hbm>>
      tpu.wait_dma2 semaphore(%run_scoped3A : memref<!tpu.dma_semaphore, #tpu.memory_space<semaphore_mem>>) src(%dma_wait3A_84 : memref<160x128xi32, #tpu.memory_space<hbm>>) dst(%arg7 : memref<160x128xi32, #tpu.memory_space<vmem>>)
      tpu.yield
    }) : () -> ()
    "tpu.region"() ({
      %run_scoped3A = tpu.sem_alloc : memref<!tpu.dma_semaphore, #tpu.memory_space<semaphore_mem>>
      %dma_start3A_70 = arith.constant 0 : i32
      %dma_start3A_71 = arith.constant 0 : i32
      %dma_start3A_72 = tpu.memref_slice %arg4[%arg1, %dma_start3A_70, %dma_start3A_71] : memref<16x160x128xi32, #tpu.memory_space<hbm>> -> memref<1x160x128xi32, #tpu.memory_space<hbm>>
      %dma_start3A_73 = tpu.memref_squeeze %dma_start3A_72 : memref<1x160x128xi32, #tpu.memory_space<hbm>> -> memref<160x128xi32, #tpu.memory_space<hbm>>
      %dma_start3A_74 = arith.constant 0 : i32
      %dma_start3A_75 = arith.constant 0 : i32
      %dma_start3A_76 = tpu.memref_slice %arg4[%arg1, %dma_start3A_74, %dma_start3A_75] : memref<16x160x128xi32, #tpu.memory_space<hbm>> -> memref<1x160x128xi32, #tpu.memory_space<hbm>>
      %dma_start3A_77 = tpu.memref_squeeze %dma_start3A_76 : memref<1x160x128xi32, #tpu.memory_space<hbm>> -> memref<160x128xi32, #tpu.memory_space<hbm>>
      tpu.enqueue_dma source(%dma_start3A_77 : memref<160x128xi32, #tpu.memory_space<hbm>>) target(%arg8 : memref<160x128xi32, #tpu.memory_space<vmem>>) target_semaphore(%run_scoped3A : memref<!tpu.dma_semaphore, #tpu.memory_space<semaphore_mem>>)
      %dma_wait3A = arith.constant 0 : i32
      %dma_wait3A_78 = arith.constant 0 : i32
      %dma_wait3A_79 = tpu.memref_slice %arg4[%arg1, %dma_wait3A, %dma_wait3A_78] : memref<16x160x128xi32, #tpu.memory_space<hbm>> -> memref<1x160x128xi32, #tpu.memory_space<hbm>>
      %dma_wait3A_80 = tpu.memref_squeeze %dma_wait3A_79 : memref<1x160x128xi32, #tpu.memory_space<hbm>> -> memref<160x128xi32, #tpu.memory_space<hbm>>
      %dma_wait3A_81 = arith.constant 0 : i32
      %dma_wait3A_82 = arith.constant 0 : i32
      %dma_wait3A_83 = tpu.memref_slice %arg4[%arg1, %dma_wait3A_81, %dma_wait3A_82] : memref<16x160x128xi32, #tpu.memory_space<hbm>> -> memref<1x160x128xi32, #tpu.memory_space<hbm>>
      %dma_wait3A_84 = tpu.memref_squeeze %dma_wait3A_83 : memref<1x160x128xi32, #tpu.memory_space<hbm>> -> memref<160x128xi32, #tpu.memory_space<hbm>>
      tpu.wait_dma2 semaphore(%run_scoped3A : memref<!tpu.dma_semaphore, #tpu.memory_space<semaphore_mem>>) src(%dma_wait3A_84 : memref<160x128xi32, #tpu.memory_space<hbm>>) dst(%arg8 : memref<160x128xi32, #tpu.memory_space<vmem>>)
      tpu.yield
    }) : () -> ()
    %dma_start3A = arith.constant 0 : i32
    %dma_start3A_0 = arith.constant 0 : i32
    %dma_start3A_1 = arith.constant 0 : i32
    %dma_start3A_2 = arith.constant 0 : i32
    %dma_start3A_3 = arith.constant 0 : i32
    %dma_start3A_4 = tpu.memref_slice %arg9[%dma_start3A_0, %dma_start3A_2, %dma_start3A_3] : memref<4x128x32xf32, #tpu.memory_space<vmem>> -> memref<1x128x32xf32, #tpu.memory_space<vmem>>
    %dma_start3A_5 = tpu.memref_squeeze %dma_start3A_4 : memref<1x128x32xf32, #tpu.memory_space<vmem>> -> memref<128x32xf32, #tpu.memory_space<vmem>>
    %dma_start3A_6 = arith.constant 0 : i32
    %dma_start3A_7 = tpu.memref_slice %arg7[%dma_start3A, %dma_start3A_6] : memref<160x128xi32, #tpu.memory_space<vmem>> -> memref<1x128xi32, #tpu.memory_space<vmem>>
    %dma_start3A_8 = tpu.memref_squeeze %dma_start3A_7 : memref<1x128xi32, #tpu.memory_space<vmem>> -> memref<128xi32, #tpu.memory_space<vmem>>
    %dma_start3A_9 = arith.constant 0 : i32
    %dma_start3A_10 = arith.constant 0 : i32
    %dma_start3A_11 = tpu.memref_slice %arg2[%dma_start3A_9, %dma_start3A_10] : memref<20000x32xf32, #tpu.memory_space<hbm>> -> memref<20000x32xf32, #tpu.memory_space<hbm>>
    %dma_start3A_12 = tpu.memref_slice %arg10[%dma_start3A_1] : memref<4x!tpu.dma_semaphore, #tpu.memory_space<semaphore_mem>> -> memref<1x!tpu.dma_semaphore, #tpu.memory_space<semaphore_mem>>
    %dma_start3A_13 = tpu.memref_squeeze %dma_start3A_12 : memref<1x!tpu.dma_semaphore, #tpu.memory_space<semaphore_mem>> -> memref<!tpu.dma_semaphore, #tpu.memory_space<semaphore_mem>>
    tpu.enqueue_indirect_dma source(%dma_start3A_11 : memref<20000x32xf32, #tpu.memory_space<hbm>>) target(%dma_start3A_5 : memref<128x32xf32, #tpu.memory_space<vmem>>) offsets(%dma_start3A_8 : memref<128xi32, #tpu.memory_space<vmem>>) semaphore(%dma_start3A_13 : memref<!tpu.dma_semaphore, #tpu.memory_space<semaphore_mem>>)
    %dma_start3A_14 = arith.constant 1 : i32
    %dma_start3A_15 = arith.constant 1 : i32
    %dma_start3A_16 = arith.constant 1 : i32
    %dma_start3A_17 = arith.constant 0 : i32
    %dma_start3A_18 = arith.constant 0 : i32
    %dma_start3A_19 = tpu.memref_slice %arg9[%dma_start3A_15, %dma_start3A_17, %dma_start3A_18] : memref<4x128x32xf32, #tpu.memory_space<vmem>> -> memref<1x128x32xf32, #tpu.memory_space<vmem>>
    %dma_start3A_20 = tpu.memref_squeeze %dma_start3A_19 : memref<1x128x32xf32, #tpu.memory_space<vmem>> -> memref<128x32xf32, #tpu.memory_space<vmem>>
    %dma_start3A_21 = arith.constant 0 : i32
    %dma_start3A_22 = tpu.memref_slice %arg7[%dma_start3A_14, %dma_start3A_21] : memref<160x128xi32, #tpu.memory_space<vmem>> -> memref<1x128xi32, #tpu.memory_space<vmem>>
    %dma_start3A_23 = tpu.memref_squeeze %dma_start3A_22 : memref<1x128xi32, #tpu.memory_space<vmem>> -> memref<128xi32, #tpu.memory_space<vmem>>
    %dma_start3A_24 = arith.constant 0 : i32
    %dma_start3A_25 = arith.constant 0 : i32
    %dma_start3A_26 = tpu.memref_slice %arg2[%dma_start3A_24, %dma_start3A_25] : memref<20000x32xf32, #tpu.memory_space<hbm>> -> memref<20000x32xf32, #tpu.memory_space<hbm>>
    %dma_start3A_27 = tpu.memref_slice %arg10[%dma_start3A_16] : memref<4x!tpu.dma_semaphore, #tpu.memory_space<semaphore_mem>> -> memref<1x!tpu.dma_semaphore, #tpu.memory_space<semaphore_mem>>
    %dma_start3A_28 = tpu.memref_squeeze %dma_start3A_27 : memref<1x!tpu.dma_semaphore, #tpu.memory_space<semaphore_mem>> -> memref<!tpu.dma_semaphore, #tpu.memory_space<semaphore_mem>>
    tpu.enqueue_indirect_dma source(%dma_start3A_26 : memref<20000x32xf32, #tpu.memory_space<hbm>>) target(%dma_start3A_20 : memref<128x32xf32, #tpu.memory_space<vmem>>) offsets(%dma_start3A_23 : memref<128xi32, #tpu.memory_space<vmem>>) semaphore(%dma_start3A_28 : memref<!tpu.dma_semaphore, #tpu.memory_space<semaphore_mem>>)
    %dma_start3A_29 = arith.constant 2 : i32
    %dma_start3A_30 = arith.constant 2 : i32
    %dma_start3A_31 = arith.constant 2 : i32
    %dma_start3A_32 = arith.constant 0 : i32
    %dma_start3A_33 = arith.constant 0 : i32
    %dma_start3A_34 = tpu.memref_slice %arg9[%dma_start3A_30, %dma_start3A_32, %dma_start3A_33] : memref<4x128x32xf32, #tpu.memory_space<vmem>> -> memref<1x128x32xf32, #tpu.memory_space<vmem>>
    %dma_start3A_35 = tpu.memref_squeeze %dma_start3A_34 : memref<1x128x32xf32, #tpu.memory_space<vmem>> -> memref<128x32xf32, #tpu.memory_space<vmem>>
    %dma_start3A_36 = arith.constant 0 : i32
    %dma_start3A_37 = tpu.memref_slice %arg7[%dma_start3A_29, %dma_start3A_36] : memref<160x128xi32, #tpu.memory_space<vmem>> -> memref<1x128xi32, #tpu.memory_space<vmem>>
    %dma_start3A_38 = tpu.memref_squeeze %dma_start3A_37 : memref<1x128xi32, #tpu.memory_space<vmem>> -> memref<128xi32, #tpu.memory_space<vmem>>
    %dma_start3A_39 = arith.constant 0 : i32
    %dma_start3A_40 = arith.constant 0 : i32
    %dma_start3A_41 = tpu.memref_slice %arg2[%dma_start3A_39, %dma_start3A_40] : memref<20000x32xf32, #tpu.memory_space<hbm>> -> memref<20000x32xf32, #tpu.memory_space<hbm>>
    %dma_start3A_42 = tpu.memref_slice %arg10[%dma_start3A_31] : memref<4x!tpu.dma_semaphore, #tpu.memory_space<semaphore_mem>> -> memref<1x!tpu.dma_semaphore, #tpu.memory_space<semaphore_mem>>
    %dma_start3A_43 = tpu.memref_squeeze %dma_start3A_42 : memref<1x!tpu.dma_semaphore, #tpu.memory_space<semaphore_mem>> -> memref<!tpu.dma_semaphore, #tpu.memory_space<semaphore_mem>>
    tpu.enqueue_indirect_dma source(%dma_start3A_41 : memref<20000x32xf32, #tpu.memory_space<hbm>>) target(%dma_start3A_35 : memref<128x32xf32, #tpu.memory_space<vmem>>) offsets(%dma_start3A_38 : memref<128xi32, #tpu.memory_space<vmem>>) semaphore(%dma_start3A_43 : memref<!tpu.dma_semaphore, #tpu.memory_space<semaphore_mem>>)
    %dma_start3A_44 = arith.constant 3 : i32
    %dma_start3A_45 = arith.constant 3 : i32
    %dma_start3A_46 = arith.constant 3 : i32
    %dma_start3A_47 = arith.constant 0 : i32
    %dma_start3A_48 = arith.constant 0 : i32
    %dma_start3A_49 = tpu.memref_slice %arg9[%dma_start3A_45, %dma_start3A_47, %dma_start3A_48] : memref<4x128x32xf32, #tpu.memory_space<vmem>> -> memref<1x128x32xf32, #tpu.memory_space<vmem>>
    %dma_start3A_50 = tpu.memref_squeeze %dma_start3A_49 : memref<1x128x32xf32, #tpu.memory_space<vmem>> -> memref<128x32xf32, #tpu.memory_space<vmem>>
    %dma_start3A_51 = arith.constant 0 : i32
    %dma_start3A_52 = tpu.memref_slice %arg7[%dma_start3A_44, %dma_start3A_51] : memref<160x128xi32, #tpu.memory_space<vmem>> -> memref<1x128xi32, #tpu.memory_space<vmem>>
    %dma_start3A_53 = tpu.memref_squeeze %dma_start3A_52 : memref<1x128xi32, #tpu.memory_space<vmem>> -> memref<128xi32, #tpu.memory_space<vmem>>
    %dma_start3A_54 = arith.constant 0 : i32
    %dma_start3A_55 = arith.constant 0 : i32
    %dma_start3A_56 = tpu.memref_slice %arg2[%dma_start3A_54, %dma_start3A_55] : memref<20000x32xf32, #tpu.memory_space<hbm>> -> memref<20000x32xf32, #tpu.memory_space<hbm>>
    %dma_start3A_57 = tpu.memref_slice %arg10[%dma_start3A_46] : memref<4x!tpu.dma_semaphore, #tpu.memory_space<semaphore_mem>> -> memref<1x!tpu.dma_semaphore, #tpu.memory_space<semaphore_mem>>
    %dma_start3A_58 = tpu.memref_squeeze %dma_start3A_57 : memref<1x!tpu.dma_semaphore, #tpu.memory_space<semaphore_mem>> -> memref<!tpu.dma_semaphore, #tpu.memory_space<semaphore_mem>>
    tpu.enqueue_indirect_dma source(%dma_start3A_56 : memref<20000x32xf32, #tpu.memory_space<hbm>>) target(%dma_start3A_50 : memref<128x32xf32, #tpu.memory_space<vmem>>) offsets(%dma_start3A_53 : memref<128xi32, #tpu.memory_space<vmem>>) semaphore(%dma_start3A_58 : memref<!tpu.dma_semaphore, #tpu.memory_space<semaphore_mem>>)
    %mul3A = arith.constant 632 : i32
    %mul3A_59 = arith.muli %arg1, %mul3A : i32
    "tpu.region"() ({
      %run_scoped3A = tpu.sem_alloc : memref<!tpu.dma_semaphore, #tpu.memory_space<semaphore_mem>>
      %dma_start3A_70 = arith.constant 0 : i32
      %dma_start3A_71 = tpu.memref_slice %arg11[%mul3A_59, %dma_start3A_70] : memref<10112x32xf32, #tpu.memory_space<vmem_shared>> -> memref<632x32xf32, #tpu.memory_space<vmem_shared>>
      tpu.enqueue_dma source(%arg5 : memref<632x32xf32, #tpu.memory_space<hbm>>) target(%dma_start3A_71 : memref<632x32xf32, #tpu.memory_space<vmem_shared>>) target_semaphore(%run_scoped3A : memref<!tpu.dma_semaphore, #tpu.memory_space<semaphore_mem>>)
      %dma_wait3A = arith.constant 0 : i32
      %dma_wait3A_72 = tpu.memref_slice %arg11[%mul3A_59, %dma_wait3A] : memref<10112x32xf32, #tpu.memory_space<vmem_shared>> -> memref<632x32xf32, #tpu.memory_space<vmem_shared>>
      tpu.wait_dma2 semaphore(%run_scoped3A : memref<!tpu.dma_semaphore, #tpu.memory_space<semaphore_mem>>) src(%arg5 : memref<632x32xf32, #tpu.memory_space<hbm>>) dst(%dma_wait3A_72 : memref<632x32xf32, #tpu.memory_space<vmem_shared>>)
      tpu.yield
    }) : () -> ()
    %barrier3A = arith.constant 0 : index
    tpu.barrier barrier_id(%barrier3A)
    %scan3A = arith.constant 0 : i32
    %scan3A_60 = arith.constant 0 : i32
    %scan3A_61 = arith.constant 40 : i32
    %scan3A_62 = arith.addi %scan3A_60, %scan3A_61 : i32
    %scan3A_63 = arith.constant 1 : i32
    scf.for %scan3A_70 = %scan3A_60 to %scan3A_62 step %scan3A_63  : i32 {
      %mul3A_71 = arith.constant 4 : i32
      %mul3A_72 = arith.muli %scan3A_70, %mul3A_71 : i32
      %add3A = arith.constant 0 : i32
      %add3A_73 = arith.addi %mul3A_72, %add3A : i32
      %dma_wait3A = arith.constant 0 : i32
      %dma_wait3A_74 = arith.constant 0 : i32
      %dma_wait3A_75 = arith.constant 0 : i32
      %dma_wait3A_76 = arith.constant 0 : i32
      %dma_wait3A_77 = tpu.memref_slice %arg9[%dma_wait3A, %dma_wait3A_75, %dma_wait3A_76] : memref<4x128x32xf32, #tpu.memory_space<vmem>> -> memref<1x128x32xf32, #tpu.memory_space<vmem>>
      %dma_wait3A_78 = tpu.memref_squeeze %dma_wait3A_77 : memref<1x128x32xf32, #tpu.memory_space<vmem>> -> memref<128x32xf32, #tpu.memory_space<vmem>>
      %dma_wait3A_79 = arith.constant 0 : i32
      %dma_wait3A_80 = tpu.memref_slice %arg7[%add3A_73, %dma_wait3A_79] : memref<160x128xi32, #tpu.memory_space<vmem>> -> memref<1x128xi32, #tpu.memory_space<vmem>>
      %dma_wait3A_81 = tpu.memref_squeeze %dma_wait3A_80 : memref<1x128xi32, #tpu.memory_space<vmem>> -> memref<128xi32, #tpu.memory_space<vmem>>
      %dma_wait3A_82 = arith.constant 0 : i32
      %dma_wait3A_83 = arith.constant 0 : i32
      %dma_wait3A_84 = tpu.memref_slice %arg2[%dma_wait3A_82, %dma_wait3A_83] : memref<20000x32xf32, #tpu.memory_space<hbm>> -> memref<20000x32xf32, #tpu.memory_space<hbm>>
      %dma_wait3A_85 = tpu.memref_slice %arg10[%dma_wait3A_74] : memref<4x!tpu.dma_semaphore, #tpu.memory_space<semaphore_mem>> -> memref<1x!tpu.dma_semaphore, #tpu.memory_space<semaphore_mem>>
      %dma_wait3A_86 = tpu.memref_squeeze %dma_wait3A_85 : memref<1x!tpu.dma_semaphore, #tpu.memory_space<semaphore_mem>> -> memref<!tpu.dma_semaphore, #tpu.memory_space<semaphore_mem>>
      tpu.wait_indirect_dma semaphore(%dma_wait3A_86 : memref<!tpu.dma_semaphore, #tpu.memory_space<semaphore_mem>>) src(%dma_wait3A_84 : memref<20000x32xf32, #tpu.memory_space<hbm>>) dst(%dma_wait3A_78 : memref<128x32xf32, #tpu.memory_space<vmem>>)
      %run_scoped3A = arith.constant 0 : i32
      "tpu.region"() ({
        %run_scoped3A_161 = tpu.sem_alloc : memref<!tpu.dma_semaphore, #tpu.memory_space<semaphore_mem>>
        %dma_start3A_162 = arith.constant 0 : i32
        %dma_start3A_163 = arith.constant 0 : i32
        %dma_start3A_164 = tpu.memref_slice %arg9[%run_scoped3A, %dma_start3A_162, %dma_start3A_163] : memref<4x128x32xf32, #tpu.memory_space<vmem>> -> memref<1x128x32xf32, #tpu.memory_space<vmem>>
        %dma_start3A_165 = tpu.memref_squeeze %dma_start3A_164 : memref<1x128x32xf32, #tpu.memory_space<vmem>> -> memref<128x32xf32, #tpu.memory_space<vmem>>
        %dma_start3A_166 = arith.constant 0 : i32
        %dma_start3A_167 = tpu.memref_slice %arg8[%add3A_73, %dma_start3A_166] : memref<160x128xi32, #tpu.memory_space<vmem>> -> memref<1x128xi32, #tpu.memory_space<vmem>>
        %dma_start3A_168 = tpu.memref_squeeze %dma_start3A_167 : memref<1x128xi32, #tpu.memory_space<vmem>> -> memref<128xi32, #tpu.memory_space<vmem>>
        %dma_start3A_169 = arith.constant 0 : i32
        %dma_start3A_170 = arith.constant 0 : i32
        %dma_start3A_171 = tpu.memref_slice %arg11[%dma_start3A_169, %dma_start3A_170] : memref<10112x32xf32, #tpu.memory_space<vmem_shared>> -> memref<10112x32xf32, #tpu.memory_space<vmem_shared>>
        tpu.enqueue_indirect_dma source(%dma_start3A_165 : memref<128x32xf32, #tpu.memory_space<vmem>>) target(%dma_start3A_171 : memref<10112x32xf32, #tpu.memory_space<vmem_shared>>) offsets(%dma_start3A_168 : memref<128xi32, #tpu.memory_space<vmem>>) semaphore(%run_scoped3A_161 : memref<!tpu.dma_semaphore, #tpu.memory_space<semaphore_mem>>) {add = true}
        %dma_wait3A_172 = arith.constant 0 : i32
        %dma_wait3A_173 = arith.constant 0 : i32
        %dma_wait3A_174 = tpu.memref_slice %arg9[%run_scoped3A, %dma_wait3A_172, %dma_wait3A_173] : memref<4x128x32xf32, #tpu.memory_space<vmem>> -> memref<1x128x32xf32, #tpu.memory_space<vmem>>
        %dma_wait3A_175 = tpu.memref_squeeze %dma_wait3A_174 : memref<1x128x32xf32, #tpu.memory_space<vmem>> -> memref<128x32xf32, #tpu.memory_space<vmem>>
        %dma_wait3A_176 = arith.constant 0 : i32
        %dma_wait3A_177 = tpu.memref_slice %arg8[%add3A_73, %dma_wait3A_176] : memref<160x128xi32, #tpu.memory_space<vmem>> -> memref<1x128xi32, #tpu.memory_space<vmem>>
        %dma_wait3A_178 = tpu.memref_squeeze %dma_wait3A_177 : memref<1x128xi32, #tpu.memory_space<vmem>> -> memref<128xi32, #tpu.memory_space<vmem>>
        %dma_wait3A_179 = arith.constant 0 : i32
        %dma_wait3A_180 = arith.constant 0 : i32
        %dma_wait3A_181 = tpu.memref_slice %arg11[%dma_wait3A_179, %dma_wait3A_180] : memref<10112x32xf32, #tpu.memory_space<vmem_shared>> -> memref<10112x32xf32, #tpu.memory_space<vmem_shared>>
        tpu.wait_indirect_dma semaphore(%run_scoped3A_161 : memref<!tpu.dma_semaphore, #tpu.memory_space<semaphore_mem>>) src(%dma_wait3A_175 : memref<128x32xf32, #tpu.memory_space<vmem>>) dst(%dma_wait3A_181 : memref<10112x32xf32, #tpu.memory_space<vmem_shared>>)
        tpu.yield
      }) : () -> ()
      %lt3A = arith.constant 39 : i32
      %lt3A_87 = arith.cmpi slt, %scan3A_70, %lt3A : i32
      %convert_element_type3A = arith.extui %lt3A_87 : i1 to i32
      %cond3A = arith.constant 0 : i32
      %cond3A_88 = arith.cmpi ne, %convert_element_type3A, %cond3A : i32
      scf.if %cond3A_88 {
        %add3A_161 = arith.constant 4 : i32
        %add3A_162 = arith.addi %add3A_73, %add3A_161 : i32
        %dma_start3A_163 = arith.constant 0 : i32
        %dma_start3A_164 = arith.constant 0 : i32
        %dma_start3A_165 = arith.constant 0 : i32
        %dma_start3A_166 = arith.constant 0 : i32
        %dma_start3A_167 = tpu.memref_slice %arg9[%dma_start3A_163, %dma_start3A_165, %dma_start3A_166] : memref<4x128x32xf32, #tpu.memory_space<vmem>> -> memref<1x128x32xf32, #tpu.memory_space<vmem>>
        %dma_start3A_168 = tpu.memref_squeeze %dma_start3A_167 : memref<1x128x32xf32, #tpu.memory_space<vmem>> -> memref<128x32xf32, #tpu.memory_space<vmem>>
        %dma_start3A_169 = arith.constant 0 : i32
        %dma_start3A_170 = tpu.memref_slice %arg7[%add3A_162, %dma_start3A_169] : memref<160x128xi32, #tpu.memory_space<vmem>> -> memref<1x128xi32, #tpu.memory_space<vmem>>
        %dma_start3A_171 = tpu.memref_squeeze %dma_start3A_170 : memref<1x128xi32, #tpu.memory_space<vmem>> -> memref<128xi32, #tpu.memory_space<vmem>>
        %dma_start3A_172 = arith.constant 0 : i32
        %dma_start3A_173 = arith.constant 0 : i32
        %dma_start3A_174 = tpu.memref_slice %arg2[%dma_start3A_172, %dma_start3A_173] : memref<20000x32xf32, #tpu.memory_space<hbm>> -> memref<20000x32xf32, #tpu.memory_space<hbm>>
        %dma_start3A_175 = tpu.memref_slice %arg10[%dma_start3A_164] : memref<4x!tpu.dma_semaphore, #tpu.memory_space<semaphore_mem>> -> memref<1x!tpu.dma_semaphore, #tpu.memory_space<semaphore_mem>>
        %dma_start3A_176 = tpu.memref_squeeze %dma_start3A_175 : memref<1x!tpu.dma_semaphore, #tpu.memory_space<semaphore_mem>> -> memref<!tpu.dma_semaphore, #tpu.memory_space<semaphore_mem>>
        tpu.enqueue_indirect_dma source(%dma_start3A_174 : memref<20000x32xf32, #tpu.memory_space<hbm>>) target(%dma_start3A_168 : memref<128x32xf32, #tpu.memory_space<vmem>>) offsets(%dma_start3A_171 : memref<128xi32, #tpu.memory_space<vmem>>) semaphore(%dma_start3A_176 : memref<!tpu.dma_semaphore, #tpu.memory_space<semaphore_mem>>)
      } else {
      }
      %mul3A_89 = arith.constant 4 : i32
      %mul3A_90 = arith.muli %scan3A_70, %mul3A_89 : i32
      %add3A_91 = arith.constant 1 : i32
      %add3A_92 = arith.addi %mul3A_90, %add3A_91 : i32
      %dma_wait3A_93 = arith.constant 1 : i32
      %dma_wait3A_94 = arith.constant 1 : i32
      %dma_wait3A_95 = arith.constant 0 : i32
      %dma_wait3A_96 = arith.constant 0 : i32
      %dma_wait3A_97 = tpu.memref_slice %arg9[%dma_wait3A_93, %dma_wait3A_95, %dma_wait3A_96] : memref<4x128x32xf32, #tpu.memory_space<vmem>> -> memref<1x128x32xf32, #tpu.memory_space<vmem>>
      %dma_wait3A_98 = tpu.memref_squeeze %dma_wait3A_97 : memref<1x128x32xf32, #tpu.memory_space<vmem>> -> memref<128x32xf32, #tpu.memory_space<vmem>>
      %dma_wait3A_99 = arith.constant 0 : i32
      %dma_wait3A_100 = tpu.memref_slice %arg7[%add3A_92, %dma_wait3A_99] : memref<160x128xi32, #tpu.memory_space<vmem>> -> memref<1x128xi32, #tpu.memory_space<vmem>>
      %dma_wait3A_101 = tpu.memref_squeeze %dma_wait3A_100 : memref<1x128xi32, #tpu.memory_space<vmem>> -> memref<128xi32, #tpu.memory_space<vmem>>
      %dma_wait3A_102 = arith.constant 0 : i32
      %dma_wait3A_103 = arith.constant 0 : i32
      %dma_wait3A_104 = tpu.memref_slice %arg2[%dma_wait3A_102, %dma_wait3A_103] : memref<20000x32xf32, #tpu.memory_space<hbm>> -> memref<20000x32xf32, #tpu.memory_space<hbm>>
      %dma_wait3A_105 = tpu.memref_slice %arg10[%dma_wait3A_94] : memref<4x!tpu.dma_semaphore, #tpu.memory_space<semaphore_mem>> -> memref<1x!tpu.dma_semaphore, #tpu.memory_space<semaphore_mem>>
      %dma_wait3A_106 = tpu.memref_squeeze %dma_wait3A_105 : memref<1x!tpu.dma_semaphore, #tpu.memory_space<semaphore_mem>> -> memref<!tpu.dma_semaphore, #tpu.memory_space<semaphore_mem>>
      tpu.wait_indirect_dma semaphore(%dma_wait3A_106 : memref<!tpu.dma_semaphore, #tpu.memory_space<semaphore_mem>>) src(%dma_wait3A_104 : memref<20000x32xf32, #tpu.memory_space<hbm>>) dst(%dma_wait3A_98 : memref<128x32xf32, #tpu.memory_space<vmem>>)
      %run_scoped3A_107 = arith.constant 1 : i32
      "tpu.region"() ({
        %run_scoped3A_161 = tpu.sem_alloc : memref<!tpu.dma_semaphore, #tpu.memory_space<semaphore_mem>>
        %dma_start3A_162 = arith.constant 0 : i32
        %dma_start3A_163 = arith.constant 0 : i32
        %dma_start3A_164 = tpu.memref_slice %arg9[%run_scoped3A_107, %dma_start3A_162, %dma_start3A_163] : memref<4x128x32xf32, #tpu.memory_space<vmem>> -> memref<1x128x32xf32, #tpu.memory_space<vmem>>
        %dma_start3A_165 = tpu.memref_squeeze %dma_start3A_164 : memref<1x128x32xf32, #tpu.memory_space<vmem>> -> memref<128x32xf32, #tpu.memory_space<vmem>>
        %dma_start3A_166 = arith.constant 0 : i32
        %dma_start3A_167 = tpu.memref_slice %arg8[%add3A_92, %dma_start3A_166] : memref<160x128xi32, #tpu.memory_space<vmem>> -> memref<1x128xi32, #tpu.memory_space<vmem>>
        %dma_start3A_168 = tpu.memref_squeeze %dma_start3A_167 : memref<1x128xi32, #tpu.memory_space<vmem>> -> memref<128xi32, #tpu.memory_space<vmem>>
        %dma_start3A_169 = arith.constant 0 : i32
        %dma_start3A_170 = arith.constant 0 : i32
        %dma_start3A_171 = tpu.memref_slice %arg11[%dma_start3A_169, %dma_start3A_170] : memref<10112x32xf32, #tpu.memory_space<vmem_shared>> -> memref<10112x32xf32, #tpu.memory_space<vmem_shared>>
        tpu.enqueue_indirect_dma source(%dma_start3A_165 : memref<128x32xf32, #tpu.memory_space<vmem>>) target(%dma_start3A_171 : memref<10112x32xf32, #tpu.memory_space<vmem_shared>>) offsets(%dma_start3A_168 : memref<128xi32, #tpu.memory_space<vmem>>) semaphore(%run_scoped3A_161 : memref<!tpu.dma_semaphore, #tpu.memory_space<semaphore_mem>>) {add = true}
        %dma_wait3A_172 = arith.constant 0 : i32
        %dma_wait3A_173 = arith.constant 0 : i32
        %dma_wait3A_174 = tpu.memref_slice %arg9[%run_scoped3A_107, %dma_wait3A_172, %dma_wait3A_173] : memref<4x128x32xf32, #tpu.memory_space<vmem>> -> memref<1x128x32xf32, #tpu.memory_space<vmem>>
        %dma_wait3A_175 = tpu.memref_squeeze %dma_wait3A_174 : memref<1x128x32xf32, #tpu.memory_space<vmem>> -> memref<128x32xf32, #tpu.memory_space<vmem>>
        %dma_wait3A_176 = arith.constant 0 : i32
        %dma_wait3A_177 = tpu.memref_slice %arg8[%add3A_92, %dma_wait3A_176] : memref<160x128xi32, #tpu.memory_space<vmem>> -> memref<1x128xi32, #tpu.memory_space<vmem>>
        %dma_wait3A_178 = tpu.memref_squeeze %dma_wait3A_177 : memref<1x128xi32, #tpu.memory_space<vmem>> -> memref<128xi32, #tpu.memory_space<vmem>>
        %dma_wait3A_179 = arith.constant 0 : i32
        %dma_wait3A_180 = arith.constant 0 : i32
        %dma_wait3A_181 = tpu.memref_slice %arg11[%dma_wait3A_179, %dma_wait3A_180] : memref<10112x32xf32, #tpu.memory_space<vmem_shared>> -> memref<10112x32xf32, #tpu.memory_space<vmem_shared>>
        tpu.wait_indirect_dma semaphore(%run_scoped3A_161 : memref<!tpu.dma_semaphore, #tpu.memory_space<semaphore_mem>>) src(%dma_wait3A_175 : memref<128x32xf32, #tpu.memory_space<vmem>>) dst(%dma_wait3A_181 : memref<10112x32xf32, #tpu.memory_space<vmem_shared>>)
        tpu.yield
      }) : () -> ()
      %lt3A_108 = arith.constant 39 : i32
      %lt3A_109 = arith.cmpi slt, %scan3A_70, %lt3A_108 : i32
      %convert_element_type3A_110 = arith.extui %lt3A_109 : i1 to i32
      %cond3A_111 = arith.constant 0 : i32
      %cond3A_112 = arith.cmpi ne, %convert_element_type3A_110, %cond3A_111 : i32
      scf.if %cond3A_112 {
        %add3A_161 = arith.constant 4 : i32
        %add3A_162 = arith.addi %add3A_92, %add3A_161 : i32
        %dma_start3A_163 = arith.constant 1 : i32
        %dma_start3A_164 = arith.constant 1 : i32
        %dma_start3A_165 = arith.constant 0 : i32
        %dma_start3A_166 = arith.constant 0 : i32
        %dma_start3A_167 = tpu.memref_slice %arg9[%dma_start3A_163, %dma_start3A_165, %dma_start3A_166] : memref<4x128x32xf32, #tpu.memory_space<vmem>> -> memref<1x128x32xf32, #tpu.memory_space<vmem>>
        %dma_start3A_168 = tpu.memref_squeeze %dma_start3A_167 : memref<1x128x32xf32, #tpu.memory_space<vmem>> -> memref<128x32xf32, #tpu.memory_space<vmem>>
        %dma_start3A_169 = arith.constant 0 : i32
        %dma_start3A_170 = tpu.memref_slice %arg7[%add3A_162, %dma_start3A_169] : memref<160x128xi32, #tpu.memory_space<vmem>> -> memref<1x128xi32, #tpu.memory_space<vmem>>
        %dma_start3A_171 = tpu.memref_squeeze %dma_start3A_170 : memref<1x128xi32, #tpu.memory_space<vmem>> -> memref<128xi32, #tpu.memory_space<vmem>>
        %dma_start3A_172 = arith.constant 0 : i32
        %dma_start3A_173 = arith.constant 0 : i32
        %dma_start3A_174 = tpu.memref_slice %arg2[%dma_start3A_172, %dma_start3A_173] : memref<20000x32xf32, #tpu.memory_space<hbm>> -> memref<20000x32xf32, #tpu.memory_space<hbm>>
        %dma_start3A_175 = tpu.memref_slice %arg10[%dma_start3A_164] : memref<4x!tpu.dma_semaphore, #tpu.memory_space<semaphore_mem>> -> memref<1x!tpu.dma_semaphore, #tpu.memory_space<semaphore_mem>>
        %dma_start3A_176 = tpu.memref_squeeze %dma_start3A_175 : memref<1x!tpu.dma_semaphore, #tpu.memory_space<semaphore_mem>> -> memref<!tpu.dma_semaphore, #tpu.memory_space<semaphore_mem>>
        tpu.enqueue_indirect_dma source(%dma_start3A_174 : memref<20000x32xf32, #tpu.memory_space<hbm>>) target(%dma_start3A_168 : memref<128x32xf32, #tpu.memory_space<vmem>>) offsets(%dma_start3A_171 : memref<128xi32, #tpu.memory_space<vmem>>) semaphore(%dma_start3A_176 : memref<!tpu.dma_semaphore, #tpu.memory_space<semaphore_mem>>)
      } else {
      }
      %mul3A_113 = arith.constant 4 : i32
      %mul3A_114 = arith.muli %scan3A_70, %mul3A_113 : i32
      %add3A_115 = arith.constant 2 : i32
      %add3A_116 = arith.addi %mul3A_114, %add3A_115 : i32
      %dma_wait3A_117 = arith.constant 2 : i32
      %dma_wait3A_118 = arith.constant 2 : i32
      %dma_wait3A_119 = arith.constant 0 : i32
      %dma_wait3A_120 = arith.constant 0 : i32
      %dma_wait3A_121 = tpu.memref_slice %arg9[%dma_wait3A_117, %dma_wait3A_119, %dma_wait3A_120] : memref<4x128x32xf32, #tpu.memory_space<vmem>> -> memref<1x128x32xf32, #tpu.memory_space<vmem>>
      %dma_wait3A_122 = tpu.memref_squeeze %dma_wait3A_121 : memref<1x128x32xf32, #tpu.memory_space<vmem>> -> memref<128x32xf32, #tpu.memory_space<vmem>>
      %dma_wait3A_123 = arith.constant 0 : i32
      %dma_wait3A_124 = tpu.memref_slice %arg7[%add3A_116, %dma_wait3A_123] : memref<160x128xi32, #tpu.memory_space<vmem>> -> memref<1x128xi32, #tpu.memory_space<vmem>>
      %dma_wait3A_125 = tpu.memref_squeeze %dma_wait3A_124 : memref<1x128xi32, #tpu.memory_space<vmem>> -> memref<128xi32, #tpu.memory_space<vmem>>
      %dma_wait3A_126 = arith.constant 0 : i32
      %dma_wait3A_127 = arith.constant 0 : i32
      %dma_wait3A_128 = tpu.memref_slice %arg2[%dma_wait3A_126, %dma_wait3A_127] : memref<20000x32xf32, #tpu.memory_space<hbm>> -> memref<20000x32xf32, #tpu.memory_space<hbm>>
      %dma_wait3A_129 = tpu.memref_slice %arg10[%dma_wait3A_118] : memref<4x!tpu.dma_semaphore, #tpu.memory_space<semaphore_mem>> -> memref<1x!tpu.dma_semaphore, #tpu.memory_space<semaphore_mem>>
      %dma_wait3A_130 = tpu.memref_squeeze %dma_wait3A_129 : memref<1x!tpu.dma_semaphore, #tpu.memory_space<semaphore_mem>> -> memref<!tpu.dma_semaphore, #tpu.memory_space<semaphore_mem>>
      tpu.wait_indirect_dma semaphore(%dma_wait3A_130 : memref<!tpu.dma_semaphore, #tpu.memory_space<semaphore_mem>>) src(%dma_wait3A_128 : memref<20000x32xf32, #tpu.memory_space<hbm>>) dst(%dma_wait3A_122 : memref<128x32xf32, #tpu.memory_space<vmem>>)
      %run_scoped3A_131 = arith.constant 2 : i32
      "tpu.region"() ({
        %run_scoped3A_161 = tpu.sem_alloc : memref<!tpu.dma_semaphore, #tpu.memory_space<semaphore_mem>>
        %dma_start3A_162 = arith.constant 0 : i32
        %dma_start3A_163 = arith.constant 0 : i32
        %dma_start3A_164 = tpu.memref_slice %arg9[%run_scoped3A_131, %dma_start3A_162, %dma_start3A_163] : memref<4x128x32xf32, #tpu.memory_space<vmem>> -> memref<1x128x32xf32, #tpu.memory_space<vmem>>
        %dma_start3A_165 = tpu.memref_squeeze %dma_start3A_164 : memref<1x128x32xf32, #tpu.memory_space<vmem>> -> memref<128x32xf32, #tpu.memory_space<vmem>>
        %dma_start3A_166 = arith.constant 0 : i32
        %dma_start3A_167 = tpu.memref_slice %arg8[%add3A_116, %dma_start3A_166] : memref<160x128xi32, #tpu.memory_space<vmem>> -> memref<1x128xi32, #tpu.memory_space<vmem>>
        %dma_start3A_168 = tpu.memref_squeeze %dma_start3A_167 : memref<1x128xi32, #tpu.memory_space<vmem>> -> memref<128xi32, #tpu.memory_space<vmem>>
        %dma_start3A_169 = arith.constant 0 : i32
        %dma_start3A_170 = arith.constant 0 : i32
        %dma_start3A_171 = tpu.memref_slice %arg11[%dma_start3A_169, %dma_start3A_170] : memref<10112x32xf32, #tpu.memory_space<vmem_shared>> -> memref<10112x32xf32, #tpu.memory_space<vmem_shared>>
        tpu.enqueue_indirect_dma source(%dma_start3A_165 : memref<128x32xf32, #tpu.memory_space<vmem>>) target(%dma_start3A_171 : memref<10112x32xf32, #tpu.memory_space<vmem_shared>>) offsets(%dma_start3A_168 : memref<128xi32, #tpu.memory_space<vmem>>) semaphore(%run_scoped3A_161 : memref<!tpu.dma_semaphore, #tpu.memory_space<semaphore_mem>>) {add = true}
        %dma_wait3A_172 = arith.constant 0 : i32
        %dma_wait3A_173 = arith.constant 0 : i32
        %dma_wait3A_174 = tpu.memref_slice %arg9[%run_scoped3A_131, %dma_wait3A_172, %dma_wait3A_173] : memref<4x128x32xf32, #tpu.memory_space<vmem>> -> memref<1x128x32xf32, #tpu.memory_space<vmem>>
        %dma_wait3A_175 = tpu.memref_squeeze %dma_wait3A_174 : memref<1x128x32xf32, #tpu.memory_space<vmem>> -> memref<128x32xf32, #tpu.memory_space<vmem>>
        %dma_wait3A_176 = arith.constant 0 : i32
        %dma_wait3A_177 = tpu.memref_slice %arg8[%add3A_116, %dma_wait3A_176] : memref<160x128xi32, #tpu.memory_space<vmem>> -> memref<1x128xi32, #tpu.memory_space<vmem>>
        %dma_wait3A_178 = tpu.memref_squeeze %dma_wait3A_177 : memref<1x128xi32, #tpu.memory_space<vmem>> -> memref<128xi32, #tpu.memory_space<vmem>>
        %dma_wait3A_179 = arith.constant 0 : i32
        %dma_wait3A_180 = arith.constant 0 : i32
        %dma_wait3A_181 = tpu.memref_slice %arg11[%dma_wait3A_179, %dma_wait3A_180] : memref<10112x32xf32, #tpu.memory_space<vmem_shared>> -> memref<10112x32xf32, #tpu.memory_space<vmem_shared>>
        tpu.wait_indirect_dma semaphore(%run_scoped3A_161 : memref<!tpu.dma_semaphore, #tpu.memory_space<semaphore_mem>>) src(%dma_wait3A_175 : memref<128x32xf32, #tpu.memory_space<vmem>>) dst(%dma_wait3A_181 : memref<10112x32xf32, #tpu.memory_space<vmem_shared>>)
        tpu.yield
      }) : () -> ()
      %lt3A_132 = arith.constant 39 : i32
      %lt3A_133 = arith.cmpi slt, %scan3A_70, %lt3A_132 : i32
      %convert_element_type3A_134 = arith.extui %lt3A_133 : i1 to i32
      %cond3A_135 = arith.constant 0 : i32
      %cond3A_136 = arith.cmpi ne, %convert_element_type3A_134, %cond3A_135 : i32
      scf.if %cond3A_136 {
        %add3A_161 = arith.constant 4 : i32
        %add3A_162 = arith.addi %add3A_116, %add3A_161 : i32
        %dma_start3A_163 = arith.constant 2 : i32
        %dma_start3A_164 = arith.constant 2 : i32
        %dma_start3A_165 = arith.constant 0 : i32
        %dma_start3A_166 = arith.constant 0 : i32
        %dma_start3A_167 = tpu.memref_slice %arg9[%dma_start3A_163, %dma_start3A_165, %dma_start3A_166] : memref<4x128x32xf32, #tpu.memory_space<vmem>> -> memref<1x128x32xf32, #tpu.memory_space<vmem>>
        %dma_start3A_168 = tpu.memref_squeeze %dma_start3A_167 : memref<1x128x32xf32, #tpu.memory_space<vmem>> -> memref<128x32xf32, #tpu.memory_space<vmem>>
        %dma_start3A_169 = arith.constant 0 : i32
        %dma_start3A_170 = tpu.memref_slice %arg7[%add3A_162, %dma_start3A_169] : memref<160x128xi32, #tpu.memory_space<vmem>> -> memref<1x128xi32, #tpu.memory_space<vmem>>
        %dma_start3A_171 = tpu.memref_squeeze %dma_start3A_170 : memref<1x128xi32, #tpu.memory_space<vmem>> -> memref<128xi32, #tpu.memory_space<vmem>>
        %dma_start3A_172 = arith.constant 0 : i32
        %dma_start3A_173 = arith.constant 0 : i32
        %dma_start3A_174 = tpu.memref_slice %arg2[%dma_start3A_172, %dma_start3A_173] : memref<20000x32xf32, #tpu.memory_space<hbm>> -> memref<20000x32xf32, #tpu.memory_space<hbm>>
        %dma_start3A_175 = tpu.memref_slice %arg10[%dma_start3A_164] : memref<4x!tpu.dma_semaphore, #tpu.memory_space<semaphore_mem>> -> memref<1x!tpu.dma_semaphore, #tpu.memory_space<semaphore_mem>>
        %dma_start3A_176 = tpu.memref_squeeze %dma_start3A_175 : memref<1x!tpu.dma_semaphore, #tpu.memory_space<semaphore_mem>> -> memref<!tpu.dma_semaphore, #tpu.memory_space<semaphore_mem>>
        tpu.enqueue_indirect_dma source(%dma_start3A_174 : memref<20000x32xf32, #tpu.memory_space<hbm>>) target(%dma_start3A_168 : memref<128x32xf32, #tpu.memory_space<vmem>>) offsets(%dma_start3A_171 : memref<128xi32, #tpu.memory_space<vmem>>) semaphore(%dma_start3A_176 : memref<!tpu.dma_semaphore, #tpu.memory_space<semaphore_mem>>)
      } else {
      }
      %mul3A_137 = arith.constant 4 : i32
      %mul3A_138 = arith.muli %scan3A_70, %mul3A_137 : i32
      %add3A_139 = arith.constant 3 : i32
      %add3A_140 = arith.addi %mul3A_138, %add3A_139 : i32
      %dma_wait3A_141 = arith.constant 3 : i32
      %dma_wait3A_142 = arith.constant 3 : i32
      %dma_wait3A_143 = arith.constant 0 : i32
      %dma_wait3A_144 = arith.constant 0 : i32
      %dma_wait3A_145 = tpu.memref_slice %arg9[%dma_wait3A_141, %dma_wait3A_143, %dma_wait3A_144] : memref<4x128x32xf32, #tpu.memory_space<vmem>> -> memref<1x128x32xf32, #tpu.memory_space<vmem>>
      %dma_wait3A_146 = tpu.memref_squeeze %dma_wait3A_145 : memref<1x128x32xf32, #tpu.memory_space<vmem>> -> memref<128x32xf32, #tpu.memory_space<vmem>>
      %dma_wait3A_147 = arith.constant 0 : i32
      %dma_wait3A_148 = tpu.memref_slice %arg7[%add3A_140, %dma_wait3A_147] : memref<160x128xi32, #tpu.memory_space<vmem>> -> memref<1x128xi32, #tpu.memory_space<vmem>>
      %dma_wait3A_149 = tpu.memref_squeeze %dma_wait3A_148 : memref<1x128xi32, #tpu.memory_space<vmem>> -> memref<128xi32, #tpu.memory_space<vmem>>
      %dma_wait3A_150 = arith.constant 0 : i32
      %dma_wait3A_151 = arith.constant 0 : i32
      %dma_wait3A_152 = tpu.memref_slice %arg2[%dma_wait3A_150, %dma_wait3A_151] : memref<20000x32xf32, #tpu.memory_space<hbm>> -> memref<20000x32xf32, #tpu.memory_space<hbm>>
      %dma_wait3A_153 = tpu.memref_slice %arg10[%dma_wait3A_142] : memref<4x!tpu.dma_semaphore, #tpu.memory_space<semaphore_mem>> -> memref<1x!tpu.dma_semaphore, #tpu.memory_space<semaphore_mem>>
      %dma_wait3A_154 = tpu.memref_squeeze %dma_wait3A_153 : memref<1x!tpu.dma_semaphore, #tpu.memory_space<semaphore_mem>> -> memref<!tpu.dma_semaphore, #tpu.memory_space<semaphore_mem>>
      tpu.wait_indirect_dma semaphore(%dma_wait3A_154 : memref<!tpu.dma_semaphore, #tpu.memory_space<semaphore_mem>>) src(%dma_wait3A_152 : memref<20000x32xf32, #tpu.memory_space<hbm>>) dst(%dma_wait3A_146 : memref<128x32xf32, #tpu.memory_space<vmem>>)
      %run_scoped3A_155 = arith.constant 3 : i32
      "tpu.region"() ({
        %run_scoped3A_161 = tpu.sem_alloc : memref<!tpu.dma_semaphore, #tpu.memory_space<semaphore_mem>>
        %dma_start3A_162 = arith.constant 0 : i32
        %dma_start3A_163 = arith.constant 0 : i32
        %dma_start3A_164 = tpu.memref_slice %arg9[%run_scoped3A_155, %dma_start3A_162, %dma_start3A_163] : memref<4x128x32xf32, #tpu.memory_space<vmem>> -> memref<1x128x32xf32, #tpu.memory_space<vmem>>
        %dma_start3A_165 = tpu.memref_squeeze %dma_start3A_164 : memref<1x128x32xf32, #tpu.memory_space<vmem>> -> memref<128x32xf32, #tpu.memory_space<vmem>>
        %dma_start3A_166 = arith.constant 0 : i32
        %dma_start3A_167 = tpu.memref_slice %arg8[%add3A_140, %dma_start3A_166] : memref<160x128xi32, #tpu.memory_space<vmem>> -> memref<1x128xi32, #tpu.memory_space<vmem>>
        %dma_start3A_168 = tpu.memref_squeeze %dma_start3A_167 : memref<1x128xi32, #tpu.memory_space<vmem>> -> memref<128xi32, #tpu.memory_space<vmem>>
        %dma_start3A_169 = arith.constant 0 : i32
        %dma_start3A_170 = arith.constant 0 : i32
        %dma_start3A_171 = tpu.memref_slice %arg11[%dma_start3A_169, %dma_start3A_170] : memref<10112x32xf32, #tpu.memory_space<vmem_shared>> -> memref<10112x32xf32, #tpu.memory_space<vmem_shared>>
        tpu.enqueue_indirect_dma source(%dma_start3A_165 : memref<128x32xf32, #tpu.memory_space<vmem>>) target(%dma_start3A_171 : memref<10112x32xf32, #tpu.memory_space<vmem_shared>>) offsets(%dma_start3A_168 : memref<128xi32, #tpu.memory_space<vmem>>) semaphore(%run_scoped3A_161 : memref<!tpu.dma_semaphore, #tpu.memory_space<semaphore_mem>>) {add = true}
        %dma_wait3A_172 = arith.constant 0 : i32
        %dma_wait3A_173 = arith.constant 0 : i32
        %dma_wait3A_174 = tpu.memref_slice %arg9[%run_scoped3A_155, %dma_wait3A_172, %dma_wait3A_173] : memref<4x128x32xf32, #tpu.memory_space<vmem>> -> memref<1x128x32xf32, #tpu.memory_space<vmem>>
        %dma_wait3A_175 = tpu.memref_squeeze %dma_wait3A_174 : memref<1x128x32xf32, #tpu.memory_space<vmem>> -> memref<128x32xf32, #tpu.memory_space<vmem>>
        %dma_wait3A_176 = arith.constant 0 : i32
        %dma_wait3A_177 = tpu.memref_slice %arg8[%add3A_140, %dma_wait3A_176] : memref<160x128xi32, #tpu.memory_space<vmem>> -> memref<1x128xi32, #tpu.memory_space<vmem>>
        %dma_wait3A_178 = tpu.memref_squeeze %dma_wait3A_177 : memref<1x128xi32, #tpu.memory_space<vmem>> -> memref<128xi32, #tpu.memory_space<vmem>>
        %dma_wait3A_179 = arith.constant 0 : i32
        %dma_wait3A_180 = arith.constant 0 : i32
        %dma_wait3A_181 = tpu.memref_slice %arg11[%dma_wait3A_179, %dma_wait3A_180] : memref<10112x32xf32, #tpu.memory_space<vmem_shared>> -> memref<10112x32xf32, #tpu.memory_space<vmem_shared>>
        tpu.wait_indirect_dma semaphore(%run_scoped3A_161 : memref<!tpu.dma_semaphore, #tpu.memory_space<semaphore_mem>>) src(%dma_wait3A_175 : memref<128x32xf32, #tpu.memory_space<vmem>>) dst(%dma_wait3A_181 : memref<10112x32xf32, #tpu.memory_space<vmem_shared>>)
        tpu.yield
      }) : () -> ()
      %lt3A_156 = arith.constant 39 : i32
      %lt3A_157 = arith.cmpi slt, %scan3A_70, %lt3A_156 : i32
      %convert_element_type3A_158 = arith.extui %lt3A_157 : i1 to i32
      %cond3A_159 = arith.constant 0 : i32
      %cond3A_160 = arith.cmpi ne, %convert_element_type3A_158, %cond3A_159 : i32
      scf.if %cond3A_160 {
        %add3A_161 = arith.constant 4 : i32
        %add3A_162 = arith.addi %add3A_140, %add3A_161 : i32
        %dma_start3A_163 = arith.constant 3 : i32
        %dma_start3A_164 = arith.constant 3 : i32
        %dma_start3A_165 = arith.constant 0 : i32
        %dma_start3A_166 = arith.constant 0 : i32
        %dma_start3A_167 = tpu.memref_slice %arg9[%dma_start3A_163, %dma_start3A_165, %dma_start3A_166] : memref<4x128x32xf32, #tpu.memory_space<vmem>> -> memref<1x128x32xf32, #tpu.memory_space<vmem>>
        %dma_start3A_168 = tpu.memref_squeeze %dma_start3A_167 : memref<1x128x32xf32, #tpu.memory_space<vmem>> -> memref<128x32xf32, #tpu.memory_space<vmem>>
        %dma_start3A_169 = arith.constant 0 : i32
        %dma_start3A_170 = tpu.memref_slice %arg7[%add3A_162, %dma_start3A_169] : memref<160x128xi32, #tpu.memory_space<vmem>> -> memref<1x128xi32, #tpu.memory_space<vmem>>
        %dma_start3A_171 = tpu.memref_squeeze %dma_start3A_170 : memref<1x128xi32, #tpu.memory_space<vmem>> -> memref<128xi32, #tpu.memory_space<vmem>>
        %dma_start3A_172 = arith.constant 0 : i32
        %dma_start3A_173 = arith.constant 0 : i32
        %dma_start3A_174 = tpu.memref_slice %arg2[%dma_start3A_172, %dma_start3A_173] : memref<20000x32xf32, #tpu.memory_space<hbm>> -> memref<20000x32xf32, #tpu.memory_space<hbm>>
        %dma_start3A_175 = tpu.memref_slice %arg10[%dma_start3A_164] : memref<4x!tpu.dma_semaphore, #tpu.memory_space<semaphore_mem>> -> memref<1x!tpu.dma_semaphore, #tpu.memory_space<semaphore_mem>>
        %dma_start3A_176 = tpu.memref_squeeze %dma_start3A_175 : memref<1x!tpu.dma_semaphore, #tpu.memory_space<semaphore_mem>> -> memref<!tpu.dma_semaphore, #tpu.memory_space<semaphore_mem>>
        tpu.enqueue_indirect_dma source(%dma_start3A_174 : memref<20000x32xf32, #tpu.memory_space<hbm>>) target(%dma_start3A_168 : memref<128x32xf32, #tpu.memory_space<vmem>>) offsets(%dma_start3A_171 : memref<128xi32, #tpu.memory_space<vmem>>) semaphore(%dma_start3A_176 : memref<!tpu.dma_semaphore, #tpu.memory_space<semaphore_mem>>)
      } else {
      }
    }
    %scan3A_64 = arith.constant 40 : i32
    %barrier3A_65 = arith.constant 0 : index
    tpu.barrier barrier_id(%barrier3A_65)
    %mul3A_66 = arith.constant 632 : i32
    %mul3A_67 = arith.muli %arg1, %mul3A_66 : i32
    %mul3A_68 = arith.constant 632 : i32
    %mul3A_69 = arith.muli %arg1, %mul3A_68 : i32
    "tpu.region"() ({
      %run_scoped3A = tpu.sem_alloc : memref<!tpu.dma_semaphore, #tpu.memory_space<semaphore_mem>>
      %dma_start3A_70 = arith.constant 0 : i32
      %dma_start3A_71 = tpu.memref_slice %arg6[%arg0, %mul3A_69, %dma_start3A_70] : memref<2x10112x32xf32, #tpu.memory_space<hbm>> -> memref<1x632x32xf32, #tpu.memory_space<hbm>>
      %dma_start3A_72 = tpu.memref_squeeze %dma_start3A_71 : memref<1x632x32xf32, #tpu.memory_space<hbm>> -> memref<632x32xf32, #tpu.memory_space<hbm>>
      %dma_start3A_73 = arith.constant 0 : i32
      %dma_start3A_74 = tpu.memref_slice %arg11[%mul3A_67, %dma_start3A_73] : memref<10112x32xf32, #tpu.memory_space<vmem_shared>> -> memref<632x32xf32, #tpu.memory_space<vmem_shared>>
      tpu.enqueue_dma source(%dma_start3A_74 : memref<632x32xf32, #tpu.memory_space<vmem_shared>>) target(%dma_start3A_72 : memref<632x32xf32, #tpu.memory_space<hbm>>) target_semaphore(%run_scoped3A : memref<!tpu.dma_semaphore, #tpu.memory_space<semaphore_mem>>)
      %dma_wait3A = arith.constant 0 : i32
      %dma_wait3A_75 = tpu.memref_slice %arg6[%arg0, %mul3A_69, %dma_wait3A] : memref<2x10112x32xf32, #tpu.memory_space<hbm>> -> memref<1x632x32xf32, #tpu.memory_space<hbm>>
      %dma_wait3A_76 = tpu.memref_squeeze %dma_wait3A_75 : memref<1x632x32xf32, #tpu.memory_space<hbm>> -> memref<632x32xf32, #tpu.memory_space<hbm>>
      %dma_wait3A_77 = arith.constant 0 : i32
      %dma_wait3A_78 = tpu.memref_slice %arg11[%mul3A_67, %dma_wait3A_77] : memref<10112x32xf32, #tpu.memory_space<vmem_shared>> -> memref<632x32xf32, #tpu.memory_space<vmem_shared>>
      tpu.wait_dma2 semaphore(%run_scoped3A : memref<!tpu.dma_semaphore, #tpu.memory_space<semaphore_mem>>) src(%dma_wait3A_78 : memref<632x32xf32, #tpu.memory_space<vmem_shared>>) dst(%dma_wait3A_76 : memref<632x32xf32, #tpu.memory_space<hbm>>)
      tpu.yield
    }) : () -> ()
    return
  }
}

#map = affine_map<(d0, d1) -> (0, 0)>
#map1 = affine_map<(d0, d1) -> (0, 0, 0, 0)>
#map2 = affine_map<(d0, d1) -> (0, 0, 0)>
module attributes {stable_mosaic.version = 14 : i64} {
  func.func @_sc_agg_body(%arg0: i32, %arg1: i32, %arg2: memref<20000x32xf32, #tpu.memory_space<hbm>>, %arg3: memref<2x16x160x128xi32, #tpu.memory_space<hbm>>, %arg4: memref<16x160x128xi32, #tpu.memory_space<hbm>>, %arg5: memref<632x32xf32, #tpu.memory_space<hbm>>, %arg6: memref<2x10112x32xf32, #tpu.memory_space<hbm>>, %arg7: memref<160x128xi32, #tpu.memory_space<vmem>>, %arg8: memref<160x128xi32, #tpu.memory_space<vmem>>, %arg9: memref<4x128x32xf32, #tpu.memory_space<vmem>>, %arg10: memref<4x!tpu.dma_semaphore, #tpu.memory_space<semaphore_mem>>, %arg11: memref<10112x32xf32, #tpu.memory_space<vmem_shared>>) attributes {dimension_semantics = [#tpu.dimension_semantics<core_parallel>, #tpu.dimension_semantics<subcore_parallel>], iteration_bounds = array<i64: 2, 16>, scalar_prefetch = 0 : i64, scratch_operands = 5 : i64, tpu.core_type = #tpu.core_type<sc_vector_subcore>, window_params = [{transform_indices = #map}, {transform_indices = #map1}, {transform_indices = #map2}, {transform_indices = #map}, {transform_indices = #map2}]} {
    "tpu.region"() ({
      %run_scoped3A = tpu.sem_alloc : memref<!tpu.dma_semaphore, #tpu.memory_space<semaphore_mem>>
      %dma_start3A_70 = arith.constant 0 : i32
      %dma_start3A_71 = arith.constant 0 : i32
      %dma_start3A_72 = tpu.memref_slice %arg3[%arg0, %arg1, %dma_start3A_70, %dma_start3A_71] : memref<2x16x160x128xi32, #tpu.memory_space<hbm>> -> memref<1x1x160x128xi32, #tpu.memory_space<hbm>>
      %dma_start3A_73 = tpu.memref_squeeze %dma_start3A_72 : memref<1x1x160x128xi32, #tpu.memory_space<hbm>> -> memref<160x128xi32, #tpu.memory_space<hbm>>
      %dma_start3A_74 = arith.constant 0 : i32
      %dma_start3A_75 = arith.constant 0 : i32
      %dma_start3A_76 = tpu.memref_slice %arg3[%arg0, %arg1, %dma_start3A_74, %dma_start3A_75] : memref<2x16x160x128xi32, #tpu.memory_space<hbm>> -> memref<1x1x160x128xi32, #tpu.memory_space<hbm>>
      %dma_start3A_77 = tpu.memref_squeeze %dma_start3A_76 : memref<1x1x160x128xi32, #tpu.memory_space<hbm>> -> memref<160x128xi32, #tpu.memory_space<hbm>>
      tpu.enqueue_dma source(%dma_start3A_77 : memref<160x128xi32, #tpu.memory_space<hbm>>) target(%arg7 : memref<160x128xi32, #tpu.memory_space<vmem>>) target_semaphore(%run_scoped3A : memref<!tpu.dma_semaphore, #tpu.memory_space<semaphore_mem>>)
      %dma_wait3A = arith.constant 0 : i32
      %dma_wait3A_78 = arith.constant 0 : i32
      %dma_wait3A_79 = tpu.memref_slice %arg3[%arg0, %arg1, %dma_wait3A, %dma_wait3A_78] : memref<2x16x160x128xi32, #tpu.memory_space<hbm>> -> memref<1x1x160x128xi32, #tpu.memory_space<hbm>>
      %dma_wait3A_80 = tpu.memref_squeeze %dma_wait3A_79 : memref<1x1x160x128xi32, #tpu.memory_space<hbm>> -> memref<160x128xi32, #tpu.memory_space<hbm>>
      %dma_wait3A_81 = arith.constant 0 : i32
      %dma_wait3A_82 = arith.constant 0 : i32
      %dma_wait3A_83 = tpu.memref_slice %arg3[%arg0, %arg1, %dma_wait3A_81, %dma_wait3A_82] : memref<2x16x160x128xi32, #tpu.memory_space<hbm>> -> memref<1x1x160x128xi32, #tpu.memory_space<hbm>>
      %dma_wait3A_84 = tpu.memref_squeeze %dma_wait3A_83 : memref<1x1x160x128xi32, #tpu.memory_space<hbm>> -> memref<160x128xi32, #tpu.memory_space<hbm>>
      tpu.wait_dma2 semaphore(%run_scoped3A : memref<!tpu.dma_semaphore, #tpu.memory_space<semaphore_mem>>) src(%dma_wait3A_84 : memref<160x128xi32, #tpu.memory_space<hbm>>) dst(%arg7 : memref<160x128xi32, #tpu.memory_space<vmem>>)
      tpu.yield
    }) : () -> ()
    "tpu.region"() ({
      %run_scoped3A = tpu.sem_alloc : memref<!tpu.dma_semaphore, #tpu.memory_space<semaphore_mem>>
      %dma_start3A_70 = arith.constant 0 : i32
      %dma_start3A_71 = arith.constant 0 : i32
      %dma_start3A_72 = tpu.memref_slice %arg4[%arg1, %dma_start3A_70, %dma_start3A_71] : memref<16x160x128xi32, #tpu.memory_space<hbm>> -> memref<1x160x128xi32, #tpu.memory_space<hbm>>
      %dma_start3A_73 = tpu.memref_squeeze %dma_start3A_72 : memref<1x160x128xi32, #tpu.memory_space<hbm>> -> memref<160x128xi32, #tpu.memory_space<hbm>>
      %dma_start3A_74 = arith.constant 0 : i32
      %dma_start3A_75 = arith.constant 0 : i32
      %dma_start3A_76 = tpu.memref_slice %arg4[%arg1, %dma_start3A_74, %dma_start3A_75] : memref<16x160x128xi32, #tpu.memory_space<hbm>> -> memref<1x160x128xi32, #tpu.memory_space<hbm>>
      %dma_start3A_77 = tpu.memref_squeeze %dma_start3A_76 : memref<1x160x128xi32, #tpu.memory_space<hbm>> -> memref<160x128xi32, #tpu.memory_space<hbm>>
      tpu.enqueue_dma source(%dma_start3A_77 : memref<160x128xi32, #tpu.memory_space<hbm>>) target(%arg8 : memref<160x128xi32, #tpu.memory_space<vmem>>) target_semaphore(%run_scoped3A : memref<!tpu.dma_semaphore, #tpu.memory_space<semaphore_mem>>)
      %dma_wait3A = arith.constant 0 : i32
      %dma_wait3A_78 = arith.constant 0 : i32
      %dma_wait3A_79 = tpu.memref_slice %arg4[%arg1, %dma_wait3A, %dma_wait3A_78] : memref<16x160x128xi32, #tpu.memory_space<hbm>> -> memref<1x160x128xi32, #tpu.memory_space<hbm>>
      %dma_wait3A_80 = tpu.memref_squeeze %dma_wait3A_79 : memref<1x160x128xi32, #tpu.memory_space<hbm>> -> memref<160x128xi32, #tpu.memory_space<hbm>>
      %dma_wait3A_81 = arith.constant 0 : i32
      %dma_wait3A_82 = arith.constant 0 : i32
      %dma_wait3A_83 = tpu.memref_slice %arg4[%arg1, %dma_wait3A_81, %dma_wait3A_82] : memref<16x160x128xi32, #tpu.memory_space<hbm>> -> memref<1x160x128xi32, #tpu.memory_space<hbm>>
      %dma_wait3A_84 = tpu.memref_squeeze %dma_wait3A_83 : memref<1x160x128xi32, #tpu.memory_space<hbm>> -> memref<160x128xi32, #tpu.memory_space<hbm>>
      tpu.wait_dma2 semaphore(%run_scoped3A : memref<!tpu.dma_semaphore, #tpu.memory_space<semaphore_mem>>) src(%dma_wait3A_84 : memref<160x128xi32, #tpu.memory_space<hbm>>) dst(%arg8 : memref<160x128xi32, #tpu.memory_space<vmem>>)
      tpu.yield
    }) : () -> ()
    %dma_start3A = arith.constant 0 : i32
    %dma_start3A_0 = arith.constant 0 : i32
    %dma_start3A_1 = arith.constant 0 : i32
    %dma_start3A_2 = arith.constant 0 : i32
    %dma_start3A_3 = arith.constant 0 : i32
    %dma_start3A_4 = tpu.memref_slice %arg9[%dma_start3A_0, %dma_start3A_2, %dma_start3A_3] : memref<4x128x32xf32, #tpu.memory_space<vmem>> -> memref<1x128x32xf32, #tpu.memory_space<vmem>>
    %dma_start3A_5 = tpu.memref_squeeze %dma_start3A_4 : memref<1x128x32xf32, #tpu.memory_space<vmem>> -> memref<128x32xf32, #tpu.memory_space<vmem>>
    %dma_start3A_6 = arith.constant 0 : i32
    %dma_start3A_7 = tpu.memref_slice %arg7[%dma_start3A, %dma_start3A_6] : memref<160x128xi32, #tpu.memory_space<vmem>> -> memref<1x128xi32, #tpu.memory_space<vmem>>
    %dma_start3A_8 = tpu.memref_squeeze %dma_start3A_7 : memref<1x128xi32, #tpu.memory_space<vmem>> -> memref<128xi32, #tpu.memory_space<vmem>>
    %dma_start3A_9 = arith.constant 0 : i32
    %dma_start3A_10 = arith.constant 0 : i32
    %dma_start3A_11 = tpu.memref_slice %arg2[%dma_start3A_9, %dma_start3A_10] : memref<20000x32xf32, #tpu.memory_space<hbm>> -> memref<20000x32xf32, #tpu.memory_space<hbm>>
    %dma_start3A_12 = tpu.memref_slice %arg10[%dma_start3A_1] : memref<4x!tpu.dma_semaphore, #tpu.memory_space<semaphore_mem>> -> memref<1x!tpu.dma_semaphore, #tpu.memory_space<semaphore_mem>>
    %dma_start3A_13 = tpu.memref_squeeze %dma_start3A_12 : memref<1x!tpu.dma_semaphore, #tpu.memory_space<semaphore_mem>> -> memref<!tpu.dma_semaphore, #tpu.memory_space<semaphore_mem>>
    tpu.enqueue_indirect_dma source(%dma_start3A_11 : memref<20000x32xf32, #tpu.memory_space<hbm>>) target(%dma_start3A_5 : memref<128x32xf32, #tpu.memory_space<vmem>>) offsets(%dma_start3A_8 : memref<128xi32, #tpu.memory_space<vmem>>) semaphore(%dma_start3A_13 : memref<!tpu.dma_semaphore, #tpu.memory_space<semaphore_mem>>)
    %dma_start3A_14 = arith.constant 1 : i32
    %dma_start3A_15 = arith.constant 1 : i32
    %dma_start3A_16 = arith.constant 1 : i32
    %dma_start3A_17 = arith.constant 0 : i32
    %dma_start3A_18 = arith.constant 0 : i32
    %dma_start3A_19 = tpu.memref_slice %arg9[%dma_start3A_15, %dma_start3A_17, %dma_start3A_18] : memref<4x128x32xf32, #tpu.memory_space<vmem>> -> memref<1x128x32xf32, #tpu.memory_space<vmem>>
    %dma_start3A_20 = tpu.memref_squeeze %dma_start3A_19 : memref<1x128x32xf32, #tpu.memory_space<vmem>> -> memref<128x32xf32, #tpu.memory_space<vmem>>
    %dma_start3A_21 = arith.constant 0 : i32
    %dma_start3A_22 = tpu.memref_slice %arg7[%dma_start3A_14, %dma_start3A_21] : memref<160x128xi32, #tpu.memory_space<vmem>> -> memref<1x128xi32, #tpu.memory_space<vmem>>
    %dma_start3A_23 = tpu.memref_squeeze %dma_start3A_22 : memref<1x128xi32, #tpu.memory_space<vmem>> -> memref<128xi32, #tpu.memory_space<vmem>>
    %dma_start3A_24 = arith.constant 0 : i32
    %dma_start3A_25 = arith.constant 0 : i32
    %dma_start3A_26 = tpu.memref_slice %arg2[%dma_start3A_24, %dma_start3A_25] : memref<20000x32xf32, #tpu.memory_space<hbm>> -> memref<20000x32xf32, #tpu.memory_space<hbm>>
    %dma_start3A_27 = tpu.memref_slice %arg10[%dma_start3A_16] : memref<4x!tpu.dma_semaphore, #tpu.memory_space<semaphore_mem>> -> memref<1x!tpu.dma_semaphore, #tpu.memory_space<semaphore_mem>>
    %dma_start3A_28 = tpu.memref_squeeze %dma_start3A_27 : memref<1x!tpu.dma_semaphore, #tpu.memory_space<semaphore_mem>> -> memref<!tpu.dma_semaphore, #tpu.memory_space<semaphore_mem>>
    tpu.enqueue_indirect_dma source(%dma_start3A_26 : memref<20000x32xf32, #tpu.memory_space<hbm>>) target(%dma_start3A_20 : memref<128x32xf32, #tpu.memory_space<vmem>>) offsets(%dma_start3A_23 : memref<128xi32, #tpu.memory_space<vmem>>) semaphore(%dma_start3A_28 : memref<!tpu.dma_semaphore, #tpu.memory_space<semaphore_mem>>)
    %dma_start3A_29 = arith.constant 2 : i32
    %dma_start3A_30 = arith.constant 2 : i32
    %dma_start3A_31 = arith.constant 2 : i32
    %dma_start3A_32 = arith.constant 0 : i32
    %dma_start3A_33 = arith.constant 0 : i32
    %dma_start3A_34 = tpu.memref_slice %arg9[%dma_start3A_30, %dma_start3A_32, %dma_start3A_33] : memref<4x128x32xf32, #tpu.memory_space<vmem>> -> memref<1x128x32xf32, #tpu.memory_space<vmem>>
    %dma_start3A_35 = tpu.memref_squeeze %dma_start3A_34 : memref<1x128x32xf32, #tpu.memory_space<vmem>> -> memref<128x32xf32, #tpu.memory_space<vmem>>
    %dma_start3A_36 = arith.constant 0 : i32
    %dma_start3A_37 = tpu.memref_slice %arg7[%dma_start3A_29, %dma_start3A_36] : memref<160x128xi32, #tpu.memory_space<vmem>> -> memref<1x128xi32, #tpu.memory_space<vmem>>
    %dma_start3A_38 = tpu.memref_squeeze %dma_start3A_37 : memref<1x128xi32, #tpu.memory_space<vmem>> -> memref<128xi32, #tpu.memory_space<vmem>>
    %dma_start3A_39 = arith.constant 0 : i32
    %dma_start3A_40 = arith.constant 0 : i32
    %dma_start3A_41 = tpu.memref_slice %arg2[%dma_start3A_39, %dma_start3A_40] : memref<20000x32xf32, #tpu.memory_space<hbm>> -> memref<20000x32xf32, #tpu.memory_space<hbm>>
    %dma_start3A_42 = tpu.memref_slice %arg10[%dma_start3A_31] : memref<4x!tpu.dma_semaphore, #tpu.memory_space<semaphore_mem>> -> memref<1x!tpu.dma_semaphore, #tpu.memory_space<semaphore_mem>>
    %dma_start3A_43 = tpu.memref_squeeze %dma_start3A_42 : memref<1x!tpu.dma_semaphore, #tpu.memory_space<semaphore_mem>> -> memref<!tpu.dma_semaphore, #tpu.memory_space<semaphore_mem>>
    tpu.enqueue_indirect_dma source(%dma_start3A_41 : memref<20000x32xf32, #tpu.memory_space<hbm>>) target(%dma_start3A_35 : memref<128x32xf32, #tpu.memory_space<vmem>>) offsets(%dma_start3A_38 : memref<128xi32, #tpu.memory_space<vmem>>) semaphore(%dma_start3A_43 : memref<!tpu.dma_semaphore, #tpu.memory_space<semaphore_mem>>)
    %dma_start3A_44 = arith.constant 3 : i32
    %dma_start3A_45 = arith.constant 3 : i32
    %dma_start3A_46 = arith.constant 3 : i32
    %dma_start3A_47 = arith.constant 0 : i32
    %dma_start3A_48 = arith.constant 0 : i32
    %dma_start3A_49 = tpu.memref_slice %arg9[%dma_start3A_45, %dma_start3A_47, %dma_start3A_48] : memref<4x128x32xf32, #tpu.memory_space<vmem>> -> memref<1x128x32xf32, #tpu.memory_space<vmem>>
    %dma_start3A_50 = tpu.memref_squeeze %dma_start3A_49 : memref<1x128x32xf32, #tpu.memory_space<vmem>> -> memref<128x32xf32, #tpu.memory_space<vmem>>
    %dma_start3A_51 = arith.constant 0 : i32
    %dma_start3A_52 = tpu.memref_slice %arg7[%dma_start3A_44, %dma_start3A_51] : memref<160x128xi32, #tpu.memory_space<vmem>> -> memref<1x128xi32, #tpu.memory_space<vmem>>
    %dma_start3A_53 = tpu.memref_squeeze %dma_start3A_52 : memref<1x128xi32, #tpu.memory_space<vmem>> -> memref<128xi32, #tpu.memory_space<vmem>>
    %dma_start3A_54 = arith.constant 0 : i32
    %dma_start3A_55 = arith.constant 0 : i32
    %dma_start3A_56 = tpu.memref_slice %arg2[%dma_start3A_54, %dma_start3A_55] : memref<20000x32xf32, #tpu.memory_space<hbm>> -> memref<20000x32xf32, #tpu.memory_space<hbm>>
    %dma_start3A_57 = tpu.memref_slice %arg10[%dma_start3A_46] : memref<4x!tpu.dma_semaphore, #tpu.memory_space<semaphore_mem>> -> memref<1x!tpu.dma_semaphore, #tpu.memory_space<semaphore_mem>>
    %dma_start3A_58 = tpu.memref_squeeze %dma_start3A_57 : memref<1x!tpu.dma_semaphore, #tpu.memory_space<semaphore_mem>> -> memref<!tpu.dma_semaphore, #tpu.memory_space<semaphore_mem>>
    tpu.enqueue_indirect_dma source(%dma_start3A_56 : memref<20000x32xf32, #tpu.memory_space<hbm>>) target(%dma_start3A_50 : memref<128x32xf32, #tpu.memory_space<vmem>>) offsets(%dma_start3A_53 : memref<128xi32, #tpu.memory_space<vmem>>) semaphore(%dma_start3A_58 : memref<!tpu.dma_semaphore, #tpu.memory_space<semaphore_mem>>)
    %mul3A = arith.constant 632 : i32
    %mul3A_59 = arith.muli %arg1, %mul3A : i32
    "tpu.region"() ({
      %run_scoped3A = tpu.sem_alloc : memref<!tpu.dma_semaphore, #tpu.memory_space<semaphore_mem>>
      %dma_start3A_70 = arith.constant 0 : i32
      %dma_start3A_71 = tpu.memref_slice %arg11[%mul3A_59, %dma_start3A_70] : memref<10112x32xf32, #tpu.memory_space<vmem_shared>> -> memref<632x32xf32, #tpu.memory_space<vmem_shared>>
      tpu.enqueue_dma source(%arg5 : memref<632x32xf32, #tpu.memory_space<hbm>>) target(%dma_start3A_71 : memref<632x32xf32, #tpu.memory_space<vmem_shared>>) target_semaphore(%run_scoped3A : memref<!tpu.dma_semaphore, #tpu.memory_space<semaphore_mem>>)
      %dma_wait3A = arith.constant 0 : i32
      %dma_wait3A_72 = tpu.memref_slice %arg11[%mul3A_59, %dma_wait3A] : memref<10112x32xf32, #tpu.memory_space<vmem_shared>> -> memref<632x32xf32, #tpu.memory_space<vmem_shared>>
      tpu.wait_dma2 semaphore(%run_scoped3A : memref<!tpu.dma_semaphore, #tpu.memory_space<semaphore_mem>>) src(%arg5 : memref<632x32xf32, #tpu.memory_space<hbm>>) dst(%dma_wait3A_72 : memref<632x32xf32, #tpu.memory_space<vmem_shared>>)
      tpu.yield
    }) : () -> ()
    %barrier3A = arith.constant 0 : index
    tpu.barrier barrier_id(%barrier3A)
    %scan3A = arith.constant 0 : i32
    %scan3A_60 = arith.constant 0 : i32
    %scan3A_61 = arith.constant 40 : i32
    %scan3A_62 = arith.addi %scan3A_60, %scan3A_61 : i32
    %scan3A_63 = arith.constant 1 : i32
    scf.for %scan3A_70 = %scan3A_60 to %scan3A_62 step %scan3A_63  : i32 {
      %mul3A_71 = arith.constant 4 : i32
      %mul3A_72 = arith.muli %scan3A_70, %mul3A_71 : i32
      %add3A = arith.constant 0 : i32
      %add3A_73 = arith.addi %mul3A_72, %add3A : i32
      %dma_wait3A = arith.constant 0 : i32
      %dma_wait3A_74 = arith.constant 0 : i32
      %dma_wait3A_75 = arith.constant 0 : i32
      %dma_wait3A_76 = arith.constant 0 : i32
      %dma_wait3A_77 = tpu.memref_slice %arg9[%dma_wait3A, %dma_wait3A_75, %dma_wait3A_76] : memref<4x128x32xf32, #tpu.memory_space<vmem>> -> memref<1x128x32xf32, #tpu.memory_space<vmem>>
      %dma_wait3A_78 = tpu.memref_squeeze %dma_wait3A_77 : memref<1x128x32xf32, #tpu.memory_space<vmem>> -> memref<128x32xf32, #tpu.memory_space<vmem>>
      %dma_wait3A_79 = arith.constant 0 : i32
      %dma_wait3A_80 = tpu.memref_slice %arg7[%add3A_73, %dma_wait3A_79] : memref<160x128xi32, #tpu.memory_space<vmem>> -> memref<1x128xi32, #tpu.memory_space<vmem>>
      %dma_wait3A_81 = tpu.memref_squeeze %dma_wait3A_80 : memref<1x128xi32, #tpu.memory_space<vmem>> -> memref<128xi32, #tpu.memory_space<vmem>>
      %dma_wait3A_82 = arith.constant 0 : i32
      %dma_wait3A_83 = arith.constant 0 : i32
      %dma_wait3A_84 = tpu.memref_slice %arg2[%dma_wait3A_82, %dma_wait3A_83] : memref<20000x32xf32, #tpu.memory_space<hbm>> -> memref<20000x32xf32, #tpu.memory_space<hbm>>
      %dma_wait3A_85 = tpu.memref_slice %arg10[%dma_wait3A_74] : memref<4x!tpu.dma_semaphore, #tpu.memory_space<semaphore_mem>> -> memref<1x!tpu.dma_semaphore, #tpu.memory_space<semaphore_mem>>
      %dma_wait3A_86 = tpu.memref_squeeze %dma_wait3A_85 : memref<1x!tpu.dma_semaphore, #tpu.memory_space<semaphore_mem>> -> memref<!tpu.dma_semaphore, #tpu.memory_space<semaphore_mem>>
      tpu.wait_indirect_dma semaphore(%dma_wait3A_86 : memref<!tpu.dma_semaphore, #tpu.memory_space<semaphore_mem>>) src(%dma_wait3A_84 : memref<20000x32xf32, #tpu.memory_space<hbm>>) dst(%dma_wait3A_78 : memref<128x32xf32, #tpu.memory_space<vmem>>)
      %run_scoped3A = arith.constant 0 : i32
      "tpu.region"() ({
        %run_scoped3A_161 = tpu.sem_alloc : memref<!tpu.dma_semaphore, #tpu.memory_space<semaphore_mem>>
        %dma_start3A_162 = arith.constant 0 : i32
        %dma_start3A_163 = arith.constant 0 : i32
        %dma_start3A_164 = tpu.memref_slice %arg9[%run_scoped3A, %dma_start3A_162, %dma_start3A_163] : memref<4x128x32xf32, #tpu.memory_space<vmem>> -> memref<1x128x32xf32, #tpu.memory_space<vmem>>
        %dma_start3A_165 = tpu.memref_squeeze %dma_start3A_164 : memref<1x128x32xf32, #tpu.memory_space<vmem>> -> memref<128x32xf32, #tpu.memory_space<vmem>>
        %dma_start3A_166 = arith.constant 0 : i32
        %dma_start3A_167 = tpu.memref_slice %arg8[%add3A_73, %dma_start3A_166] : memref<160x128xi32, #tpu.memory_space<vmem>> -> memref<1x128xi32, #tpu.memory_space<vmem>>
        %dma_start3A_168 = tpu.memref_squeeze %dma_start3A_167 : memref<1x128xi32, #tpu.memory_space<vmem>> -> memref<128xi32, #tpu.memory_space<vmem>>
        %dma_start3A_169 = arith.constant 0 : i32
        %dma_start3A_170 = arith.constant 0 : i32
        %dma_start3A_171 = tpu.memref_slice %arg11[%dma_start3A_169, %dma_start3A_170] : memref<10112x32xf32, #tpu.memory_space<vmem_shared>> -> memref<10112x32xf32, #tpu.memory_space<vmem_shared>>
        tpu.enqueue_indirect_dma source(%dma_start3A_165 : memref<128x32xf32, #tpu.memory_space<vmem>>) target(%dma_start3A_171 : memref<10112x32xf32, #tpu.memory_space<vmem_shared>>) offsets(%dma_start3A_168 : memref<128xi32, #tpu.memory_space<vmem>>) semaphore(%run_scoped3A_161 : memref<!tpu.dma_semaphore, #tpu.memory_space<semaphore_mem>>) {add = true}
        %dma_wait3A_172 = arith.constant 0 : i32
        %dma_wait3A_173 = arith.constant 0 : i32
        %dma_wait3A_174 = tpu.memref_slice %arg9[%run_scoped3A, %dma_wait3A_172, %dma_wait3A_173] : memref<4x128x32xf32, #tpu.memory_space<vmem>> -> memref<1x128x32xf32, #tpu.memory_space<vmem>>
        %dma_wait3A_175 = tpu.memref_squeeze %dma_wait3A_174 : memref<1x128x32xf32, #tpu.memory_space<vmem>> -> memref<128x32xf32, #tpu.memory_space<vmem>>
        %dma_wait3A_176 = arith.constant 0 : i32
        %dma_wait3A_177 = tpu.memref_slice %arg8[%add3A_73, %dma_wait3A_176] : memref<160x128xi32, #tpu.memory_space<vmem>> -> memref<1x128xi32, #tpu.memory_space<vmem>>
        %dma_wait3A_178 = tpu.memref_squeeze %dma_wait3A_177 : memref<1x128xi32, #tpu.memory_space<vmem>> -> memref<128xi32, #tpu.memory_space<vmem>>
        %dma_wait3A_179 = arith.constant 0 : i32
        %dma_wait3A_180 = arith.constant 0 : i32
        %dma_wait3A_181 = tpu.memref_slice %arg11[%dma_wait3A_179, %dma_wait3A_180] : memref<10112x32xf32, #tpu.memory_space<vmem_shared>> -> memref<10112x32xf32, #tpu.memory_space<vmem_shared>>
        tpu.wait_indirect_dma semaphore(%run_scoped3A_161 : memref<!tpu.dma_semaphore, #tpu.memory_space<semaphore_mem>>) src(%dma_wait3A_175 : memref<128x32xf32, #tpu.memory_space<vmem>>) dst(%dma_wait3A_181 : memref<10112x32xf32, #tpu.memory_space<vmem_shared>>)
        tpu.yield
      }) : () -> ()
      %lt3A = arith.constant 39 : i32
      %lt3A_87 = arith.cmpi slt, %scan3A_70, %lt3A : i32
      %convert_element_type3A = arith.extui %lt3A_87 : i1 to i32
      %cond3A = arith.constant 0 : i32
      %cond3A_88 = arith.cmpi ne, %convert_element_type3A, %cond3A : i32
      scf.if %cond3A_88 {
        %add3A_161 = arith.constant 4 : i32
        %add3A_162 = arith.addi %add3A_73, %add3A_161 : i32
        %dma_start3A_163 = arith.constant 0 : i32
        %dma_start3A_164 = arith.constant 0 : i32
        %dma_start3A_165 = arith.constant 0 : i32
        %dma_start3A_166 = arith.constant 0 : i32
        %dma_start3A_167 = tpu.memref_slice %arg9[%dma_start3A_163, %dma_start3A_165, %dma_start3A_166] : memref<4x128x32xf32, #tpu.memory_space<vmem>> -> memref<1x128x32xf32, #tpu.memory_space<vmem>>
        %dma_start3A_168 = tpu.memref_squeeze %dma_start3A_167 : memref<1x128x32xf32, #tpu.memory_space<vmem>> -> memref<128x32xf32, #tpu.memory_space<vmem>>
        %dma_start3A_169 = arith.constant 0 : i32
        %dma_start3A_170 = tpu.memref_slice %arg7[%add3A_162, %dma_start3A_169] : memref<160x128xi32, #tpu.memory_space<vmem>> -> memref<1x128xi32, #tpu.memory_space<vmem>>
        %dma_start3A_171 = tpu.memref_squeeze %dma_start3A_170 : memref<1x128xi32, #tpu.memory_space<vmem>> -> memref<128xi32, #tpu.memory_space<vmem>>
        %dma_start3A_172 = arith.constant 0 : i32
        %dma_start3A_173 = arith.constant 0 : i32
        %dma_start3A_174 = tpu.memref_slice %arg2[%dma_start3A_172, %dma_start3A_173] : memref<20000x32xf32, #tpu.memory_space<hbm>> -> memref<20000x32xf32, #tpu.memory_space<hbm>>
        %dma_start3A_175 = tpu.memref_slice %arg10[%dma_start3A_164] : memref<4x!tpu.dma_semaphore, #tpu.memory_space<semaphore_mem>> -> memref<1x!tpu.dma_semaphore, #tpu.memory_space<semaphore_mem>>
        %dma_start3A_176 = tpu.memref_squeeze %dma_start3A_175 : memref<1x!tpu.dma_semaphore, #tpu.memory_space<semaphore_mem>> -> memref<!tpu.dma_semaphore, #tpu.memory_space<semaphore_mem>>
        tpu.enqueue_indirect_dma source(%dma_start3A_174 : memref<20000x32xf32, #tpu.memory_space<hbm>>) target(%dma_start3A_168 : memref<128x32xf32, #tpu.memory_space<vmem>>) offsets(%dma_start3A_171 : memref<128xi32, #tpu.memory_space<vmem>>) semaphore(%dma_start3A_176 : memref<!tpu.dma_semaphore, #tpu.memory_space<semaphore_mem>>)
      } else {
      }
      %mul3A_89 = arith.constant 4 : i32
      %mul3A_90 = arith.muli %scan3A_70, %mul3A_89 : i32
      %add3A_91 = arith.constant 1 : i32
      %add3A_92 = arith.addi %mul3A_90, %add3A_91 : i32
      %dma_wait3A_93 = arith.constant 1 : i32
      %dma_wait3A_94 = arith.constant 1 : i32
      %dma_wait3A_95 = arith.constant 0 : i32
      %dma_wait3A_96 = arith.constant 0 : i32
      %dma_wait3A_97 = tpu.memref_slice %arg9[%dma_wait3A_93, %dma_wait3A_95, %dma_wait3A_96] : memref<4x128x32xf32, #tpu.memory_space<vmem>> -> memref<1x128x32xf32, #tpu.memory_space<vmem>>
      %dma_wait3A_98 = tpu.memref_squeeze %dma_wait3A_97 : memref<1x128x32xf32, #tpu.memory_space<vmem>> -> memref<128x32xf32, #tpu.memory_space<vmem>>
      %dma_wait3A_99 = arith.constant 0 : i32
      %dma_wait3A_100 = tpu.memref_slice %arg7[%add3A_92, %dma_wait3A_99] : memref<160x128xi32, #tpu.memory_space<vmem>> -> memref<1x128xi32, #tpu.memory_space<vmem>>
      %dma_wait3A_101 = tpu.memref_squeeze %dma_wait3A_100 : memref<1x128xi32, #tpu.memory_space<vmem>> -> memref<128xi32, #tpu.memory_space<vmem>>
      %dma_wait3A_102 = arith.constant 0 : i32
      %dma_wait3A_103 = arith.constant 0 : i32
      %dma_wait3A_104 = tpu.memref_slice %arg2[%dma_wait3A_102, %dma_wait3A_103] : memref<20000x32xf32, #tpu.memory_space<hbm>> -> memref<20000x32xf32, #tpu.memory_space<hbm>>
      %dma_wait3A_105 = tpu.memref_slice %arg10[%dma_wait3A_94] : memref<4x!tpu.dma_semaphore, #tpu.memory_space<semaphore_mem>> -> memref<1x!tpu.dma_semaphore, #tpu.memory_space<semaphore_mem>>
      %dma_wait3A_106 = tpu.memref_squeeze %dma_wait3A_105 : memref<1x!tpu.dma_semaphore, #tpu.memory_space<semaphore_mem>> -> memref<!tpu.dma_semaphore, #tpu.memory_space<semaphore_mem>>
      tpu.wait_indirect_dma semaphore(%dma_wait3A_106 : memref<!tpu.dma_semaphore, #tpu.memory_space<semaphore_mem>>) src(%dma_wait3A_104 : memref<20000x32xf32, #tpu.memory_space<hbm>>) dst(%dma_wait3A_98 : memref<128x32xf32, #tpu.memory_space<vmem>>)
      %run_scoped3A_107 = arith.constant 1 : i32
      "tpu.region"() ({
        %run_scoped3A_161 = tpu.sem_alloc : memref<!tpu.dma_semaphore, #tpu.memory_space<semaphore_mem>>
        %dma_start3A_162 = arith.constant 0 : i32
        %dma_start3A_163 = arith.constant 0 : i32
        %dma_start3A_164 = tpu.memref_slice %arg9[%run_scoped3A_107, %dma_start3A_162, %dma_start3A_163] : memref<4x128x32xf32, #tpu.memory_space<vmem>> -> memref<1x128x32xf32, #tpu.memory_space<vmem>>
        %dma_start3A_165 = tpu.memref_squeeze %dma_start3A_164 : memref<1x128x32xf32, #tpu.memory_space<vmem>> -> memref<128x32xf32, #tpu.memory_space<vmem>>
        %dma_start3A_166 = arith.constant 0 : i32
        %dma_start3A_167 = tpu.memref_slice %arg8[%add3A_92, %dma_start3A_166] : memref<160x128xi32, #tpu.memory_space<vmem>> -> memref<1x128xi32, #tpu.memory_space<vmem>>
        %dma_start3A_168 = tpu.memref_squeeze %dma_start3A_167 : memref<1x128xi32, #tpu.memory_space<vmem>> -> memref<128xi32, #tpu.memory_space<vmem>>
        %dma_start3A_169 = arith.constant 0 : i32
        %dma_start3A_170 = arith.constant 0 : i32
        %dma_start3A_171 = tpu.memref_slice %arg11[%dma_start3A_169, %dma_start3A_170] : memref<10112x32xf32, #tpu.memory_space<vmem_shared>> -> memref<10112x32xf32, #tpu.memory_space<vmem_shared>>
        tpu.enqueue_indirect_dma source(%dma_start3A_165 : memref<128x32xf32, #tpu.memory_space<vmem>>) target(%dma_start3A_171 : memref<10112x32xf32, #tpu.memory_space<vmem_shared>>) offsets(%dma_start3A_168 : memref<128xi32, #tpu.memory_space<vmem>>) semaphore(%run_scoped3A_161 : memref<!tpu.dma_semaphore, #tpu.memory_space<semaphore_mem>>) {add = true}
        %dma_wait3A_172 = arith.constant 0 : i32
        %dma_wait3A_173 = arith.constant 0 : i32
        %dma_wait3A_174 = tpu.memref_slice %arg9[%run_scoped3A_107, %dma_wait3A_172, %dma_wait3A_173] : memref<4x128x32xf32, #tpu.memory_space<vmem>> -> memref<1x128x32xf32, #tpu.memory_space<vmem>>
        %dma_wait3A_175 = tpu.memref_squeeze %dma_wait3A_174 : memref<1x128x32xf32, #tpu.memory_space<vmem>> -> memref<128x32xf32, #tpu.memory_space<vmem>>
        %dma_wait3A_176 = arith.constant 0 : i32
        %dma_wait3A_177 = tpu.memref_slice %arg8[%add3A_92, %dma_wait3A_176] : memref<160x128xi32, #tpu.memory_space<vmem>> -> memref<1x128xi32, #tpu.memory_space<vmem>>
        %dma_wait3A_178 = tpu.memref_squeeze %dma_wait3A_177 : memref<1x128xi32, #tpu.memory_space<vmem>> -> memref<128xi32, #tpu.memory_space<vmem>>
        %dma_wait3A_179 = arith.constant 0 : i32
        %dma_wait3A_180 = arith.constant 0 : i32
        %dma_wait3A_181 = tpu.memref_slice %arg11[%dma_wait3A_179, %dma_wait3A_180] : memref<10112x32xf32, #tpu.memory_space<vmem_shared>> -> memref<10112x32xf32, #tpu.memory_space<vmem_shared>>
        tpu.wait_indirect_dma semaphore(%run_scoped3A_161 : memref<!tpu.dma_semaphore, #tpu.memory_space<semaphore_mem>>) src(%dma_wait3A_175 : memref<128x32xf32, #tpu.memory_space<vmem>>) dst(%dma_wait3A_181 : memref<10112x32xf32, #tpu.memory_space<vmem_shared>>)
        tpu.yield
      }) : () -> ()
      %lt3A_108 = arith.constant 39 : i32
      %lt3A_109 = arith.cmpi slt, %scan3A_70, %lt3A_108 : i32
      %convert_element_type3A_110 = arith.extui %lt3A_109 : i1 to i32
      %cond3A_111 = arith.constant 0 : i32
      %cond3A_112 = arith.cmpi ne, %convert_element_type3A_110, %cond3A_111 : i32
      scf.if %cond3A_112 {
        %add3A_161 = arith.constant 4 : i32
        %add3A_162 = arith.addi %add3A_92, %add3A_161 : i32
        %dma_start3A_163 = arith.constant 1 : i32
        %dma_start3A_164 = arith.constant 1 : i32
        %dma_start3A_165 = arith.constant 0 : i32
        %dma_start3A_166 = arith.constant 0 : i32
        %dma_start3A_167 = tpu.memref_slice %arg9[%dma_start3A_163, %dma_start3A_165, %dma_start3A_166] : memref<4x128x32xf32, #tpu.memory_space<vmem>> -> memref<1x128x32xf32, #tpu.memory_space<vmem>>
        %dma_start3A_168 = tpu.memref_squeeze %dma_start3A_167 : memref<1x128x32xf32, #tpu.memory_space<vmem>> -> memref<128x32xf32, #tpu.memory_space<vmem>>
        %dma_start3A_169 = arith.constant 0 : i32
        %dma_start3A_170 = tpu.memref_slice %arg7[%add3A_162, %dma_start3A_169] : memref<160x128xi32, #tpu.memory_space<vmem>> -> memref<1x128xi32, #tpu.memory_space<vmem>>
        %dma_start3A_171 = tpu.memref_squeeze %dma_start3A_170 : memref<1x128xi32, #tpu.memory_space<vmem>> -> memref<128xi32, #tpu.memory_space<vmem>>
        %dma_start3A_172 = arith.constant 0 : i32
        %dma_start3A_173 = arith.constant 0 : i32
        %dma_start3A_174 = tpu.memref_slice %arg2[%dma_start3A_172, %dma_start3A_173] : memref<20000x32xf32, #tpu.memory_space<hbm>> -> memref<20000x32xf32, #tpu.memory_space<hbm>>
        %dma_start3A_175 = tpu.memref_slice %arg10[%dma_start3A_164] : memref<4x!tpu.dma_semaphore, #tpu.memory_space<semaphore_mem>> -> memref<1x!tpu.dma_semaphore, #tpu.memory_space<semaphore_mem>>
        %dma_start3A_176 = tpu.memref_squeeze %dma_start3A_175 : memref<1x!tpu.dma_semaphore, #tpu.memory_space<semaphore_mem>> -> memref<!tpu.dma_semaphore, #tpu.memory_space<semaphore_mem>>
        tpu.enqueue_indirect_dma source(%dma_start3A_174 : memref<20000x32xf32, #tpu.memory_space<hbm>>) target(%dma_start3A_168 : memref<128x32xf32, #tpu.memory_space<vmem>>) offsets(%dma_start3A_171 : memref<128xi32, #tpu.memory_space<vmem>>) semaphore(%dma_start3A_176 : memref<!tpu.dma_semaphore, #tpu.memory_space<semaphore_mem>>)
      } else {
      }
      %mul3A_113 = arith.constant 4 : i32
      %mul3A_114 = arith.muli %scan3A_70, %mul3A_113 : i32
      %add3A_115 = arith.constant 2 : i32
      %add3A_116 = arith.addi %mul3A_114, %add3A_115 : i32
      %dma_wait3A_117 = arith.constant 2 : i32
      %dma_wait3A_118 = arith.constant 2 : i32
      %dma_wait3A_119 = arith.constant 0 : i32
      %dma_wait3A_120 = arith.constant 0 : i32
      %dma_wait3A_121 = tpu.memref_slice %arg9[%dma_wait3A_117, %dma_wait3A_119, %dma_wait3A_120] : memref<4x128x32xf32, #tpu.memory_space<vmem>> -> memref<1x128x32xf32, #tpu.memory_space<vmem>>
      %dma_wait3A_122 = tpu.memref_squeeze %dma_wait3A_121 : memref<1x128x32xf32, #tpu.memory_space<vmem>> -> memref<128x32xf32, #tpu.memory_space<vmem>>
      %dma_wait3A_123 = arith.constant 0 : i32
      %dma_wait3A_124 = tpu.memref_slice %arg7[%add3A_116, %dma_wait3A_123] : memref<160x128xi32, #tpu.memory_space<vmem>> -> memref<1x128xi32, #tpu.memory_space<vmem>>
      %dma_wait3A_125 = tpu.memref_squeeze %dma_wait3A_124 : memref<1x128xi32, #tpu.memory_space<vmem>> -> memref<128xi32, #tpu.memory_space<vmem>>
      %dma_wait3A_126 = arith.constant 0 : i32
      %dma_wait3A_127 = arith.constant 0 : i32
      %dma_wait3A_128 = tpu.memref_slice %arg2[%dma_wait3A_126, %dma_wait3A_127] : memref<20000x32xf32, #tpu.memory_space<hbm>> -> memref<20000x32xf32, #tpu.memory_space<hbm>>
      %dma_wait3A_129 = tpu.memref_slice %arg10[%dma_wait3A_118] : memref<4x!tpu.dma_semaphore, #tpu.memory_space<semaphore_mem>> -> memref<1x!tpu.dma_semaphore, #tpu.memory_space<semaphore_mem>>
      %dma_wait3A_130 = tpu.memref_squeeze %dma_wait3A_129 : memref<1x!tpu.dma_semaphore, #tpu.memory_space<semaphore_mem>> -> memref<!tpu.dma_semaphore, #tpu.memory_space<semaphore_mem>>
      tpu.wait_indirect_dma semaphore(%dma_wait3A_130 : memref<!tpu.dma_semaphore, #tpu.memory_space<semaphore_mem>>) src(%dma_wait3A_128 : memref<20000x32xf32, #tpu.memory_space<hbm>>) dst(%dma_wait3A_122 : memref<128x32xf32, #tpu.memory_space<vmem>>)
      %run_scoped3A_131 = arith.constant 2 : i32
      "tpu.region"() ({
        %run_scoped3A_161 = tpu.sem_alloc : memref<!tpu.dma_semaphore, #tpu.memory_space<semaphore_mem>>
        %dma_start3A_162 = arith.constant 0 : i32
        %dma_start3A_163 = arith.constant 0 : i32
        %dma_start3A_164 = tpu.memref_slice %arg9[%run_scoped3A_131, %dma_start3A_162, %dma_start3A_163] : memref<4x128x32xf32, #tpu.memory_space<vmem>> -> memref<1x128x32xf32, #tpu.memory_space<vmem>>
        %dma_start3A_165 = tpu.memref_squeeze %dma_start3A_164 : memref<1x128x32xf32, #tpu.memory_space<vmem>> -> memref<128x32xf32, #tpu.memory_space<vmem>>
        %dma_start3A_166 = arith.constant 0 : i32
        %dma_start3A_167 = tpu.memref_slice %arg8[%add3A_116, %dma_start3A_166] : memref<160x128xi32, #tpu.memory_space<vmem>> -> memref<1x128xi32, #tpu.memory_space<vmem>>
        %dma_start3A_168 = tpu.memref_squeeze %dma_start3A_167 : memref<1x128xi32, #tpu.memory_space<vmem>> -> memref<128xi32, #tpu.memory_space<vmem>>
        %dma_start3A_169 = arith.constant 0 : i32
        %dma_start3A_170 = arith.constant 0 : i32
        %dma_start3A_171 = tpu.memref_slice %arg11[%dma_start3A_169, %dma_start3A_170] : memref<10112x32xf32, #tpu.memory_space<vmem_shared>> -> memref<10112x32xf32, #tpu.memory_space<vmem_shared>>
        tpu.enqueue_indirect_dma source(%dma_start3A_165 : memref<128x32xf32, #tpu.memory_space<vmem>>) target(%dma_start3A_171 : memref<10112x32xf32, #tpu.memory_space<vmem_shared>>) offsets(%dma_start3A_168 : memref<128xi32, #tpu.memory_space<vmem>>) semaphore(%run_scoped3A_161 : memref<!tpu.dma_semaphore, #tpu.memory_space<semaphore_mem>>) {add = true}
        %dma_wait3A_172 = arith.constant 0 : i32
        %dma_wait3A_173 = arith.constant 0 : i32
        %dma_wait3A_174 = tpu.memref_slice %arg9[%run_scoped3A_131, %dma_wait3A_172, %dma_wait3A_173] : memref<4x128x32xf32, #tpu.memory_space<vmem>> -> memref<1x128x32xf32, #tpu.memory_space<vmem>>
        %dma_wait3A_175 = tpu.memref_squeeze %dma_wait3A_174 : memref<1x128x32xf32, #tpu.memory_space<vmem>> -> memref<128x32xf32, #tpu.memory_space<vmem>>
        %dma_wait3A_176 = arith.constant 0 : i32
        %dma_wait3A_177 = tpu.memref_slice %arg8[%add3A_116, %dma_wait3A_176] : memref<160x128xi32, #tpu.memory_space<vmem>> -> memref<1x128xi32, #tpu.memory_space<vmem>>
        %dma_wait3A_178 = tpu.memref_squeeze %dma_wait3A_177 : memref<1x128xi32, #tpu.memory_space<vmem>> -> memref<128xi32, #tpu.memory_space<vmem>>
        %dma_wait3A_179 = arith.constant 0 : i32
        %dma_wait3A_180 = arith.constant 0 : i32
        %dma_wait3A_181 = tpu.memref_slice %arg11[%dma_wait3A_179, %dma_wait3A_180] : memref<10112x32xf32, #tpu.memory_space<vmem_shared>> -> memref<10112x32xf32, #tpu.memory_space<vmem_shared>>
        tpu.wait_indirect_dma semaphore(%run_scoped3A_161 : memref<!tpu.dma_semaphore, #tpu.memory_space<semaphore_mem>>) src(%dma_wait3A_175 : memref<128x32xf32, #tpu.memory_space<vmem>>) dst(%dma_wait3A_181 : memref<10112x32xf32, #tpu.memory_space<vmem_shared>>)
        tpu.yield
      }) : () -> ()
      %lt3A_132 = arith.constant 39 : i32
      %lt3A_133 = arith.cmpi slt, %scan3A_70, %lt3A_132 : i32
      %convert_element_type3A_134 = arith.extui %lt3A_133 : i1 to i32
      %cond3A_135 = arith.constant 0 : i32
      %cond3A_136 = arith.cmpi ne, %convert_element_type3A_134, %cond3A_135 : i32
      scf.if %cond3A_136 {
        %add3A_161 = arith.constant 4 : i32
        %add3A_162 = arith.addi %add3A_116, %add3A_161 : i32
        %dma_start3A_163 = arith.constant 2 : i32
        %dma_start3A_164 = arith.constant 2 : i32
        %dma_start3A_165 = arith.constant 0 : i32
        %dma_start3A_166 = arith.constant 0 : i32
        %dma_start3A_167 = tpu.memref_slice %arg9[%dma_start3A_163, %dma_start3A_165, %dma_start3A_166] : memref<4x128x32xf32, #tpu.memory_space<vmem>> -> memref<1x128x32xf32, #tpu.memory_space<vmem>>
        %dma_start3A_168 = tpu.memref_squeeze %dma_start3A_167 : memref<1x128x32xf32, #tpu.memory_space<vmem>> -> memref<128x32xf32, #tpu.memory_space<vmem>>
        %dma_start3A_169 = arith.constant 0 : i32
        %dma_start3A_170 = tpu.memref_slice %arg7[%add3A_162, %dma_start3A_169] : memref<160x128xi32, #tpu.memory_space<vmem>> -> memref<1x128xi32, #tpu.memory_space<vmem>>
        %dma_start3A_171 = tpu.memref_squeeze %dma_start3A_170 : memref<1x128xi32, #tpu.memory_space<vmem>> -> memref<128xi32, #tpu.memory_space<vmem>>
        %dma_start3A_172 = arith.constant 0 : i32
        %dma_start3A_173 = arith.constant 0 : i32
        %dma_start3A_174 = tpu.memref_slice %arg2[%dma_start3A_172, %dma_start3A_173] : memref<20000x32xf32, #tpu.memory_space<hbm>> -> memref<20000x32xf32, #tpu.memory_space<hbm>>
        %dma_start3A_175 = tpu.memref_slice %arg10[%dma_start3A_164] : memref<4x!tpu.dma_semaphore, #tpu.memory_space<semaphore_mem>> -> memref<1x!tpu.dma_semaphore, #tpu.memory_space<semaphore_mem>>
        %dma_start3A_176 = tpu.memref_squeeze %dma_start3A_175 : memref<1x!tpu.dma_semaphore, #tpu.memory_space<semaphore_mem>> -> memref<!tpu.dma_semaphore, #tpu.memory_space<semaphore_mem>>
        tpu.enqueue_indirect_dma source(%dma_start3A_174 : memref<20000x32xf32, #tpu.memory_space<hbm>>) target(%dma_start3A_168 : memref<128x32xf32, #tpu.memory_space<vmem>>) offsets(%dma_start3A_171 : memref<128xi32, #tpu.memory_space<vmem>>) semaphore(%dma_start3A_176 : memref<!tpu.dma_semaphore, #tpu.memory_space<semaphore_mem>>)
      } else {
      }
      %mul3A_137 = arith.constant 4 : i32
      %mul3A_138 = arith.muli %scan3A_70, %mul3A_137 : i32
      %add3A_139 = arith.constant 3 : i32
      %add3A_140 = arith.addi %mul3A_138, %add3A_139 : i32
      %dma_wait3A_141 = arith.constant 3 : i32
      %dma_wait3A_142 = arith.constant 3 : i32
      %dma_wait3A_143 = arith.constant 0 : i32
      %dma_wait3A_144 = arith.constant 0 : i32
      %dma_wait3A_145 = tpu.memref_slice %arg9[%dma_wait3A_141, %dma_wait3A_143, %dma_wait3A_144] : memref<4x128x32xf32, #tpu.memory_space<vmem>> -> memref<1x128x32xf32, #tpu.memory_space<vmem>>
      %dma_wait3A_146 = tpu.memref_squeeze %dma_wait3A_145 : memref<1x128x32xf32, #tpu.memory_space<vmem>> -> memref<128x32xf32, #tpu.memory_space<vmem>>
      %dma_wait3A_147 = arith.constant 0 : i32
      %dma_wait3A_148 = tpu.memref_slice %arg7[%add3A_140, %dma_wait3A_147] : memref<160x128xi32, #tpu.memory_space<vmem>> -> memref<1x128xi32, #tpu.memory_space<vmem>>
      %dma_wait3A_149 = tpu.memref_squeeze %dma_wait3A_148 : memref<1x128xi32, #tpu.memory_space<vmem>> -> memref<128xi32, #tpu.memory_space<vmem>>
      %dma_wait3A_150 = arith.constant 0 : i32
      %dma_wait3A_151 = arith.constant 0 : i32
      %dma_wait3A_152 = tpu.memref_slice %arg2[%dma_wait3A_150, %dma_wait3A_151] : memref<20000x32xf32, #tpu.memory_space<hbm>> -> memref<20000x32xf32, #tpu.memory_space<hbm>>
      %dma_wait3A_153 = tpu.memref_slice %arg10[%dma_wait3A_142] : memref<4x!tpu.dma_semaphore, #tpu.memory_space<semaphore_mem>> -> memref<1x!tpu.dma_semaphore, #tpu.memory_space<semaphore_mem>>
      %dma_wait3A_154 = tpu.memref_squeeze %dma_wait3A_153 : memref<1x!tpu.dma_semaphore, #tpu.memory_space<semaphore_mem>> -> memref<!tpu.dma_semaphore, #tpu.memory_space<semaphore_mem>>
      tpu.wait_indirect_dma semaphore(%dma_wait3A_154 : memref<!tpu.dma_semaphore, #tpu.memory_space<semaphore_mem>>) src(%dma_wait3A_152 : memref<20000x32xf32, #tpu.memory_space<hbm>>) dst(%dma_wait3A_146 : memref<128x32xf32, #tpu.memory_space<vmem>>)
      %run_scoped3A_155 = arith.constant 3 : i32
      "tpu.region"() ({
        %run_scoped3A_161 = tpu.sem_alloc : memref<!tpu.dma_semaphore, #tpu.memory_space<semaphore_mem>>
        %dma_start3A_162 = arith.constant 0 : i32
        %dma_start3A_163 = arith.constant 0 : i32
        %dma_start3A_164 = tpu.memref_slice %arg9[%run_scoped3A_155, %dma_start3A_162, %dma_start3A_163] : memref<4x128x32xf32, #tpu.memory_space<vmem>> -> memref<1x128x32xf32, #tpu.memory_space<vmem>>
        %dma_start3A_165 = tpu.memref_squeeze %dma_start3A_164 : memref<1x128x32xf32, #tpu.memory_space<vmem>> -> memref<128x32xf32, #tpu.memory_space<vmem>>
        %dma_start3A_166 = arith.constant 0 : i32
        %dma_start3A_167 = tpu.memref_slice %arg8[%add3A_140, %dma_start3A_166] : memref<160x128xi32, #tpu.memory_space<vmem>> -> memref<1x128xi32, #tpu.memory_space<vmem>>
        %dma_start3A_168 = tpu.memref_squeeze %dma_start3A_167 : memref<1x128xi32, #tpu.memory_space<vmem>> -> memref<128xi32, #tpu.memory_space<vmem>>
        %dma_start3A_169 = arith.constant 0 : i32
        %dma_start3A_170 = arith.constant 0 : i32
        %dma_start3A_171 = tpu.memref_slice %arg11[%dma_start3A_169, %dma_start3A_170] : memref<10112x32xf32, #tpu.memory_space<vmem_shared>> -> memref<10112x32xf32, #tpu.memory_space<vmem_shared>>
        tpu.enqueue_indirect_dma source(%dma_start3A_165 : memref<128x32xf32, #tpu.memory_space<vmem>>) target(%dma_start3A_171 : memref<10112x32xf32, #tpu.memory_space<vmem_shared>>) offsets(%dma_start3A_168 : memref<128xi32, #tpu.memory_space<vmem>>) semaphore(%run_scoped3A_161 : memref<!tpu.dma_semaphore, #tpu.memory_space<semaphore_mem>>) {add = true}
        %dma_wait3A_172 = arith.constant 0 : i32
        %dma_wait3A_173 = arith.constant 0 : i32
        %dma_wait3A_174 = tpu.memref_slice %arg9[%run_scoped3A_155, %dma_wait3A_172, %dma_wait3A_173] : memref<4x128x32xf32, #tpu.memory_space<vmem>> -> memref<1x128x32xf32, #tpu.memory_space<vmem>>
        %dma_wait3A_175 = tpu.memref_squeeze %dma_wait3A_174 : memref<1x128x32xf32, #tpu.memory_space<vmem>> -> memref<128x32xf32, #tpu.memory_space<vmem>>
        %dma_wait3A_176 = arith.constant 0 : i32
        %dma_wait3A_177 = tpu.memref_slice %arg8[%add3A_140, %dma_wait3A_176] : memref<160x128xi32, #tpu.memory_space<vmem>> -> memref<1x128xi32, #tpu.memory_space<vmem>>
        %dma_wait3A_178 = tpu.memref_squeeze %dma_wait3A_177 : memref<1x128xi32, #tpu.memory_space<vmem>> -> memref<128xi32, #tpu.memory_space<vmem>>
        %dma_wait3A_179 = arith.constant 0 : i32
        %dma_wait3A_180 = arith.constant 0 : i32
        %dma_wait3A_181 = tpu.memref_slice %arg11[%dma_wait3A_179, %dma_wait3A_180] : memref<10112x32xf32, #tpu.memory_space<vmem_shared>> -> memref<10112x32xf32, #tpu.memory_space<vmem_shared>>
        tpu.wait_indirect_dma semaphore(%run_scoped3A_161 : memref<!tpu.dma_semaphore, #tpu.memory_space<semaphore_mem>>) src(%dma_wait3A_175 : memref<128x32xf32, #tpu.memory_space<vmem>>) dst(%dma_wait3A_181 : memref<10112x32xf32, #tpu.memory_space<vmem_shared>>)
        tpu.yield
      }) : () -> ()
      %lt3A_156 = arith.constant 39 : i32
      %lt3A_157 = arith.cmpi slt, %scan3A_70, %lt3A_156 : i32
      %convert_element_type3A_158 = arith.extui %lt3A_157 : i1 to i32
      %cond3A_159 = arith.constant 0 : i32
      %cond3A_160 = arith.cmpi ne, %convert_element_type3A_158, %cond3A_159 : i32
      scf.if %cond3A_160 {
        %add3A_161 = arith.constant 4 : i32
        %add3A_162 = arith.addi %add3A_140, %add3A_161 : i32
        %dma_start3A_163 = arith.constant 3 : i32
        %dma_start3A_164 = arith.constant 3 : i32
        %dma_start3A_165 = arith.constant 0 : i32
        %dma_start3A_166 = arith.constant 0 : i32
        %dma_start3A_167 = tpu.memref_slice %arg9[%dma_start3A_163, %dma_start3A_165, %dma_start3A_166] : memref<4x128x32xf32, #tpu.memory_space<vmem>> -> memref<1x128x32xf32, #tpu.memory_space<vmem>>
        %dma_start3A_168 = tpu.memref_squeeze %dma_start3A_167 : memref<1x128x32xf32, #tpu.memory_space<vmem>> -> memref<128x32xf32, #tpu.memory_space<vmem>>
        %dma_start3A_169 = arith.constant 0 : i32
        %dma_start3A_170 = tpu.memref_slice %arg7[%add3A_162, %dma_start3A_169] : memref<160x128xi32, #tpu.memory_space<vmem>> -> memref<1x128xi32, #tpu.memory_space<vmem>>
        %dma_start3A_171 = tpu.memref_squeeze %dma_start3A_170 : memref<1x128xi32, #tpu.memory_space<vmem>> -> memref<128xi32, #tpu.memory_space<vmem>>
        %dma_start3A_172 = arith.constant 0 : i32
        %dma_start3A_173 = arith.constant 0 : i32
        %dma_start3A_174 = tpu.memref_slice %arg2[%dma_start3A_172, %dma_start3A_173] : memref<20000x32xf32, #tpu.memory_space<hbm>> -> memref<20000x32xf32, #tpu.memory_space<hbm>>
        %dma_start3A_175 = tpu.memref_slice %arg10[%dma_start3A_164] : memref<4x!tpu.dma_semaphore, #tpu.memory_space<semaphore_mem>> -> memref<1x!tpu.dma_semaphore, #tpu.memory_space<semaphore_mem>>
        %dma_start3A_176 = tpu.memref_squeeze %dma_start3A_175 : memref<1x!tpu.dma_semaphore, #tpu.memory_space<semaphore_mem>> -> memref<!tpu.dma_semaphore, #tpu.memory_space<semaphore_mem>>
        tpu.enqueue_indirect_dma source(%dma_start3A_174 : memref<20000x32xf32, #tpu.memory_space<hbm>>) target(%dma_start3A_168 : memref<128x32xf32, #tpu.memory_space<vmem>>) offsets(%dma_start3A_171 : memref<128xi32, #tpu.memory_space<vmem>>) semaphore(%dma_start3A_176 : memref<!tpu.dma_semaphore, #tpu.memory_space<semaphore_mem>>)
      } else {
      }
    }
    %scan3A_64 = arith.constant 40 : i32
    %barrier3A_65 = arith.constant 0 : index
    tpu.barrier barrier_id(%barrier3A_65)
    %mul3A_66 = arith.constant 632 : i32
    %mul3A_67 = arith.muli %arg1, %mul3A_66 : i32
    %mul3A_68 = arith.constant 632 : i32
    %mul3A_69 = arith.muli %arg1, %mul3A_68 : i32
    "tpu.region"() ({
      %run_scoped3A = tpu.sem_alloc : memref<!tpu.dma_semaphore, #tpu.memory_space<semaphore_mem>>
      %dma_start3A_70 = arith.constant 0 : i32
      %dma_start3A_71 = tpu.memref_slice %arg6[%arg0, %mul3A_69, %dma_start3A_70] : memref<2x10112x32xf32, #tpu.memory_space<hbm>> -> memref<1x632x32xf32, #tpu.memory_space<hbm>>
      %dma_start3A_72 = tpu.memref_squeeze %dma_start3A_71 : memref<1x632x32xf32, #tpu.memory_space<hbm>> -> memref<632x32xf32, #tpu.memory_space<hbm>>
      %dma_start3A_73 = arith.constant 0 : i32
      %dma_start3A_74 = tpu.memref_slice %arg11[%mul3A_67, %dma_start3A_73] : memref<10112x32xf32, #tpu.memory_space<vmem_shared>> -> memref<632x32xf32, #tpu.memory_space<vmem_shared>>
      tpu.enqueue_dma source(%dma_start3A_74 : memref<632x32xf32, #tpu.memory_space<vmem_shared>>) target(%dma_start3A_72 : memref<632x32xf32, #tpu.memory_space<hbm>>) target_semaphore(%run_scoped3A : memref<!tpu.dma_semaphore, #tpu.memory_space<semaphore_mem>>)
      %dma_wait3A = arith.constant 0 : i32
      %dma_wait3A_75 = tpu.memref_slice %arg6[%arg0, %mul3A_69, %dma_wait3A] : memref<2x10112x32xf32, #tpu.memory_space<hbm>> -> memref<1x632x32xf32, #tpu.memory_space<hbm>>
      %dma_wait3A_76 = tpu.memref_squeeze %dma_wait3A_75 : memref<1x632x32xf32, #tpu.memory_space<hbm>> -> memref<632x32xf32, #tpu.memory_space<hbm>>
      %dma_wait3A_77 = arith.constant 0 : i32
      %dma_wait3A_78 = tpu.memref_slice %arg11[%mul3A_67, %dma_wait3A_77] : memref<10112x32xf32, #tpu.memory_space<vmem_shared>> -> memref<632x32xf32, #tpu.memory_space<vmem_shared>>
      tpu.wait_dma2 semaphore(%run_scoped3A : memref<!tpu.dma_semaphore, #tpu.memory_space<semaphore_mem>>) src(%dma_wait3A_78 : memref<632x32xf32, #tpu.memory_space<vmem_shared>>) dst(%dma_wait3A_76 : memref<632x32xf32, #tpu.memory_space<hbm>>)
      tpu.yield
    }) : () -> ()
    return
  }
}

module attributes {stable_mosaic.version = 14 : i64} {
  func.func @_tc_pre_body(%arg0: memref<10000x128xf32, #tpu.memory_space<vmem>>, %arg1: memref<128x64xf32, #tpu.memory_space<vmem>>, %arg2: memref<10000x64xf32, #tpu.memory_space<vmem>>) attributes {dimension_semantics = [], scalar_prefetch = 0 : i64, scratch_operands = 0 : i64, tpu.core_type = #tpu.core_type<tc>} {
    %get3A = arith.constant 0 : index
    %get3A_0 = arith.constant 0 : index
    %get3A_1 = vector.load %arg0[%get3A, %get3A_0] : memref<10000x128xf32, #tpu.memory_space<vmem>>, vector<10000x128xf32>
    %get3A_2 = arith.constant 0 : index
    %get3A_3 = arith.constant 0 : index
    %get3A_4 = vector.load %arg1[%get3A_2, %get3A_3] : memref<128x64xf32, #tpu.memory_space<vmem>>, vector<128x64xf32>
    %dot_general3A = arith.constant dense<0.000000e+00> : vector<10000x64xf32>
    %dot_general3A_5 = tpu.matmul %get3A_1, %get3A_4, %dot_general3A {dimension_numbers = #tpu.dot_dimension_numbers<[1], [0], [0], [1], [0, 0, 1, 1], [], []>, transpose_lhs_hint = false} : vector<10000x128xf32>, vector<128x64xf32>, vector<10000x64xf32> -> vector<10000x64xf32>
    %swap3A = arith.constant 0 : index
    %swap3A_6 = arith.constant 0 : index
    %swap3A_7 = vector.load %arg2[%swap3A, %swap3A_6] : memref<10000x64xf32, #tpu.memory_space<vmem>>, vector<10000x64xf32>
    tpu.vector_store %arg2[%swap3A, %swap3A_6], %dot_general3A_5 {strides = array<i32>} : memref<10000x64xf32, #tpu.memory_space<vmem>>, vector<10000x64xf32>,
    return
  }
}

module attributes {stable_mosaic.version = 14 : i64} {
  func.func @_tc_layer_body(%arg0: memref<10000x64xf32, #tpu.memory_space<vmem>>, %arg1: memref<2x10112x32xf32, #tpu.memory_space<vmem>>, %arg2: memref<1x64xf32, #tpu.memory_space<vmem>>, %arg3: memref<64x64xf32, #tpu.memory_space<vmem>>, %arg4: memref<1x64xf32, #tpu.memory_space<vmem>>, %arg5: memref<1x1xf32, #tpu.memory_space<vmem>>, %arg6: memref<1x64xf32, #tpu.memory_space<vmem>>, %arg7: memref<1x64xf32, #tpu.memory_space<vmem>>, %arg8: memref<64x64xf32, #tpu.memory_space<vmem>>, %arg9: memref<10000x64xf32, #tpu.memory_space<vmem>>) attributes {dimension_semantics = [], scalar_prefetch = 0 : i64, scratch_operands = 0 : i64, tpu.core_type = #tpu.core_type<tc>} {
    %get3A = arith.constant 0 : index
    %get3A_0 = arith.constant 0 : index
    %get3A_1 = vector.load %arg0[%get3A, %get3A_0] : memref<10000x64xf32, #tpu.memory_space<vmem>>, vector<10000x64xf32>
    %get3A_2 = arith.constant 0 : index
    %get3A_3 = arith.constant 0 : index
    %get3A_4 = arith.constant 0 : index
    %get3A_5 = vector.load %arg1[%get3A_2, %get3A_3, %get3A_4] : memref<2x10112x32xf32, #tpu.memory_space<vmem>>, vector<1x10000x32xf32>
    %get3A_6 = vector.shape_cast %get3A_5 : vector<1x10000x32xf32> to vector<10000x32xf32>
    %get3A_7 = arith.constant 1 : index
    %get3A_8 = arith.constant 0 : index
    %get3A_9 = arith.constant 0 : index
    %get3A_10 = vector.load %arg1[%get3A_7, %get3A_8, %get3A_9] : memref<2x10112x32xf32, #tpu.memory_space<vmem>>, vector<1x10000x32xf32>
    %get3A_11 = vector.shape_cast %get3A_10 : vector<1x10000x32xf32> to vector<10000x32xf32>
    %concatenate3A = tpu.concatenate %get3A_6, %get3A_11 in 1 : vector<10000x32xf32>, vector<10000x32xf32> -> vector<10000x64xf32>
    %get3A_12 = arith.constant 0 : index
    %get3A_13 = arith.constant 0 : index
    %get3A_14 = vector.load %arg5[%get3A_12, %get3A_13] : memref<1x1xf32, #tpu.memory_space<vmem>>, vector<1x1xf32>
    %add3A = arith.constant 1.000000e+00 : f32
    %add3A_15 = vector.broadcast %add3A : f32 to vector<1x1xf32>
    %add3A_16 = arith.addf %add3A_15, %get3A_14 : vector<1x1xf32>
    %mul3A = vector.broadcast %add3A_16 : vector<1x1xf32> to vector<10000x64xf32>
    %mul3A_17 = arith.mulf %mul3A, %get3A_1 : vector<10000x64xf32>
    %add3A_18 = arith.addf %mul3A_17, %concatenate3A : vector<10000x64xf32>
    %get3A_19 = arith.constant 0 : index
    %get3A_20 = arith.constant 0 : index
    %get3A_21 = vector.load %arg2[%get3A_19, %get3A_20] : memref<1x64xf32, #tpu.memory_space<vmem>>, vector<1x64xf32>
    %add3A_22 = vector.broadcast %get3A_21 : vector<1x64xf32> to vector<10000x64xf32>
    %add3A_23 = arith.addf %add3A_18, %add3A_22 : vector<10000x64xf32>
    %max3A = arith.constant 0.000000e+00 : f32
    %max3A_24 = vector.broadcast %max3A : f32 to vector<10000x64xf32>
    %max3A_25 = arith.maximumf %add3A_23, %max3A_24 : vector<10000x64xf32>
    %get3A_26 = arith.constant 0 : index
    %get3A_27 = arith.constant 0 : index
    %get3A_28 = vector.load %arg3[%get3A_26, %get3A_27] : memref<64x64xf32, #tpu.memory_space<vmem>>, vector<64x64xf32>
    %dot_general3A = arith.constant dense<0.000000e+00> : vector<10000x64xf32>
    %dot_general3A_29 = tpu.matmul %max3A_25, %get3A_28, %dot_general3A {dimension_numbers = #tpu.dot_dimension_numbers<[1], [0], [0], [1], [0, 0, 1, 1], [], []>, transpose_lhs_hint = false} : vector<10000x64xf32>, vector<64x64xf32>, vector<10000x64xf32> -> vector<10000x64xf32>
    %get3A_30 = arith.constant 0 : index
    %get3A_31 = arith.constant 0 : index
    %get3A_32 = vector.load %arg4[%get3A_30, %get3A_31] : memref<1x64xf32, #tpu.memory_space<vmem>>, vector<1x64xf32>
    %add3A_33 = vector.broadcast %get3A_32 : vector<1x64xf32> to vector<10000x64xf32>
    %add3A_34 = arith.addf %dot_general3A_29, %add3A_33 : vector<10000x64xf32>
    %reduce_sum3A = arith.constant dense<0.000000e+00> : vector<64xf32>
    %reduce_sum3A_35 = vector.multi_reduction <add>, %add3A_34, %reduce_sum3A [0] : vector<10000x64xf32> to vector<64xf32>
    %broadcast_in_dim3A = vector.shape_cast %reduce_sum3A_35 : vector<64xf32> to vector<1x64xf32>
    %div3A = arith.constant 1.000000e+04 : f32
    %div3A_36 = vector.broadcast %div3A : f32 to vector<1x64xf32>
    %div3A_37 = arith.divf %broadcast_in_dim3A, %div3A_36 : vector<1x64xf32>
    %sub3A = vector.broadcast %div3A_37 : vector<1x64xf32> to vector<10000x64xf32>
    %sub3A_38 = arith.subf %add3A_34, %sub3A : vector<10000x64xf32>
    %mul3A_39 = arith.mulf %sub3A_38, %sub3A_38 : vector<10000x64xf32>
    %reduce_sum3A_40 = arith.constant dense<0.000000e+00> : vector<64xf32>
    %reduce_sum3A_41 = vector.multi_reduction <add>, %mul3A_39, %reduce_sum3A_40 [0] : vector<10000x64xf32> to vector<64xf32>
    %broadcast_in_dim3A_42 = vector.shape_cast %reduce_sum3A_41 : vector<64xf32> to vector<1x64xf32>
    %div3A_43 = arith.constant 1.000000e+04 : f32
    %div3A_44 = vector.broadcast %div3A_43 : f32 to vector<1x64xf32>
    %div3A_45 = arith.divf %broadcast_in_dim3A_42, %div3A_44 : vector<1x64xf32>
    %add3A_46 = arith.constant 9.99999974E-6 : f32
    %add3A_47 = vector.broadcast %add3A_46 : f32 to vector<1x64xf32>
    %add3A_48 = arith.addf %div3A_45, %add3A_47 : vector<1x64xf32>
    %rsqrt3A = math.rsqrt %add3A_48 : vector<1x64xf32>
    %mul3A_49 = vector.broadcast %rsqrt3A : vector<1x64xf32> to vector<10000x64xf32>
    %mul3A_50 = arith.mulf %sub3A_38, %mul3A_49 : vector<10000x64xf32>
    %get3A_51 = arith.constant 0 : index
    %get3A_52 = arith.constant 0 : index
    %get3A_53 = vector.load %arg6[%get3A_51, %get3A_52] : memref<1x64xf32, #tpu.memory_space<vmem>>, vector<1x64xf32>
    %mul3A_54 = vector.broadcast %get3A_53 : vector<1x64xf32> to vector<10000x64xf32>
    %mul3A_55 = arith.mulf %mul3A_50, %mul3A_54 : vector<10000x64xf32>
    %get3A_56 = arith.constant 0 : index
    %get3A_57 = arith.constant 0 : index
    %get3A_58 = vector.load %arg7[%get3A_56, %get3A_57] : memref<1x64xf32, #tpu.memory_space<vmem>>, vector<1x64xf32>
    %add3A_59 = vector.broadcast %get3A_58 : vector<1x64xf32> to vector<10000x64xf32>
    %add3A_60 = arith.addf %mul3A_55, %add3A_59 : vector<10000x64xf32>
    %max3A_61 = arith.constant 0.000000e+00 : f32
    %max3A_62 = vector.broadcast %max3A_61 : f32 to vector<10000x64xf32>
    %max3A_63 = arith.maximumf %add3A_60, %max3A_62 : vector<10000x64xf32>
    %get3A_64 = arith.constant 0 : index
    %get3A_65 = arith.constant 0 : index
    %get3A_66 = vector.load %arg8[%get3A_64, %get3A_65] : memref<64x64xf32, #tpu.memory_space<vmem>>, vector<64x64xf32>
    %dot_general3A_67 = arith.constant dense<0.000000e+00> : vector<10000x64xf32>
    %dot_general3A_68 = tpu.matmul %max3A_63, %get3A_66, %dot_general3A_67 {dimension_numbers = #tpu.dot_dimension_numbers<[1], [0], [0], [1], [0, 0, 1, 1], [], []>, transpose_lhs_hint = false} : vector<10000x64xf32>, vector<64x64xf32>, vector<10000x64xf32> -> vector<10000x64xf32>
    %swap3A = arith.constant 0 : index
    %swap3A_69 = arith.constant 0 : index
    %swap3A_70 = vector.load %arg9[%swap3A, %swap3A_69] : memref<10000x64xf32, #tpu.memory_space<vmem>>, vector<10000x64xf32>
    tpu.vector_store %arg9[%swap3A, %swap3A_69], %dot_general3A_68 {strides = array<i32>} : memref<10000x64xf32, #tpu.memory_space<vmem>>, vector<10000x64xf32>,
    return
  }
}

module attributes {stable_mosaic.version = 14 : i64} {
  func.func @_tc_final_body(%arg0: memref<10000x64xf32, #tpu.memory_space<vmem>>, %arg1: memref<2x10112x32xf32, #tpu.memory_space<vmem>>, %arg2: memref<10000x1xi32, #tpu.memory_space<vmem>>, %arg3: memref<1x64xf32, #tpu.memory_space<vmem>>, %arg4: memref<64x64xf32, #tpu.memory_space<vmem>>, %arg5: memref<1x64xf32, #tpu.memory_space<vmem>>, %arg6: memref<1x1xf32, #tpu.memory_space<vmem>>, %arg7: memref<1x64xf32, #tpu.memory_space<vmem>>, %arg8: memref<1x64xf32, #tpu.memory_space<vmem>>, %arg9: memref<64x2xf32, #tpu.memory_space<vmem>>, %arg10: memref<1x2xf32, #tpu.memory_space<vmem>>, %arg11: memref<64x2xf32, #tpu.memory_space<vmem>>) attributes {dimension_semantics = [], scalar_prefetch = 0 : i64, scratch_operands = 0 : i64, tpu.core_type = #tpu.core_type<tc>} {
    %get3A = arith.constant 0 : index
    %get3A_0 = arith.constant 0 : index
    %get3A_1 = vector.load %arg0[%get3A, %get3A_0] : memref<10000x64xf32, #tpu.memory_space<vmem>>, vector<10000x64xf32>
    %get3A_2 = arith.constant 0 : index
    %get3A_3 = arith.constant 0 : index
    %get3A_4 = arith.constant 0 : index
    %get3A_5 = vector.load %arg1[%get3A_2, %get3A_3, %get3A_4] : memref<2x10112x32xf32, #tpu.memory_space<vmem>>, vector<1x10000x32xf32>
    %get3A_6 = vector.shape_cast %get3A_5 : vector<1x10000x32xf32> to vector<10000x32xf32>
    %get3A_7 = arith.constant 1 : index
    %get3A_8 = arith.constant 0 : index
    %get3A_9 = arith.constant 0 : index
    %get3A_10 = vector.load %arg1[%get3A_7, %get3A_8, %get3A_9] : memref<2x10112x32xf32, #tpu.memory_space<vmem>>, vector<1x10000x32xf32>
    %get3A_11 = vector.shape_cast %get3A_10 : vector<1x10000x32xf32> to vector<10000x32xf32>
    %concatenate3A = tpu.concatenate %get3A_6, %get3A_11 in 1 : vector<10000x32xf32>, vector<10000x32xf32> -> vector<10000x64xf32>
    %get3A_12 = arith.constant 0 : index
    %get3A_13 = arith.constant 0 : index
    %get3A_14 = vector.load %arg6[%get3A_12, %get3A_13] : memref<1x1xf32, #tpu.memory_space<vmem>>, vector<1x1xf32>
    %add3A = arith.constant 1.000000e+00 : f32
    %add3A_15 = vector.broadcast %add3A : f32 to vector<1x1xf32>
    %add3A_16 = arith.addf %add3A_15, %get3A_14 : vector<1x1xf32>
    %mul3A = vector.broadcast %add3A_16 : vector<1x1xf32> to vector<10000x64xf32>
    %mul3A_17 = arith.mulf %mul3A, %get3A_1 : vector<10000x64xf32>
    %add3A_18 = arith.addf %mul3A_17, %concatenate3A : vector<10000x64xf32>
    %get3A_19 = arith.constant 0 : index
    %get3A_20 = arith.constant 0 : index
    %get3A_21 = vector.load %arg3[%get3A_19, %get3A_20] : memref<1x64xf32, #tpu.memory_space<vmem>>, vector<1x64xf32>
    %add3A_22 = vector.broadcast %get3A_21 : vector<1x64xf32> to vector<10000x64xf32>
    %add3A_23 = arith.addf %add3A_18, %add3A_22 : vector<10000x64xf32>
    %max3A = arith.constant 0.000000e+00 : f32
    %max3A_24 = vector.broadcast %max3A : f32 to vector<10000x64xf32>
    %max3A_25 = arith.maximumf %add3A_23, %max3A_24 : vector<10000x64xf32>
    %get3A_26 = arith.constant 0 : index
    %get3A_27 = arith.constant 0 : index
    %get3A_28 = vector.load %arg4[%get3A_26, %get3A_27] : memref<64x64xf32, #tpu.memory_space<vmem>>, vector<64x64xf32>
    %dot_general3A = arith.constant dense<0.000000e+00> : vector<10000x64xf32>
    %dot_general3A_29 = tpu.matmul %max3A_25, %get3A_28, %dot_general3A {dimension_numbers = #tpu.dot_dimension_numbers<[1], [0], [0], [1], [0, 0, 1, 1], [], []>, transpose_lhs_hint = false} : vector<10000x64xf32>, vector<64x64xf32>, vector<10000x64xf32> -> vector<10000x64xf32>
    %get3A_30 = arith.constant 0 : index
    %get3A_31 = arith.constant 0 : index
    %get3A_32 = vector.load %arg5[%get3A_30, %get3A_31] : memref<1x64xf32, #tpu.memory_space<vmem>>, vector<1x64xf32>
    %add3A_33 = vector.broadcast %get3A_32 : vector<1x64xf32> to vector<10000x64xf32>
    %add3A_34 = arith.addf %dot_general3A_29, %add3A_33 : vector<10000x64xf32>
    %reduce_sum3A = arith.constant dense<0.000000e+00> : vector<64xf32>
    %reduce_sum3A_35 = vector.multi_reduction <add>, %add3A_34, %reduce_sum3A [0] : vector<10000x64xf32> to vector<64xf32>
    %broadcast_in_dim3A = vector.shape_cast %reduce_sum3A_35 : vector<64xf32> to vector<1x64xf32>
    %div3A = arith.constant 1.000000e+04 : f32
    %div3A_36 = vector.broadcast %div3A : f32 to vector<1x64xf32>
    %div3A_37 = arith.divf %broadcast_in_dim3A, %div3A_36 : vector<1x64xf32>
    %sub3A = vector.broadcast %div3A_37 : vector<1x64xf32> to vector<10000x64xf32>
    %sub3A_38 = arith.subf %add3A_34, %sub3A : vector<10000x64xf32>
    %mul3A_39 = arith.mulf %sub3A_38, %sub3A_38 : vector<10000x64xf32>
    %reduce_sum3A_40 = arith.constant dense<0.000000e+00> : vector<64xf32>
    %reduce_sum3A_41 = vector.multi_reduction <add>, %mul3A_39, %reduce_sum3A_40 [0] : vector<10000x64xf32> to vector<64xf32>
    %broadcast_in_dim3A_42 = vector.shape_cast %reduce_sum3A_41 : vector<64xf32> to vector<1x64xf32>
    %div3A_43 = arith.constant 1.000000e+04 : f32
    %div3A_44 = vector.broadcast %div3A_43 : f32 to vector<1x64xf32>
    %div3A_45 = arith.divf %broadcast_in_dim3A_42, %div3A_44 : vector<1x64xf32>
    %add3A_46 = arith.constant 9.99999974E-6 : f32
    %add3A_47 = vector.broadcast %add3A_46 : f32 to vector<1x64xf32>
    %add3A_48 = arith.addf %div3A_45, %add3A_47 : vector<1x64xf32>
    %rsqrt3A = math.rsqrt %add3A_48 : vector<1x64xf32>
    %mul3A_49 = vector.broadcast %rsqrt3A : vector<1x64xf32> to vector<10000x64xf32>
    %mul3A_50 = arith.mulf %sub3A_38, %mul3A_49 : vector<10000x64xf32>
    %get3A_51 = arith.constant 0 : index
    %get3A_52 = arith.constant 0 : index
    %get3A_53 = vector.load %arg7[%get3A_51, %get3A_52] : memref<1x64xf32, #tpu.memory_space<vmem>>, vector<1x64xf32>
    %mul3A_54 = vector.broadcast %get3A_53 : vector<1x64xf32> to vector<10000x64xf32>
    %mul3A_55 = arith.mulf %mul3A_50, %mul3A_54 : vector<10000x64xf32>
    %get3A_56 = arith.constant 0 : index
    %get3A_57 = arith.constant 0 : index
    %get3A_58 = vector.load %arg8[%get3A_56, %get3A_57] : memref<1x64xf32, #tpu.memory_space<vmem>>, vector<1x64xf32>
    %add3A_59 = vector.broadcast %get3A_58 : vector<1x64xf32> to vector<10000x64xf32>
    %add3A_60 = arith.addf %mul3A_55, %add3A_59 : vector<10000x64xf32>
    %max3A_61 = arith.constant 0.000000e+00 : f32
    %max3A_62 = vector.broadcast %max3A_61 : f32 to vector<10000x64xf32>
    %max3A_63 = arith.maximumf %add3A_60, %max3A_62 : vector<10000x64xf32>
    %get3A_64 = arith.constant 0 : index
    %get3A_65 = arith.constant 0 : index
    %get3A_66 = vector.load %arg2[%get3A_64, %get3A_65] : memref<10000x1xi32, #tpu.memory_space<vmem>>, vector<10000x1xi32>
    %iota3A = tpu.iota {dimensions = array<i32: 1>} : vector<10000x64xi32>
    %eq3A = vector.broadcast %get3A_66 : vector<10000x1xi32> to vector<10000x64xi32>
    %eq3A_67 = arith.cmpi eq, %eq3A, %iota3A : vector<10000x64xi32>
    %convert_element_type3A = arith.extui %eq3A_67 : vector<10000x64xi1> to vector<10000x64xi32>
    %convert_element_type3A_68 = arith.sitofp %convert_element_type3A : vector<10000x64xi32> to vector<10000x64xf32>
    %reduce_sum3A_69 = arith.constant dense<0.000000e+00> : vector<64xf32>
    %reduce_sum3A_70 = vector.multi_reduction <add>, %convert_element_type3A_68, %reduce_sum3A_69 [0] : vector<10000x64xf32> to vector<64xf32>
    %broadcast_in_dim3A_71 = vector.shape_cast %reduce_sum3A_70 : vector<64xf32> to vector<1x64xf32>
    %max3A_72 = arith.constant 1.000000e+00 : f32
    %max3A_73 = vector.broadcast %max3A_72 : f32 to vector<1x64xf32>
    %max3A_74 = arith.maximumf %broadcast_in_dim3A_71, %max3A_73 : vector<1x64xf32>
    %div3A_75 = arith.constant 1.000000e+00 : f32
    %div3A_76 = vector.broadcast %div3A_75 : f32 to vector<1x64xf32>
    %div3A_77 = arith.divf %div3A_76, %max3A_74 : vector<1x64xf32>
    %mul3A_78 = vector.broadcast %div3A_77 : vector<1x64xf32> to vector<10000x64xf32>
    %mul3A_79 = arith.mulf %convert_element_type3A_68, %mul3A_78 : vector<10000x64xf32>
    %dot_general3A_80 = arith.constant dense<0.000000e+00> : vector<64x64xf32>
    %dot_general3A_81 = tpu.matmul %mul3A_79, %max3A_63, %dot_general3A_80 {dimension_numbers = #tpu.dot_dimension_numbers<[0], [0], [1], [1], [0, 1, 1, 1], [], []>, transpose_lhs_hint = false} : vector<10000x64xf32>, vector<10000x64xf32>, vector<64x64xf32> -> vector<64x64xf32>
    %get3A_82 = arith.constant 0 : index
    %get3A_83 = arith.constant 0 : index
    %get3A_84 = vector.load %arg9[%get3A_82, %get3A_83] : memref<64x2xf32, #tpu.memory_space<vmem>>, vector<64x2xf32>
    %dot_general3A_85 = arith.constant dense<0.000000e+00> : vector<64x2xf32>
    %dot_general3A_86 = tpu.matmul %dot_general3A_81, %get3A_84, %dot_general3A_85 {dimension_numbers = #tpu.dot_dimension_numbers<[1], [0], [0], [1], [0, 0, 1, 1], [], []>, transpose_lhs_hint = false} : vector<64x64xf32>, vector<64x2xf32>, vector<64x2xf32> -> vector<64x2xf32>
    %get3A_87 = arith.constant 0 : index
    %get3A_88 = arith.constant 0 : index
    %get3A_89 = vector.load %arg10[%get3A_87, %get3A_88] : memref<1x2xf32, #tpu.memory_space<vmem>>, vector<1x2xf32>
    %add3A_90 = vector.broadcast %get3A_89 : vector<1x2xf32> to vector<64x2xf32>
    %add3A_91 = arith.addf %dot_general3A_86, %add3A_90 : vector<64x2xf32>
    %swap3A = arith.constant 0 : index
    %swap3A_92 = arith.constant 0 : index
    %swap3A_93 = vector.load %arg11[%swap3A, %swap3A_92] : memref<64x2xf32, #tpu.memory_space<vmem>>, vector<64x2xf32>
    tpu.vector_store %arg11[%swap3A, %swap3A_92], %add3A_91 {strides = array<i32>} : memref<64x2xf32, #tpu.memory_space<vmem>>, vector<64x2xf32>,
    return
  }
}

</mosaic_0001>

<sc_bundles>
// kernel: kernel.12.cloned.1.call-start
scs
__scs_entry_jumppad:
0x0: {  	(pc) =	sbr.rel $0x88, $3  }
0x1: {  	(tag) =	ssettag $0x0;
	lr =	simm.s32 $0x1  }
0x2: {  	[smem:$0x3F87] =	sst lr;
	_ =	strace $0xD0000000  }
0x3: {  	_ = 	snop  }
0x4: {  	_ = 	snop  }
0x5: {  	_ = 	snop  }
0x6: {  	_ = 	snop  }
0x7: {  	_ = 	snop  }
__scs_overlays_trampoline_lowered:
0x8: {  	[smem:$0x3F96] =	sst s0  }
0x9: {  	[smem:$0x3F97] =	sst s1  }
0xa: {  	[smem:$0x3F98] =	sst s2  }
0xb: {  	[smem:$0x3F99] =	sst s3  }
0xc: {  	[smem:$0x3F9A] =	sst s4  }
0xd: {  	[smem:$0x3F9B] =	sst s5  }
0xe: {  	[smem:$0x3F9C] =	sst s6  }
0xf: {  	[smem:$0x3F9D] =	sst s7  }
0x10: {  	[smem:$0x3F9E] =	sst s8  }
0x11: {  	[smem:$0x3F9F] =	sst s9;
	s0 =	simm.s32 @!p0 $0x0  }
0x12: {  	s1 =	sld [smem:$0x3F85];
	s0 =	simm.s32 @p0 $0x1  }
0x13: {  	[smem:$0x3FA0] =	sst s0;
	s0 =	simm.s32 @!p1 $0x0  }
0x14: {  	s2 =	sld [smem:$0x3F84];
	s0 =	simm.s32 @p1 $0x1  }
0x15: {  	[smem:$0x3FA1] =	sst s0;
	s0 =	simm.s32 @!p2 $0x0  }
0x16: {  	s3 =	sld [smem:$0x3FDB];
	s0 =	simm.s32 @p2 $0x1  }
0x17: {  	s4 =	simm.s32 $0x1BF5;
	[smem:$0x3FA3] =	sst s0  }
0x18: {  	s0 =	sld [smem:$0x3F86];
	_ =	swait.ge [sflag:s4], $0x0  }
0x19: {  	s7 =	sld [smem:$0x3F87]  }
0x1a: {  	s8 =	sadd.s32 $0xFFFFE003, lr  }
0x1b: {  	s9 =	sadd.s32 $0xFFFFFEF7, lr;
	s5 =	simm.s32 $0xFFFFFFFF;
	p2 =	slt.u32 s8, $0xFFFFF086  }
0x1c: {  	p1 =	slt.u32 s9, $0xF7A;
	s5 =	simm.s32 @!p2 $0x0  }
0x1d: {  	s5 =	simm.s32 @p1 $0x1;
	p0 =	seq.s32 s7, s2  }
0x1e: {  	s7 =	smul.u32 @!p0 $0xF7A, s2;
	p2 =	seq.s32 @!p0 s5, $0x0  }
0x1f: {  	s9 =	smul.u32 $0xF7A, s1;
	s8 =	simm.s32 @!p0 $0x1BF5;
	p2 =	por !p2, p0  }
0x20: {  	[sflag:s8] =	ssyncset.s32 @!p0 $0xFFFFF086;
	s6 =	sadd.s32 @!p0 s3, s7;
	s7 =	simm.s32 @!p0 $0x108  }
0x21: {  	s3 =	sadd.s32 s3, s9;
	s6 =	sadd.s32 @!p0 $0x88, s6;
	s7 =	simm.s32 @p2 $0x1082  }
0x22: {  	[simem:s7], [sflag:s8] =	dma.local @!p0 [hbm:s6], $0xF7A  }
0x23: {  	s9 =	sor.u32 $0xD0000000, s2;
	s6 =	simm.s32 $0x108;
	_ =	swait.ge @!p0 [sflag:s8], $0x0  }
0x24: {  	s3 =	sadd.s32 $0x88, s3;
	s6 =	simm.s32 @!p1 $0x1082;
	[sflag:s4] =	ssyncset.s32 $0xFFFFF086  }
0x25: {  	[simem:s6], [sflag:s4] =	dma.local [hbm:s3], $0xF7A  }
0x26: {  	[smem:$0x3F87] =	sst s1;
	(tag) =	ssettag s2;
	_ =	strace s9  }
0x27: {  	s1 =	sld [smem:$0x3F97]  }
0x28: {  	s2 =	sld [smem:$0x3F98]  }
0x29: {  	s4 =	sld [smem:$0x3F9A]  }
0x2a: {  	p0 =	seq.s32 s5, $0x0;
	s5 =	sld [smem:$0x3F9B]  }
0x2b: {  	s6 =	sld [smem:$0x3F9C]  }
0x2c: {  	s7 =	sld [smem:$0x3F9D]  }
0x2d: {  	s3 =	simm.s32 $0x108;
	s8 =	sld [smem:$0x3F9E]  }
0x2e: {  	s3 =	simm.s32 @!p0 $0x1082;
	s9 =	sld [smem:$0x3F9F]  }
0x2f: {  	lr =	sadd.s32 s0, s3;
	s0 =	sld [smem:$0x3F96]  }
0x30: {  	s3 =	sld [smem:$0x3F99]  }
0x31: {  	[smem:$0x3FA2] =	sst s10  }
0x32: {  	s10 =	sld [smem:$0x3FA0];
	_ =	sdelay $0x3  }
0x33: {  	p0 =	seq.s32 s10, $0x1;
	s10 =	sld [smem:$0x3FA2];
	_ =	sdelay $0x3  }
0x34: {  	[smem:$0x3FA2] =	sst s10  }
0x35: {  	s10 =	sld [smem:$0x3FA1];
	_ =	sdelay $0x3  }
0x36: {  	p1 =	seq.s32 s10, $0x1;
	s10 =	sld [smem:$0x3FA2];
	_ =	sdelay $0x3  }
0x37: {  	[smem:$0x3FA2] =	sst s10  }
0x38: {  	s10 =	sld [smem:$0x3FA3]  }
0x39: {  	_ = 	snop;
	(pc) =	sbr.ind lr, $3  }
0x3a: {  	_ = 	snop  }
0x3b: {  	_ = 	snop  }
0x3c: {  	p2 =	seq.s32 s10, $0x1;
	s10 =	sld [smem:$0x3FA2]  }
0x3d: {  	_ =	shalt  }
0x3e: {  	_ =	shalt  }
0x3f: {  	_ =	shalt  }
0x40: {  	_ =	shalt  }
0x41: {  	_ =	shalt  }
0x42: {  	_ =	shalt  }
0x43: {  	_ =	shalt  }
0x44: {  	_ =	shalt  }
0x45: {  	_ =	shalt  }
0x46: {  	_ =	shalt  }
0x47: {  	_ =	shalt  }
0x48: {  	_ =	shalt  }
0x49: {  	_ =	shalt  }
0x4a: {  	_ =	shalt  }
0x4b: {  	_ =	shalt  }
0x4c: {  	_ =	shalt  }
0x4d: {  	_ =	shalt  }
0x4e: {  	_ =	shalt  }
0x4f: {  	_ =	shalt  }
0x50: {  	_ =	shalt  }
0x51: {  	_ =	shalt  }
0x52: {  	_ =	shalt  }
0x53: {  	_ =	shalt  }
0x54: {  	_ =	shalt  }
0x55: {  	_ =	shalt  }
0x56: {  	_ =	shalt  }
0x57: {  	_ =	shalt  }
0x58: {  	_ =	shalt  }
0x59: {  	_ =	shalt  }
0x5a: {  	_ =	shalt  }
0x5b: {  	_ =	shalt  }
0x5c: {  	_ =	shalt  }
0x5d: {  	_ =	shalt  }
0x5e: {  	_ =	shalt  }
0x5f: {  	_ =	shalt  }
0x60: {  	_ =	shalt  }
0x61: {  	_ =	shalt  }
0x62: {  	_ =	shalt  }
0x63: {  	_ =	shalt  }
0x64: {  	_ =	shalt  }
0x65: {  	_ =	shalt  }
0x66: {  	_ =	shalt  }
0x67: {  	_ =	shalt  }
0x68: {  	_ =	shalt  }
0x69: {  	_ =	shalt  }
0x6a: {  	_ =	shalt  }
0x6b: {  	_ =	shalt  }
0x6c: {  	_ =	shalt  }
0x6d: {  	_ =	shalt  }
0x6e: {  	_ =	shalt  }
0x6f: {  	_ =	shalt  }
0x70: {  	_ =	shalt  }
0x71: {  	_ =	shalt  }
0x72: {  	_ =	shalt  }
0x73: {  	_ =	shalt  }
0x74: {  	_ =	shalt  }
0x75: {  	_ =	shalt  }
0x76: {  	_ =	shalt  }
0x77: {  	_ =	shalt  }
0x78: {  	_ =	shalt  }
0x79: {  	_ =	shalt  }
0x7a: {  	_ =	shalt  }
0x7b: {  	_ =	shalt  }
0x7c: {  	_ =	shalt  }
0x7d: {  	_ =	shalt  }
0x7e: {  	_ =	shalt  }
0x7f: {  	_ =	shalt  }
0x80: {  	_ =	shalt  }
0x81: {  	_ =	shalt  }
0x82: {  	_ =	shalt  }
0x83: {  	_ =	shalt  }
0x84: {  	_ =	shalt  }
0x85: {  	_ =	shalt  }
0x86: {  	_ =	shalt  }
0x87: {  	_ =	shalt  }
.Lfunc_end0:
.L_simem_size_0:
called_computation.1_lowered:
.L_overlay_start_0:
0x88: {  	s2 =	sld [smem:$0x3FD9]  }
0x89: {  	s3 =	sld [smem:$0x3FFE];
	_ =	sdelay $0x1  }
0x8a: {  	s1 =	srdreg.scid  }
0x8b: {  	s0 =	sand.u32 $0x1, s1  }
0x8c: {  	s16 =	sshll.u32 s0, $0xA;
	s2 =	sadd.s32 s3, s2  }
0x8d: {  	s2 =	sadd.s32 s2, s16  }
0x8e: {  	[smem:$0x3FAE] =	sst s2  }
0x8f: {  	_ = 	snop  }
0x90: {  	(tm) =	ssettm $0x1  }
0x91: {  	s17 =	sld [smem:$0x3FFB];
	_ =	sdelay $0x3  }
0x92: {  	_ =	strace s17  }
0x93: {  	s2 =	sld [smem:$0x3FFC];
	_ =	sdelay $0x3  }
0x94: {  	_ =	strace s2  }
0x95: {  	s2 =	sld [smem:$0x3FFD];
	_ =	sdelay $0x3  }
0x96: {  	_ =	strace s2  }
0x97: {  	_ =	strace $0x8FFFFFFF  }
0x98: {  	s18 =	sld [smem:$0x3FDB];
	_ =	sdelay $0x1  }
0x99: {  	s19 =	simm.s32 $_scs_section_size  }
0x9a: {  	s4 =	simm.s32 $_size__tile_overlayer_lowered;
	s5 =	simm.s32 $_tile_overlayer_lowered  }
0x9b: {  	s22 =	simm.s32 $0x1BFF;
	s21 =	sshll.u32 s5, $0x1;
	s2 =	sadd.s32 s19, s18  }
0x9c: {  	s6 =	simm.s32 $0x0;
	s20 =	sshll.u32 s4, $0x1;
	s4 =	sadd.s32 s21, s2  }
0x9d: {  	[timem:s6], [sflag:s22] =	dma.local [hbm:s4], s20  }
0x9e: {  	_ =	swait.ge [sflag:s22], s20  }
0x9f: {  	s3 =	ssub.s32 $0x0, s20;
	[sflag:s22] =	ssyncset.done $0x0  }
0xa0: {  	[sflag:s22] =	ssyncadd.s32 s3;
	_ =	sdelay $0x1  }
0xa1: {  	s23 =	simm.s32 $0x1B8B  }
0xa2: {  	_ =	swait.ge [sflag:s23], $0x1  }
0xa3: {  	[sflag:s23] =	ssyncset.done $0x0  }
0xa4: {  	s25 =	simm.s32 $0x1B8E;
	s24 =	sld [smem:$0x3FFE];
	[sflag:s23] =	ssyncadd.s32 $0xFFFFFFFF  }
0xa5: {  	s26 =	simm.s32 $execute0_lowered;
	[smem:$0x3FD2] =	sst s25  }
0xa6: {  	s4 =	sshll.u32 s26, $0x1;
	_ =	strace $0x80000049;
	[dreg:$0x1] =	wrdreg $0xFFFFFFFF  }
0xa7: {  	s28 =	simm.s32 $_size_execute0_lowered;
	s2 =	sadd.s32 s2, s4;
	[dreg:$0x0] =	wrdreg $0x0  }
0xa8: {  	s4 =	sshll.u32 s28, $0x1;
	[dreg:$0x2] =	wrdreg s2  }
0xa9: {  	[dreg:$0x3] =	wrdreg s4  }
0xaa: {  	[dreg:$0x4] =	wrdreg $0xC0  }
0xab: {  	_ =	task [dreg:s6], $0x5FFFF  }
0xac: {  	[dreg:$0x1] =	wrdreg $0xFFFFFFFF  }
0xad: {  	[dreg:$0x0] =	wrdreg $0x60  }
0xae: {  	[dreg:$0x2] =	wrdreg s24  }
0xaf: {  	[dreg:$0x3] =	wrdreg $0xE0000  }
0xb0: {  	[dreg:$0x4] =	wrdreg $0x9  }
0xb1: {  	_ =	task.clear_ibuf [dreg:s6], $0x5FFFF;
	_ =	strace $0x90000049  }
0xb2: {  	s29 =	simm.s32 $0x9;
	_ =	strace $0x8000004B  }
0xb3: {  	_ =	swait.ge [sflag:s29], $0x1  }
0xb4: {  	[sflag:s29] =	ssyncadd.s32 $0xFFFFFFFF  }
0xb5: {  	_ =	strace $0x9000004B  }
0xb6: {  	_ =	sfence  }
0xb7: {  	s30 =	sld [smem:$0x0];
	_ =	sdelay $0x2  }
0xb8: {  	s31 =	sshll.u32 s1, $0xD;
	s1 =	sshrl.u32 s1, $0x2  }
0xb9: {  	s3 =	sand.u32 $0x4000, s31;
	s1 =	sadd.s32 s1, s30  }
0xba: {  	s0 =	sor.u32 s3, s0;
	s1 =	sshll.u32 s1, $0x11  }
0xbb: {  	s0 =	sor.u32 s1, s0  }
0xbc: {  	s0 =	sadd.s32 $0x8F2B, s0  }
0xbd: {  	[sflag:s0] =	ssyncadd.remote.s32 $0x1  }
0xbe: {  	_ =	sfence.sel $0xFFFF  }
0xbf: {  	[dreg:$0x0] =	wrdreg $0xFFFFFFFF;
	(pc) =	sbr.abs _section_cstart, $3  }
0xc0: {  	[dreg:$0x1] =	wrdreg $0xFFFFFFFF  }
0xc1: {  	_ =	task.clear_ibuf [dreg:s6], $0x2FFFF;
	_ =	strace $0x9FFFFFFF  }
0xc2: {  	(tm) =	ssettm $0x7FFFFFFF  }
0xc3: {  	_ =	shalt  }
tec
execute0_lowered:
.L_overlay_start_1:
0x0: {  	(tag) =	ssettag $0x1  }
0x1: {  	s1 =	srdreg.scid  }
0x2: {  	s0 =	stileid.u32;
	s6 =	rddreg [dreg:$0x0]  }
0x3: {  	s2 =	rddreg [dreg:$0x1];
	s3 =	simm.s32 $0x0;
	s11 =	simm.s32 $0x5000  }
0x4: {  	s12 =	simm.s32 $0x80;
	s13 =	simm.s32 $0xA000;
	s14 =	simm.s32 $0xB000  }
0x5: {  	s15 =	simm.s32 $0x100;
	s16 =	simm.s32 $0xC000;
	s17 =	simm.s32 $0x180  }
0x6: {  	s18 =	simm.s32 $0xD000;
	s21 =	simm.s32 $0x1;
	s22 =	simm.s32 $0x2  }
0x7: {  	s23 =	simm.s32 $0x3;
	s24 =	simm.s32 $0x4;
	s25 =	simm.s32 $0x9E00  }
0x8: {  	s28 =	simm.s32 $0x9F00;
	s29 =	simm.s32 $0x9F80;
	s5 =	smul.u32 $0x5000, s0  }
0x9: {  	s30 =	simm.s32 $0x0;
	s1 =	sand.u32 $0x1, s1;
	s8 =	smul.u32 $0x4F00, s0  }
0xa: {  	[smem:$0x7FF] =	sst s3;
	s31 =	sshll.u32 s0, $0x6;
	s4 =	smul.u32 $0x50000, s1  }
0xb: {  	s9 =	smul.u32 $0x4F000, s1;
	_ =	strace $0x8000004A;
	s1 =	ssub.s32 $0x2, s1  }
0xc: {  	s19 =	sor.u32 $0x1C05, s31;
	s26 =	sshrl.u32 s1, $0x1;
	s20 =	sadd.s32 s8, s2  }
0xd: {  	s7 =	sadd.s32 s5, s4;
	s4 =	sadd.s32 $0x3200, s6;
	s5 =	sshrl.u32 s5, $0x3  }
0xe: {  	s9 =	sadd.s32 s8, s9;
	s1 =	ssub.s32 s1, s26;
	s20 =	sshrl.u32 s20, $0x3  }
0xf: {  	s26 =	simm.s32 $0x9E80;
	s7 =	sshrl.u32 s7, $0x3;
	s10 =	sadd.s32 s5, s6  }
0x10: {  	s9 =	sshrl.u32 s9, $0x3;
	s5 =	sadd.s32 $0x34C00, s6;
	s7 =	sadd.s32 s7, s6  }
0x11: {  	s9 =	sadd.s32 s9, s6;
	s6 =	sadd.s32 $0x16C00, s7;
	s7 =	sadd.s32 $0x2AC00, s10  }
0x12: {  	s8 =	sadd.s32 $0x35600, s9;
	s9 =	smax.u32 s1, $0x1;
	s10 =	simm.s32 $0x5  }
.LBB2_1:
0x13: {  	[tilespmem:s3], [sflag:$0x5] =	stream.linear.gather [hbm4b:s6+s3], $0x5000, $0x38;
	[tilespmem:$0x12F00] =	vst v63  }
0x14: {  	_ =	swait.ge [sflag:s10], $0x5000  }
0x15: {  	[sflag:s10] =	ssyncset.done $0x0  }
0x16: {  	[sflag:s10] =	ssyncadd.s32 $0xFFFFB000  }
0x17: {  	[tilespmem:s11], [sflag:$0x5] =	stream.linear.gather [hbm4b:s7+s3], $0x5000, $0x38;
	[tilespmem:$0x12F00] =	vst v63  }
0x18: {  	_ =	swait.ge [sflag:s10], $0x5000  }
0x19: {  	[sflag:s10] =	ssyncset.done $0x0  }
0x1a: {  	[sflag:s10] =	ssyncadd.s32 $0xFFFFB000  }
0x1b: {  	[tilespmem:s13], [sflag:$0x1] =	stream.indirect.gather [hbm4b:s4+s12], $0x20, s3, s12, $0xb8;
	[tilespmem:$0x12F00] =	vst v63  }
0x1c: {  	_ = 	snop  }
0x1d: {  	[tilespmem:s14], [sflag:$0x2] =	stream.indirect.gather [hbm4b:s4+s12], $0x20, s12, s12, $0xb8;
	[tilespmem:$0x12F00] =	vst v63  }
0x1e: {  	_ = 	snop  }
0x1f: {  	[tilespmem:s16], [sflag:$0x3] =	stream.indirect.gather [hbm4b:s4+s12], $0x20, s15, s12, $0xb8;
	[tilespmem:$0x12F00] =	vst v63  }
0x20: {  	_ = 	snop  }
0x21: {  	[tilespmem:s18], [sflag:$0x4] =	stream.indirect.gather [hbm4b:s4+s12], $0x20, s17, s12, $0xb8;
	[tilespmem:$0x12F00] =	vst v63  }
0x22: {  	[spmem:s20], [sflag:s19] =	dma.local [hbm:s5], $0x9E0  }
0x23: {  	_ =	swait.ge [sflag:s10], $0x9E0  }
0x24: {  	[sflag:s10] =	ssyncset.done $0x0  }
0x25: {  	[sflag:s10] =	ssyncadd.s32 $0xFFFFF620  }
0x26: {  	[bflag:$0x0] =	sbarrier.arrive $0xFFFF  }
0x27: {  	_ =	swait.ge [sflag:s21], $0x1000  }
0x28: {  	[sflag:s21] =	ssyncset.done $0x0  }
0x29: {  	s1 =	simm.s32 $0x5000;
	[sflag:s21] =	ssyncadd.s32 $0xFFFFF000  }
0x2a: {  	[spmem:s2] =	stream.indirect.scatter.add.f32 [tilespmem:s13], [sflag:$0x5], $0x20, s1, s12, $0xb8;
	[tilespmem:$0x12F00] =	vst v63  }
0x2b: {  	_ =	swait.ge [sflag:s10], $0x1000  }
0x2c: {  	[sflag:s10] =	ssyncset.done $0x0  }
0x2d: {  	s0 =	simm.s32 $0x200;
	[sflag:s10] =	ssyncadd.s32 $0xFFFFF000  }
0x2e: {  	[tilespmem:s13], [sflag:$0x1] =	stream.indirect.gather [hbm4b:s4+s12], $0x20, s0, s12, $0xb8;
	[tilespmem:$0x12F00] =	vst v63  }
0x2f: {  	_ =	swait.ge [sflag:s22], $0x1000  }
0x30: {  	[sflag:s22] =	ssyncset.done $0x0  }
0x31: {  	s0 =	simm.s32 $0x5080;
	[sflag:s22] =	ssyncadd.s32 $0xFFFFF000  }
0x32: {  	[spmem:s2] =	stream.indirect.scatter.add.f32 [tilespmem:s14], [sflag:$0x5], $0x20, s0, s12, $0xb8;
	[tilespmem:$0x12F00] =	vst v63  }
0x33: {  	_ =	swait.ge [sflag:s10], $0x1000  }
0x34: {  	[sflag:s10] =	ssyncset.done $0x0  }
0x35: {  	s0 =	simm.s32 $0x280;
	[sflag:s10] =	ssyncadd.s32 $0xFFFFF000  }
0x36: {  	[tilespmem:s14], [sflag:$0x2] =	stream.indirect.gather [hbm4b:s4+s12], $0x20, s0, s12, $0xb8;
	[tilespmem:$0x12F00] =	vst v63  }
0x37: {  	_ =	swait.ge [sflag:s23], $0x1000  }
0x38: {  	[sflag:s23] =	ssyncset.done $0x0  }
0x39: {  	s0 =	simm.s32 $0x5100;
	[sflag:s23] =	ssyncadd.s32 $0xFFFFF000  }
0x3a: {  	[spmem:s2] =	stream.indirect.scatter.add.f32 [tilespmem:s16], [sflag:$0x5], $0x20, s0, s12, $0xb8;
	[tilespmem:$0x12F00] =	vst v63  }
0x3b: {  	_ =	swait.ge [sflag:s10], $0x1000  }
0x3c: {  	[sflag:s10] =	ssyncset.done $0x0  }
0x3d: {  	s0 =	simm.s32 $0x300;
	[sflag:s10] =	ssyncadd.s32 $0xFFFFF000  }
0x3e: {  	[tilespmem:s16], [sflag:$0x3] =	stream.indirect.gather [hbm4b:s4+s12], $0x20, s0, s12, $0xb8;
	[tilespmem:$0x12F00] =	vst v63  }
0x3f: {  	_ =	swait.ge [sflag:s24], $0x1000  }
0x40: {  	[sflag:s24] =	ssyncset.done $0x0  }
0x41: {  	s0 =	simm.s32 $0x5180;
	[sflag:s24] =	ssyncadd.s32 $0xFFFFF000  }
0x42: {  	[spmem:s2] =	stream.indirect.scatter.add.f32 [tilespmem:s18], [sflag:$0x5], $0x20, s0, s12, $0xb8;
	[tilespmem:$0x12F00] =	vst v63  }
0x43: {  	_ =	swait.ge [sflag:s10], $0x1000  }
0x44: {  	[sflag:s10] =	ssyncset.done $0x0  }
0x45: {  	s31 =	simm.s32 $0x800;
	s1 =	simm.s32 $0x380;
	[sflag:s10] =	ssyncadd.s32 $0xFFFFF000  }
.LBB2_2:
0x46: {  	[tilespmem:s18], [sflag:$0x4] =	stream.indirect.gather [hbm4b:s4+s12], $0x20, s1, s12, $0xb8;
	[tilespmem:$0x12F00] =	vst v63  }
0x47: {  	s1 =	smov.u32 s31  }
0x48: {  	p0 =	sne.s32 s31, $0x13000;
	s31 =	sadd.s32 $0x800, s31;
	_ =	swait.ge [sflag:s21], $0x1000  }
0x49: {  	s1 =	sshra.s32 s1, $0x2;
	[sflag:s21] =	ssyncset.done $0x0  }
0x4a: {  	s0 =	sadd.s32 $0x5000, s1;
	[sflag:s21] =	ssyncadd.s32 $0xFFFFF000  }
0x4b: {  	[spmem:s2] =	stream.indirect.scatter.add.f32 [tilespmem:s13], [sflag:$0x5], $0x20, s0, s12, $0xb8;
	[tilespmem:$0x12F00] =	vst v63  }
0x4c: {  	_ =	swait.ge [sflag:s10], $0x1000  }
0x4d: {  	[sflag:s10] =	ssyncset.done $0x0  }
0x4e: {  	s0 =	sadd.s32 $0x200, s1;
	[sflag:s10] =	ssyncadd.s32 $0xFFFFF000  }
0x4f: {  	[tilespmem:s13], [sflag:$0x1] =	stream.indirect.gather [hbm4b:s4+s12], $0x20, s0, s12, $0xb8;
	[tilespmem:$0x12F00] =	vst v63  }
0x50: {  	_ =	swait.ge [sflag:s22], $0x1000  }
0x51: {  	[sflag:s22] =	ssyncset.done $0x0  }
0x52: {  	s0 =	sadd.s32 $0x5080, s1;
	[sflag:s22] =	ssyncadd.s32 $0xFFFFF000  }
0x53: {  	[spmem:s2] =	stream.indirect.scatter.add.f32 [tilespmem:s14], [sflag:$0x5], $0x20, s0, s12, $0xb8;
	[tilespmem:$0x12F00] =	vst v63  }
0x54: {  	_ =	swait.ge [sflag:s10], $0x1000  }
0x55: {  	[sflag:s10] =	ssyncset.done $0x0  }
0x56: {  	s0 =	sadd.s32 $0x280, s1;
	[sflag:s10] =	ssyncadd.s32 $0xFFFFF000  }
0x57: {  	[tilespmem:s14], [sflag:$0x2] =	stream.indirect.gather [hbm4b:s4+s12], $0x20, s0, s12, $0xb8;
	[tilespmem:$0x12F00] =	vst v63  }
0x58: {  	_ =	swait.ge [sflag:s23], $0x1000  }
0x59: {  	[sflag:s23] =	ssyncset.done $0x0  }
0x5a: {  	s0 =	sadd.s32 $0x5100, s1;
	[sflag:s23] =	ssyncadd.s32 $0xFFFFF000  }
0x5b: {  	[spmem:s2] =	stream.indirect.scatter.add.f32 [tilespmem:s16], [sflag:$0x5], $0x20, s0, s12, $0xb8;
	[tilespmem:$0x12F00] =	vst v63  }
0x5c: {  	_ =	swait.ge [sflag:s10], $0x1000  }
0x5d: {  	[sflag:s10] =	ssyncset.done $0x0  }
0x5e: {  	s0 =	sadd.s32 $0x300, s1;
	[sflag:s10] =	ssyncadd.s32 $0xFFFFF000  }
0x5f: {  	[tilespmem:s16], [sflag:$0x3] =	stream.indirect.gather [hbm4b:s4+s12], $0x20, s0, s12, $0xb8;
	[tilespmem:$0x12F00] =	vst v63  }
0x60: {  	_ =	swait.ge [sflag:s24], $0x1000  }
0x61: {  	[sflag:s24] =	ssyncset.done $0x0  }
.Ltmp0:
0x62: {  	s0 =	sadd.s32 $0x5180, s1;
	[sflag:s24] =	ssyncadd.s32 $0xFFFFF000;
	(pc) =	sbr.rel @p0 .LBB2_2-.Ltmp0, $4  }
0x63: {  	[spmem:s2] =	stream.indirect.scatter.add.f32 [tilespmem:s18], [sflag:$0x5], $0x20, s0, s12, $0xb8;
	[tilespmem:$0x12F00] =	vst v63  }
0x64: {  	_ =	swait.ge [sflag:s10], $0x1000  }
0x65: {  	[sflag:s10] =	ssyncset.done $0x0  }
0x66: {  	s1 =	sadd.s32 $0x380, s1;
	[sflag:s10] =	ssyncadd.s32 $0xFFFFF000  }
0x67: {  	[tilespmem:s18], [sflag:$0x4] =	stream.indirect.gather [hbm4b:s4+s12], $0x20, s1, s12, $0xb8;
	[tilespmem:$0x12F00] =	vst v63  }
0x68: {  	_ =	swait.ge [sflag:s21], $0x1000  }
0x69: {  	[sflag:s21] =	ssyncset.done $0x0  }
0x6a: {  	[sflag:s21] =	ssyncadd.s32 $0xFFFFF000  }
0x6b: {  	[spmem:s2] =	stream.indirect.scatter.add.f32 [tilespmem:s13], [sflag:$0x5], $0x20, s25, s12, $0xb8;
	[tilespmem:$0x12F00] =	vst v63  }
0x6c: {  	_ =	swait.ge [sflag:s10], $0x1000  }
0x6d: {  	[sflag:s10] =	ssyncset.done $0x0  }
0x6e: {  	[sflag:s10] =	ssyncadd.s32 $0xFFFFF000  }
0x6f: {  	_ =	swait.ge [sflag:s22], $0x1000  }
0x70: {  	[sflag:s22] =	ssyncset.done $0x0  }
0x71: {  	[sflag:s22] =	ssyncadd.s32 $0xFFFFF000  }
0x72: {  	[spmem:s2] =	stream.indirect.scatter.add.f32 [tilespmem:s14], [sflag:$0x5], $0x20, s26, s12, $0xb8;
	[tilespmem:$0x12F00] =	vst v63  }
0x73: {  	_ =	swait.ge [sflag:s10], $0x1000  }
0x74: {  	[sflag:s10] =	ssyncset.done $0x0  }
0x75: {  	[sflag:s10] =	ssyncadd.s32 $0xFFFFF000  }
0x76: {  	_ =	swait.ge [sflag:s23], $0x1000  }
0x77: {  	[sflag:s23] =	ssyncset.done $0x0  }
0x78: {  	[sflag:s23] =	ssyncadd.s32 $0xFFFFF000  }
0x79: {  	[spmem:s2] =	stream.indirect.scatter.add.f32 [tilespmem:s16], [sflag:$0x5], $0x20, s28, s12, $0xb8;
	[tilespmem:$0x12F00] =	vst v63  }
0x7a: {  	_ =	swait.ge [sflag:s10], $0x1000  }
0x7b: {  	[sflag:s10] =	ssyncset.done $0x0  }
0x7c: {  	[sflag:s10] =	ssyncadd.s32 $0xFFFFF000  }
0x7d: {  	_ =	swait.ge [sflag:s24], $0x1000  }
0x7e: {  	[sflag:s24] =	ssyncset.done $0x0  }
0x7f: {  	[sflag:s24] =	ssyncadd.s32 $0xFFFFF000  }
0x80: {  	[spmem:s2] =	stream.indirect.scatter.add.f32 [tilespmem:s18], [sflag:$0x5], $0x20, s29, s12, $0xb8;
	[tilespmem:$0x12F00] =	vst v63  }
0x81: {  	_ =	swait.ge [sflag:s10], $0x1000  }
0x82: {  	s30 =	sadd.s32 $0x1, s30;
	[sflag:s10] =	ssyncset.done $0x0  }
0x83: {  	p0 =	sne.s32 s30, s9;
	[sflag:s10] =	ssyncadd.s32 $0xFFFFF000  }
.Ltmp1:
0x84: {  	[bflag:$0x0] =	sbarrier.arrive $0xFFFF;
	(pc) =	sbr.rel @p0 .LBB2_1-.Ltmp1, $4  }
0x85: {  	[hbm:s8], [sflag:s19] =	dma.local [spmem:s20], $0x9E0  }
0x86: {  	_ =	swait.ge [sflag:s10], $0x9E0  }
0x87: {  	[sflag:s10] =	ssyncset.done $0x0  }
0x88: {  	[sflag:s10] =	ssyncadd.s32 $0xFFFFF620  }
0x89: {  	_ =	sfence.sel $0x180000  }
0x8a: {  	[bflag:$0x0] =	sbarrier.arrive $0xFFFF  }
0x8b: {  	_ =	strace $0x9000004A  }
0x8c: {  	s0 =	stileid.u32;
	[bflag:$0x2] =	sbarrier.arrive $0xFFFF  }
0x8d: {  	p0 =	sne.s32 s0, $0x0;
	s0 =	rddreg [dreg:$0x2]  }
0x8e: {  	s0 =	sadd.s32 @!p0 $0x100000, s0  }
0x8f: {  	[sflag:s0] =	ssyncadd.tile.s32 @!p0 $0x1;
	_ =	shalt  }
.Lfunc_end2:
_tile_overlayer_lowered:
.L_overlay_start_2:
0x90: {  	(tag) =	ssettag $0x2  }
0x91: {  	s0 =	rddreg [dreg:$0x0];
	s2 =	stileid.u32  }
0x92: {  	s1 =	rddreg [dreg:$0x1];
	p0 =	sne.s32 s2, $0x0  }
0x93: {  	s3 =	rddreg [dreg:$0x2];
	[bflag:$0x3] =	sbarrier.arrive $0xFFFF;
	s2 =	simm.s32 @!p0 $0x1C05  }
0x94: {  	[timem:s3], [sflag:s2] =	dma.local @!p0 [hbm:s0], s1  }
0x95: {  	s0 =	simm.s32 @!p0 $0x5  }
0x96: {  	_ =	swait.ge @!p0 [sflag:s0], s1  }
0x97: {  	s1 =	ssub.s32 @!p0 $0x0, s1;
	[sflag:s0] =	ssyncset.done @!p0 $0x0  }
0x98: {  	[sflag:s0] =	ssyncadd.s32 @!p0 s1  }
0x99: {  	[bflag:$0x3] =	sbarrier.arrive $0xFFFF  }
0x9a: {  	_ =	shalt  }

// kernel: kernel.15.cloned.1.call-start
scs
__scs_entry_jumppad:
0x0: {  	(pc) =	sbr.rel $0x88, $3  }
0x1: {  	(tag) =	ssettag $0x0;
	lr =	simm.s32 $0x1  }
0x2: {  	[smem:$0x3F87] =	sst lr;
	_ =	strace $0xD0000000  }
0x3: {  	_ = 	snop  }
0x4: {  	_ = 	snop  }
0x5: {  	_ = 	snop  }
0x6: {  	_ = 	snop  }
0x7: {  	_ = 	snop  }
__scs_overlays_trampoline_lowered:
0x8: {  	[smem:$0x3F96] =	sst s0  }
0x9: {  	[smem:$0x3F97] =	sst s1  }
0xa: {  	[smem:$0x3F98] =	sst s2  }
0xb: {  	[smem:$0x3F99] =	sst s3  }
0xc: {  	[smem:$0x3F9A] =	sst s4  }
0xd: {  	[smem:$0x3F9B] =	sst s5  }
0xe: {  	[smem:$0x3F9C] =	sst s6  }
0xf: {  	[smem:$0x3F9D] =	sst s7  }
0x10: {  	[smem:$0x3F9E] =	sst s8  }
0x11: {  	[smem:$0x3F9F] =	sst s9;
	s0 =	simm.s32 @!p0 $0x0  }
0x12: {  	s1 =	sld [smem:$0x3F85];
	s0 =	simm.s32 @p0 $0x1  }
0x13: {  	[smem:$0x3FA0] =	sst s0;
	s0 =	simm.s32 @!p1 $0x0  }
0x14: {  	s2 =	sld [smem:$0x3F84];
	s0 =	simm.s32 @p1 $0x1  }
0x15: {  	[smem:$0x3FA1] =	sst s0;
	s0 =	simm.s32 @!p2 $0x0  }
0x16: {  	s3 =	sld [smem:$0x3FDB];
	s0 =	simm.s32 @p2 $0x1  }
0x17: {  	s4 =	simm.s32 $0x1BF5;
	[smem:$0x3FA3] =	sst s0  }
0x18: {  	s0 =	sld [smem:$0x3F86];
	_ =	swait.ge [sflag:s4], $0x0  }
0x19: {  	s7 =	sld [smem:$0x3F87]  }
0x1a: {  	s8 =	sadd.s32 $0xFFFFE003, lr  }
0x1b: {  	s9 =	sadd.s32 $0xFFFFFEF7, lr;
	s5 =	simm.s32 $0xFFFFFFFF;
	p2 =	slt.u32 s8, $0xFFFFF086  }
0x1c: {  	p1 =	slt.u32 s9, $0xF7A;
	s5 =	simm.s32 @!p2 $0x0  }
0x1d: {  	s5 =	simm.s32 @p1 $0x1;
	p0 =	seq.s32 s7, s2  }
0x1e: {  	s7 =	smul.u32 @!p0 $0xF7A, s2;
	p2 =	seq.s32 @!p0 s5, $0x0  }
0x1f: {  	s9 =	smul.u32 $0xF7A, s1;
	s8 =	simm.s32 @!p0 $0x1BF5;
	p2 =	por !p2, p0  }
0x20: {  	[sflag:s8] =	ssyncset.s32 @!p0 $0xFFFFF086;
	s6 =	sadd.s32 @!p0 s3, s7;
	s7 =	simm.s32 @!p0 $0x108  }
0x21: {  	s3 =	sadd.s32 s3, s9;
	s6 =	sadd.s32 @!p0 $0x88, s6;
	s7 =	simm.s32 @p2 $0x1082  }
0x22: {  	[simem:s7], [sflag:s8] =	dma.local @!p0 [hbm:s6], $0xF7A  }
0x23: {  	s9 =	sor.u32 $0xD0000000, s2;
	s6 =	simm.s32 $0x108;
	_ =	swait.ge @!p0 [sflag:s8], $0x0  }
0x24: {  	s3 =	sadd.s32 $0x88, s3;
	s6 =	simm.s32 @!p1 $0x1082;
	[sflag:s4] =	ssyncset.s32 $0xFFFFF086  }
0x25: {  	[simem:s6], [sflag:s4] =	dma.local [hbm:s3], $0xF7A  }
0x26: {  	[smem:$0x3F87] =	sst s1;
	(tag) =	ssettag s2;
	_ =	strace s9  }
0x27: {  	s1 =	sld [smem:$0x3F97]  }
0x28: {  	s2 =	sld [smem:$0x3F98]  }
0x29: {  	s4 =	sld [smem:$0x3F9A]  }
0x2a: {  	p0 =	seq.s32 s5, $0x0;
	s5 =	sld [smem:$0x3F9B]  }
0x2b: {  	s6 =	sld [smem:$0x3F9C]  }
0x2c: {  	s7 =	sld [smem:$0x3F9D]  }
0x2d: {  	s3 =	simm.s32 $0x108;
	s8 =	sld [smem:$0x3F9E]  }
0x2e: {  	s3 =	simm.s32 @!p0 $0x1082;
	s9 =	sld [smem:$0x3F9F]  }
0x2f: {  	lr =	sadd.s32 s0, s3;
	s0 =	sld [smem:$0x3F96]  }
0x30: {  	s3 =	sld [smem:$0x3F99]  }
0x31: {  	[smem:$0x3FA2] =	sst s10  }
0x32: {  	s10 =	sld [smem:$0x3FA0];
	_ =	sdelay $0x3  }
0x33: {  	p0 =	seq.s32 s10, $0x1;
	s10 =	sld [smem:$0x3FA2];
	_ =	sdelay $0x3  }
0x34: {  	[smem:$0x3FA2] =	sst s10  }
0x35: {  	s10 =	sld [smem:$0x3FA1];
	_ =	sdelay $0x3  }
0x36: {  	p1 =	seq.s32 s10, $0x1;
	s10 =	sld [smem:$0x3FA2];
	_ =	sdelay $0x3  }
0x37: {  	[smem:$0x3FA2] =	sst s10  }
0x38: {  	s10 =	sld [smem:$0x3FA3]  }
0x39: {  	_ = 	snop;
	(pc) =	sbr.ind lr, $3  }
0x3a: {  	_ = 	snop  }
0x3b: {  	_ = 	snop  }
0x3c: {  	p2 =	seq.s32 s10, $0x1;
	s10 =	sld [smem:$0x3FA2]  }
0x3d: {  	_ =	shalt  }
0x3e: {  	_ =	shalt  }
0x3f: {  	_ =	shalt  }
0x40: {  	_ =	shalt  }
0x41: {  	_ =	shalt  }
0x42: {  	_ =	shalt  }
0x43: {  	_ =	shalt  }
0x44: {  	_ =	shalt  }
0x45: {  	_ =	shalt  }
0x46: {  	_ =	shalt  }
0x47: {  	_ =	shalt  }
0x48: {  	_ =	shalt  }
0x49: {  	_ =	shalt  }
0x4a: {  	_ =	shalt  }
0x4b: {  	_ =	shalt  }
0x4c: {  	_ =	shalt  }
0x4d: {  	_ =	shalt  }
0x4e: {  	_ =	shalt  }
0x4f: {  	_ =	shalt  }
0x50: {  	_ =	shalt  }
0x51: {  	_ =	shalt  }
0x52: {  	_ =	shalt  }
0x53: {  	_ =	shalt  }
0x54: {  	_ =	shalt  }
0x55: {  	_ =	shalt  }
0x56: {  	_ =	shalt  }
0x57: {  	_ =	shalt  }
0x58: {  	_ =	shalt  }
0x59: {  	_ =	shalt  }
0x5a: {  	_ =	shalt  }
0x5b: {  	_ =	shalt  }
0x5c: {  	_ =	shalt  }
0x5d: {  	_ =	shalt  }
0x5e: {  	_ =	shalt  }
0x5f: {  	_ =	shalt  }
0x60: {  	_ =	shalt  }
0x61: {  	_ =	shalt  }
0x62: {  	_ =	shalt  }
0x63: {  	_ =	shalt  }
0x64: {  	_ =	shalt  }
0x65: {  	_ =	shalt  }
0x66: {  	_ =	shalt  }
0x67: {  	_ =	shalt  }
0x68: {  	_ =	shalt  }
0x69: {  	_ =	shalt  }
0x6a: {  	_ =	shalt  }
0x6b: {  	_ =	shalt  }
0x6c: {  	_ =	shalt  }
0x6d: {  	_ =	shalt  }
0x6e: {  	_ =	shalt  }
0x6f: {  	_ =	shalt  }
0x70: {  	_ =	shalt  }
0x71: {  	_ =	shalt  }
0x72: {  	_ =	shalt  }
0x73: {  	_ =	shalt  }
0x74: {  	_ =	shalt  }
0x75: {  	_ =	shalt  }
0x76: {  	_ =	shalt  }
0x77: {  	_ =	shalt  }
0x78: {  	_ =	shalt  }
0x79: {  	_ =	shalt  }
0x7a: {  	_ =	shalt  }
0x7b: {  	_ =	shalt  }
0x7c: {  	_ =	shalt  }
0x7d: {  	_ =	shalt  }
0x7e: {  	_ =	shalt  }
0x7f: {  	_ =	shalt  }
0x80: {  	_ =	shalt  }
0x81: {  	_ =	shalt  }
0x82: {  	_ =	shalt  }
0x83: {  	_ =	shalt  }
0x84: {  	_ =	shalt  }
0x85: {  	_ =	shalt  }
0x86: {  	_ =	shalt  }
0x87: {  	_ =	shalt  }
.Lfunc_end0:
.L_simem_size_0:
called_computation.2_lowered:
.L_overlay_start_0:
0x88: {  	s2 =	sld [smem:$0x3FD9]  }
0x89: {  	s3 =	sld [smem:$0x3FFE];
	_ =	sdelay $0x1  }
0x8a: {  	s1 =	srdreg.scid  }
0x8b: {  	s0 =	sand.u32 $0x1, s1  }
0x8c: {  	s16 =	sshll.u32 s0, $0xA;
	s2 =	sadd.s32 s3, s2  }
0x8d: {  	s2 =	sadd.s32 s2, s16  }
0x8e: {  	[smem:$0x3FAE] =	sst s2  }
0x8f: {  	_ = 	snop  }
0x90: {  	(tm) =	ssettm $0x1  }
0x91: {  	s17 =	sld [smem:$0x3FFB];
	_ =	sdelay $0x3  }
0x92: {  	_ =	strace s17  }
0x93: {  	s2 =	sld [smem:$0x3FFC];
	_ =	sdelay $0x3  }
0x94: {  	_ =	strace s2  }
0x95: {  	s2 =	sld [smem:$0x3FFD];
	_ =	sdelay $0x3  }
0x96: {  	_ =	strace s2  }
0x97: {  	_ =	strace $0x8FFFFFFF  }
0x98: {  	s18 =	sld [smem:$0x3FDB];
	_ =	sdelay $0x1  }
0x99: {  	s19 =	simm.s32 $_scs_section_size  }
0x9a: {  	s4 =	simm.s32 $_size__tile_overlayer_lowered;
	s5 =	simm.s32 $_tile_overlayer_lowered  }
0x9b: {  	s22 =	simm.s32 $0x1BFF;
	s21 =	sshll.u32 s5, $0x1;
	s2 =	sadd.s32 s19, s18  }
0x9c: {  	s6 =	simm.s32 $0x0;
	s20 =	sshll.u32 s4, $0x1;
	s4 =	sadd.s32 s21, s2  }
0x9d: {  	[timem:s6], [sflag:s22] =	dma.local [hbm:s4], s20  }
0x9e: {  	_ =	swait.ge [sflag:s22], s20  }
0x9f: {  	s3 =	ssub.s32 $0x0, s20;
	[sflag:s22] =	ssyncset.done $0x0  }
0xa0: {  	[sflag:s22] =	ssyncadd.s32 s3;
	_ =	sdelay $0x1  }
0xa1: {  	s23 =	simm.s32 $0x1B8B  }
0xa2: {  	_ =	swait.ge [sflag:s23], $0x1  }
0xa3: {  	[sflag:s23] =	ssyncset.done $0x0  }
0xa4: {  	s25 =	simm.s32 $0x1B8E;
	s24 =	sld [smem:$0x3FFE];
	[sflag:s23] =	ssyncadd.s32 $0xFFFFFFFF  }
0xa5: {  	s26 =	simm.s32 $execute0_lowered;
	[smem:$0x3FD2] =	sst s25  }
0xa6: {  	s4 =	sshll.u32 s26, $0x1;
	_ =	strace $0x8000004C;
	[dreg:$0x1] =	wrdreg $0xFFFFFFFF  }
0xa7: {  	s28 =	simm.s32 $_size_execute0_lowered;
	s2 =	sadd.s32 s2, s4;
	[dreg:$0x0] =	wrdreg $0x0  }
0xa8: {  	s4 =	sshll.u32 s28, $0x1;
	[dreg:$0x2] =	wrdreg s2  }
0xa9: {  	[dreg:$0x3] =	wrdreg s4  }
0xaa: {  	[dreg:$0x4] =	wrdreg $0xC0  }
0xab: {  	_ =	task [dreg:s6], $0x5FFFF  }
0xac: {  	[dreg:$0x1] =	wrdreg $0xFFFFFFFF  }
0xad: {  	[dreg:$0x0] =	wrdreg $0x60  }
0xae: {  	[dreg:$0x2] =	wrdreg s24  }
0xaf: {  	[dreg:$0x3] =	wrdreg $0xE0000  }
0xb0: {  	[dreg:$0x4] =	wrdreg $0x9  }
0xb1: {  	_ =	task.clear_ibuf [dreg:s6], $0x5FFFF;
	_ =	strace $0x9000004C  }
0xb2: {  	s29 =	simm.s32 $0x9;
	_ =	strace $0x8000004E  }
0xb3: {  	_ =	swait.ge [sflag:s29], $0x1  }
0xb4: {  	[sflag:s29] =	ssyncadd.s32 $0xFFFFFFFF  }
0xb5: {  	_ =	strace $0x9000004E  }
0xb6: {  	_ =	sfence  }
0xb7: {  	s30 =	sld [smem:$0x0];
	_ =	sdelay $0x2  }
0xb8: {  	s31 =	sshll.u32 s1, $0xD;
	s1 =	sshrl.u32 s1, $0x2  }
0xb9: {  	s3 =	sand.u32 $0x4000, s31;
	s1 =	sadd.s32 s1, s30  }
0xba: {  	s0 =	sor.u32 s3, s0;
	s1 =	sshll.u32 s1, $0x11  }
0xbb: {  	s0 =	sor.u32 s1, s0  }
0xbc: {  	s0 =	sadd.s32 $0x8F2B, s0  }
0xbd: {  	[sflag:s0] =	ssyncadd.remote.s32 $0x1  }
0xbe: {  	_ =	sfence.sel $0xFFFF  }
0xbf: {  	[dreg:$0x0] =	wrdreg $0xFFFFFFFF;
	(pc) =	sbr.abs _section_cstart, $3  }
0xc0: {  	[dreg:$0x1] =	wrdreg $0xFFFFFFFF  }
0xc1: {  	_ =	task.clear_ibuf [dreg:s6], $0x2FFFF;
	_ =	strace $0x9FFFFFFF  }
0xc2: {  	(tm) =	ssettm $0x7FFFFFFF  }
0xc3: {  	_ =	shalt  }
tec
execute0_lowered:
.L_overlay_start_1:
0x0: {  	(tag) =	ssettag $0x1  }
0x1: {  	s1 =	srdreg.scid  }
0x2: {  	s0 =	stileid.u32;
	s6 =	rddreg [dreg:$0x0]  }
0x3: {  	s2 =	rddreg [dreg:$0x1];
	s3 =	simm.s32 $0x0;
	s11 =	simm.s32 $0x5000  }
0x4: {  	s12 =	simm.s32 $0x80;
	s13 =	simm.s32 $0xA000;
	s14 =	simm.s32 $0xB000  }
0x5: {  	s15 =	simm.s32 $0x100;
	s16 =	simm.s32 $0xC000;
	s17 =	simm.s32 $0x180  }
0x6: {  	s18 =	simm.s32 $0xD000;
	s21 =	simm.s32 $0x1;
	s22 =	simm.s32 $0x2  }
0x7: {  	s23 =	simm.s32 $0x3;
	s24 =	simm.s32 $0x4;
	s25 =	simm.s32 $0x9E00  }
0x8: {  	s28 =	simm.s32 $0x9F00;
	s29 =	simm.s32 $0x9F80;
	s5 =	smul.u32 $0x5000, s0  }
0x9: {  	s30 =	simm.s32 $0x0;
	s1 =	sand.u32 $0x1, s1;
	s8 =	smul.u32 $0x4F00, s0  }
0xa: {  	[smem:$0x7FF] =	sst s3;
	s31 =	sshll.u32 s0, $0x6;
	s4 =	smul.u32 $0x50000, s1  }
0xb: {  	s9 =	smul.u32 $0x4F000, s1;
	_ =	strace $0x8000004D;
	s1 =	ssub.s32 $0x2, s1  }
0xc: {  	s19 =	sor.u32 $0x1C05, s31;
	s26 =	sshrl.u32 s1, $0x1;
	s20 =	sadd.s32 s8, s2  }
0xd: {  	s7 =	sadd.s32 s5, s4;
	s4 =	sadd.s32 $0x3200, s6;
	s5 =	sshrl.u32 s5, $0x3  }
0xe: {  	s9 =	sadd.s32 s8, s9;
	s1 =	ssub.s32 s1, s26;
	s20 =	sshrl.u32 s20, $0x3  }
0xf: {  	s26 =	simm.s32 $0x9E80;
	s7 =	sshrl.u32 s7, $0x3;
	s10 =	sadd.s32 s5, s6  }
0x10: {  	s9 =	sshrl.u32 s9, $0x3;
	s5 =	sadd.s32 $0x34C00, s6;
	s7 =	sadd.s32 s7, s6  }
0x11: {  	s9 =	sadd.s32 s9, s6;
	s6 =	sadd.s32 $0x16C00, s7;
	s7 =	sadd.s32 $0x2AC00, s10  }
0x12: {  	s8 =	sadd.s32 $0x35600, s9;
	s9 =	smax.u32 s1, $0x1;
	s10 =	simm.s32 $0x5  }
.LBB2_1:
0x13: {  	[tilespmem:s3], [sflag:$0x5] =	stream.linear.gather [hbm4b:s6+s3], $0x5000, $0x38;
	[tilespmem:$0x12F00] =	vst v63  }
0x14: {  	_ =	swait.ge [sflag:s10], $0x5000  }
0x15: {  	[sflag:s10] =	ssyncset.done $0x0  }
0x16: {  	[sflag:s10] =	ssyncadd.s32 $0xFFFFB000  }
0x17: {  	[tilespmem:s11], [sflag:$0x5] =	stream.linear.gather [hbm4b:s7+s3], $0x5000, $0x38;
	[tilespmem:$0x12F00] =	vst v63  }
0x18: {  	_ =	swait.ge [sflag:s10], $0x5000  }
0x19: {  	[sflag:s10] =	ssyncset.done $0x0  }
0x1a: {  	[sflag:s10] =	ssyncadd.s32 $0xFFFFB000  }
0x1b: {  	[tilespmem:s13], [sflag:$0x1] =	stream.indirect.gather [hbm4b:s4+s12], $0x20, s3, s12, $0xb8;
	[tilespmem:$0x12F00] =	vst v63  }
0x1c: {  	_ = 	snop  }
0x1d: {  	[tilespmem:s14], [sflag:$0x2] =	stream.indirect.gather [hbm4b:s4+s12], $0x20, s12, s12, $0xb8;
	[tilespmem:$0x12F00] =	vst v63  }
0x1e: {  	_ = 	snop  }
0x1f: {  	[tilespmem:s16], [sflag:$0x3] =	stream.indirect.gather [hbm4b:s4+s12], $0x20, s15, s12, $0xb8;
	[tilespmem:$0x12F00] =	vst v63  }
0x20: {  	_ = 	snop  }
0x21: {  	[tilespmem:s18], [sflag:$0x4] =	stream.indirect.gather [hbm4b:s4+s12], $0x20, s17, s12, $0xb8;
	[tilespmem:$0x12F00] =	vst v63  }
0x22: {  	[spmem:s20], [sflag:s19] =	dma.local [hbm:s5], $0x9E0  }
0x23: {  	_ =	swait.ge [sflag:s10], $0x9E0  }
0x24: {  	[sflag:s10] =	ssyncset.done $0x0  }
0x25: {  	[sflag:s10] =	ssyncadd.s32 $0xFFFFF620  }
0x26: {  	[bflag:$0x0] =	sbarrier.arrive $0xFFFF  }
0x27: {  	_ =	swait.ge [sflag:s21], $0x1000  }
0x28: {  	[sflag:s21] =	ssyncset.done $0x0  }
0x29: {  	s1 =	simm.s32 $0x5000;
	[sflag:s21] =	ssyncadd.s32 $0xFFFFF000  }
0x2a: {  	[spmem:s2] =	stream.indirect.scatter.add.f32 [tilespmem:s13], [sflag:$0x5], $0x20, s1, s12, $0xb8;
	[tilespmem:$0x12F00] =	vst v63  }
0x2b: {  	_ =	swait.ge [sflag:s10], $0x1000  }
0x2c: {  	[sflag:s10] =	ssyncset.done $0x0  }
0x2d: {  	s0 =	simm.s32 $0x200;
	[sflag:s10] =	ssyncadd.s32 $0xFFFFF000  }
0x2e: {  	[tilespmem:s13], [sflag:$0x1] =	stream.indirect.gather [hbm4b:s4+s12], $0x20, s0, s12, $0xb8;
	[tilespmem:$0x12F00] =	vst v63  }
0x2f: {  	_ =	swait.ge [sflag:s22], $0x1000  }
0x30: {  	[sflag:s22] =	ssyncset.done $0x0  }
0x31: {  	s0 =	simm.s32 $0x5080;
	[sflag:s22] =	ssyncadd.s32 $0xFFFFF000  }
0x32: {  	[spmem:s2] =	stream.indirect.scatter.add.f32 [tilespmem:s14], [sflag:$0x5], $0x20, s0, s12, $0xb8;
	[tilespmem:$0x12F00] =	vst v63  }
0x33: {  	_ =	swait.ge [sflag:s10], $0x1000  }
0x34: {  	[sflag:s10] =	ssyncset.done $0x0  }
0x35: {  	s0 =	simm.s32 $0x280;
	[sflag:s10] =	ssyncadd.s32 $0xFFFFF000  }
0x36: {  	[tilespmem:s14], [sflag:$0x2] =	stream.indirect.gather [hbm4b:s4+s12], $0x20, s0, s12, $0xb8;
	[tilespmem:$0x12F00] =	vst v63  }
0x37: {  	_ =	swait.ge [sflag:s23], $0x1000  }
0x38: {  	[sflag:s23] =	ssyncset.done $0x0  }
0x39: {  	s0 =	simm.s32 $0x5100;
	[sflag:s23] =	ssyncadd.s32 $0xFFFFF000  }
0x3a: {  	[spmem:s2] =	stream.indirect.scatter.add.f32 [tilespmem:s16], [sflag:$0x5], $0x20, s0, s12, $0xb8;
	[tilespmem:$0x12F00] =	vst v63  }
0x3b: {  	_ =	swait.ge [sflag:s10], $0x1000  }
0x3c: {  	[sflag:s10] =	ssyncset.done $0x0  }
0x3d: {  	s0 =	simm.s32 $0x300;
	[sflag:s10] =	ssyncadd.s32 $0xFFFFF000  }
0x3e: {  	[tilespmem:s16], [sflag:$0x3] =	stream.indirect.gather [hbm4b:s4+s12], $0x20, s0, s12, $0xb8;
	[tilespmem:$0x12F00] =	vst v63  }
0x3f: {  	_ =	swait.ge [sflag:s24], $0x1000  }
0x40: {  	[sflag:s24] =	ssyncset.done $0x0  }
0x41: {  	s0 =	simm.s32 $0x5180;
	[sflag:s24] =	ssyncadd.s32 $0xFFFFF000  }
0x42: {  	[spmem:s2] =	stream.indirect.scatter.add.f32 [tilespmem:s18], [sflag:$0x5], $0x20, s0, s12, $0xb8;
	[tilespmem:$0x12F00] =	vst v63  }
0x43: {  	_ =	swait.ge [sflag:s10], $0x1000  }
0x44: {  	[sflag:s10] =	ssyncset.done $0x0  }
0x45: {  	s31 =	simm.s32 $0x800;
	s1 =	simm.s32 $0x380;
	[sflag:s10] =	ssyncadd.s32 $0xFFFFF000  }
.LBB2_2:
0x46: {  	[tilespmem:s18], [sflag:$0x4] =	stream.indirect.gather [hbm4b:s4+s12], $0x20, s1, s12, $0xb8;
	[tilespmem:$0x12F00] =	vst v63  }
0x47: {  	s1 =	smov.u32 s31  }
0x48: {  	p0 =	sne.s32 s31, $0x13000;
	s31 =	sadd.s32 $0x800, s31;
	_ =	swait.ge [sflag:s21], $0x1000  }
0x49: {  	s1 =	sshra.s32 s1, $0x2;
	[sflag:s21] =	ssyncset.done $0x0  }
0x4a: {  	s0 =	sadd.s32 $0x5000, s1;
	[sflag:s21] =	ssyncadd.s32 $0xFFFFF000  }
0x4b: {  	[spmem:s2] =	stream.indirect.scatter.add.f32 [tilespmem:s13], [sflag:$0x5], $0x20, s0, s12, $0xb8;
	[tilespmem:$0x12F00] =	vst v63  }
0x4c: {  	_ =	swait.ge [sflag:s10], $0x1000  }
0x4d: {  	[sflag:s10] =	ssyncset.done $0x0  }
0x4e: {  	s0 =	sadd.s32 $0x200, s1;
	[sflag:s10] =	ssyncadd.s32 $0xFFFFF000  }
0x4f: {  	[tilespmem:s13], [sflag:$0x1] =	stream.indirect.gather [hbm4b:s4+s12], $0x20, s0, s12, $0xb8;
	[tilespmem:$0x12F00] =	vst v63  }
0x50: {  	_ =	swait.ge [sflag:s22], $0x1000  }
0x51: {  	[sflag:s22] =	ssyncset.done $0x0  }
0x52: {  	s0 =	sadd.s32 $0x5080, s1;
	[sflag:s22] =	ssyncadd.s32 $0xFFFFF000  }
0x53: {  	[spmem:s2] =	stream.indirect.scatter.add.f32 [tilespmem:s14], [sflag:$0x5], $0x20, s0, s12, $0xb8;
	[tilespmem:$0x12F00] =	vst v63  }
0x54: {  	_ =	swait.ge [sflag:s10], $0x1000  }
0x55: {  	[sflag:s10] =	ssyncset.done $0x0  }
0x56: {  	s0 =	sadd.s32 $0x280, s1;
	[sflag:s10] =	ssyncadd.s32 $0xFFFFF000  }
0x57: {  	[tilespmem:s14], [sflag:$0x2] =	stream.indirect.gather [hbm4b:s4+s12], $0x20, s0, s12, $0xb8;
	[tilespmem:$0x12F00] =	vst v63  }
0x58: {  	_ =	swait.ge [sflag:s23], $0x1000  }
0x59: {  	[sflag:s23] =	ssyncset.done $0x0  }
0x5a: {  	s0 =	sadd.s32 $0x5100, s1;
	[sflag:s23] =	ssyncadd.s32 $0xFFFFF000  }
0x5b: {  	[spmem:s2] =	stream.indirect.scatter.add.f32 [tilespmem:s16], [sflag:$0x5], $0x20, s0, s12, $0xb8;
	[tilespmem:$0x12F00] =	vst v63  }
0x5c: {  	_ =	swait.ge [sflag:s10], $0x1000  }
0x5d: {  	[sflag:s10] =	ssyncset.done $0x0  }
0x5e: {  	s0 =	sadd.s32 $0x300, s1;
	[sflag:s10] =	ssyncadd.s32 $0xFFFFF000  }
0x5f: {  	[tilespmem:s16], [sflag:$0x3] =	stream.indirect.gather [hbm4b:s4+s12], $0x20, s0, s12, $0xb8;
	[tilespmem:$0x12F00] =	vst v63  }
0x60: {  	_ =	swait.ge [sflag:s24], $0x1000  }
0x61: {  	[sflag:s24] =	ssyncset.done $0x0  }
.Ltmp0:
0x62: {  	s0 =	sadd.s32 $0x5180, s1;
	[sflag:s24] =	ssyncadd.s32 $0xFFFFF000;
	(pc) =	sbr.rel @p0 .LBB2_2-.Ltmp0, $4  }
0x63: {  	[spmem:s2] =	stream.indirect.scatter.add.f32 [tilespmem:s18], [sflag:$0x5], $0x20, s0, s12, $0xb8;
	[tilespmem:$0x12F00] =	vst v63  }
0x64: {  	_ =	swait.ge [sflag:s10], $0x1000  }
0x65: {  	[sflag:s10] =	ssyncset.done $0x0  }
0x66: {  	s1 =	sadd.s32 $0x380, s1;
	[sflag:s10] =	ssyncadd.s32 $0xFFFFF000  }
0x67: {  	[tilespmem:s18], [sflag:$0x4] =	stream.indirect.gather [hbm4b:s4+s12], $0x20, s1, s12, $0xb8;
	[tilespmem:$0x12F00] =	vst v63  }
0x68: {  	_ =	swait.ge [sflag:s21], $0x1000  }
0x69: {  	[sflag:s21] =	ssyncset.done $0x0  }
0x6a: {  	[sflag:s21] =	ssyncadd.s32 $0xFFFFF000  }
0x6b: {  	[spmem:s2] =	stream.indirect.scatter.add.f32 [tilespmem:s13], [sflag:$0x5], $0x20, s25, s12, $0xb8;
	[tilespmem:$0x12F00] =	vst v63  }
0x6c: {  	_ =	swait.ge [sflag:s10], $0x1000  }
0x6d: {  	[sflag:s10] =	ssyncset.done $0x0  }
0x6e: {  	[sflag:s10] =	ssyncadd.s32 $0xFFFFF000  }
0x6f: {  	_ =	swait.ge [sflag:s22], $0x1000  }
0x70: {  	[sflag:s22] =	ssyncset.done $0x0  }
0x71: {  	[sflag:s22] =	ssyncadd.s32 $0xFFFFF000  }
0x72: {  	[spmem:s2] =	stream.indirect.scatter.add.f32 [tilespmem:s14], [sflag:$0x5], $0x20, s26, s12, $0xb8;
	[tilespmem:$0x12F00] =	vst v63  }
0x73: {  	_ =	swait.ge [sflag:s10], $0x1000  }
0x74: {  	[sflag:s10] =	ssyncset.done $0x0  }
0x75: {  	[sflag:s10] =	ssyncadd.s32 $0xFFFFF000  }
0x76: {  	_ =	swait.ge [sflag:s23], $0x1000  }
0x77: {  	[sflag:s23] =	ssyncset.done $0x0  }
0x78: {  	[sflag:s23] =	ssyncadd.s32 $0xFFFFF000  }
0x79: {  	[spmem:s2] =	stream.indirect.scatter.add.f32 [tilespmem:s16], [sflag:$0x5], $0x20, s28, s12, $0xb8;
	[tilespmem:$0x12F00] =	vst v63  }
0x7a: {  	_ =	swait.ge [sflag:s10], $0x1000  }
0x7b: {  	[sflag:s10] =	ssyncset.done $0x0  }
0x7c: {  	[sflag:s10] =	ssyncadd.s32 $0xFFFFF000  }
0x7d: {  	_ =	swait.ge [sflag:s24], $0x1000  }
0x7e: {  	[sflag:s24] =	ssyncset.done $0x0  }
0x7f: {  	[sflag:s24] =	ssyncadd.s32 $0xFFFFF000  }
0x80: {  	[spmem:s2] =	stream.indirect.scatter.add.f32 [tilespmem:s18], [sflag:$0x5], $0x20, s29, s12, $0xb8;
	[tilespmem:$0x12F00] =	vst v63  }
0x81: {  	_ =	swait.ge [sflag:s10], $0x1000  }
0x82: {  	s30 =	sadd.s32 $0x1, s30;
	[sflag:s10] =	ssyncset.done $0x0  }
0x83: {  	p0 =	sne.s32 s30, s9;
	[sflag:s10] =	ssyncadd.s32 $0xFFFFF000  }
.Ltmp1:
0x84: {  	[bflag:$0x0] =	sbarrier.arrive $0xFFFF;
	(pc) =	sbr.rel @p0 .LBB2_1-.Ltmp1, $4  }
0x85: {  	[hbm:s8], [sflag:s19] =	dma.local [spmem:s20], $0x9E0  }
0x86: {  	_ =	swait.ge [sflag:s10], $0x9E0  }
0x87: {  	[sflag:s10] =	ssyncset.done $0x0  }
0x88: {  	[sflag:s10] =	ssyncadd.s32 $0xFFFFF620  }
0x89: {  	_ =	sfence.sel $0x180000  }
0x8a: {  	[bflag:$0x0] =	sbarrier.arrive $0xFFFF  }
0x8b: {  	_ =	strace $0x9000004D  }
0x8c: {  	s0 =	stileid.u32;
	[bflag:$0x2] =	sbarrier.arrive $0xFFFF  }
0x8d: {  	p0 =	sne.s32 s0, $0x0;
	s0 =	rddreg [dreg:$0x2]  }
0x8e: {  	s0 =	sadd.s32 @!p0 $0x100000, s0  }
0x8f: {  	[sflag:s0] =	ssyncadd.tile.s32 @!p0 $0x1;
	_ =	shalt  }
.Lfunc_end2:
_tile_overlayer_lowered:
.L_overlay_start_2:
0x90: {  	(tag) =	ssettag $0x2  }
0x91: {  	s0 =	rddreg [dreg:$0x0];
	s2 =	stileid.u32  }
0x92: {  	s1 =	rddreg [dreg:$0x1];
	p0 =	sne.s32 s2, $0x0  }
0x93: {  	s3 =	rddreg [dreg:$0x2];
	[bflag:$0x3] =	sbarrier.arrive $0xFFFF;
	s2 =	simm.s32 @!p0 $0x1C05  }
0x94: {  	[timem:s3], [sflag:s2] =	dma.local @!p0 [hbm:s0], s1  }
0x95: {  	s0 =	simm.s32 @!p0 $0x5  }
0x96: {  	_ =	swait.ge @!p0 [sflag:s0], s1  }
0x97: {  	s1 =	ssub.s32 @!p0 $0x0, s1;
	[sflag:s0] =	ssyncset.done @!p0 $0x0  }
0x98: {  	[sflag:s0] =	ssyncadd.s32 @!p0 s1  }
0x99: {  	[bflag:$0x3] =	sbarrier.arrive $0xFFFF  }
0x9a: {  	_ =	shalt  }

// kernel: kernel.9.cloned.1.call-start
scs
__scs_entry_jumppad:
0x0: {  	(pc) =	sbr.rel $0x88, $3  }
0x1: {  	(tag) =	ssettag $0x0;
	lr =	simm.s32 $0x1  }
0x2: {  	[smem:$0x3F87] =	sst lr;
	_ =	strace $0xD0000000  }
0x3: {  	_ = 	snop  }
0x4: {  	_ = 	snop  }
0x5: {  	_ = 	snop  }
0x6: {  	_ = 	snop  }
0x7: {  	_ = 	snop  }
__scs_overlays_trampoline_lowered:
0x8: {  	[smem:$0x3F96] =	sst s0  }
0x9: {  	[smem:$0x3F97] =	sst s1  }
0xa: {  	[smem:$0x3F98] =	sst s2  }
0xb: {  	[smem:$0x3F99] =	sst s3  }
0xc: {  	[smem:$0x3F9A] =	sst s4  }
0xd: {  	[smem:$0x3F9B] =	sst s5  }
0xe: {  	[smem:$0x3F9C] =	sst s6  }
0xf: {  	[smem:$0x3F9D] =	sst s7  }
0x10: {  	[smem:$0x3F9E] =	sst s8  }
0x11: {  	[smem:$0x3F9F] =	sst s9;
	s0 =	simm.s32 @!p0 $0x0  }
0x12: {  	s1 =	sld [smem:$0x3F85];
	s0 =	simm.s32 @p0 $0x1  }
0x13: {  	[smem:$0x3FA0] =	sst s0;
	s0 =	simm.s32 @!p1 $0x0  }
0x14: {  	s2 =	sld [smem:$0x3F84];
	s0 =	simm.s32 @p1 $0x1  }
0x15: {  	[smem:$0x3FA1] =	sst s0;
	s0 =	simm.s32 @!p2 $0x0  }
0x16: {  	s3 =	sld [smem:$0x3FDB];
	s0 =	simm.s32 @p2 $0x1  }
0x17: {  	s4 =	simm.s32 $0x1BF5;
	[smem:$0x3FA3] =	sst s0  }
0x18: {  	s0 =	sld [smem:$0x3F86];
	_ =	swait.ge [sflag:s4], $0x0  }
0x19: {  	s7 =	sld [smem:$0x3F87]  }
0x1a: {  	s8 =	sadd.s32 $0xFFFFE003, lr  }
0x1b: {  	s9 =	sadd.s32 $0xFFFFFEF7, lr;
	s5 =	simm.s32 $0xFFFFFFFF;
	p2 =	slt.u32 s8, $0xFFFFF086  }
0x1c: {  	p1 =	slt.u32 s9, $0xF7A;
	s5 =	simm.s32 @!p2 $0x0  }
0x1d: {  	s5 =	simm.s32 @p1 $0x1;
	p0 =	seq.s32 s7, s2  }
0x1e: {  	s7 =	smul.u32 @!p0 $0xF7A, s2;
	p2 =	seq.s32 @!p0 s5, $0x0  }
0x1f: {  	s9 =	smul.u32 $0xF7A, s1;
	s8 =	simm.s32 @!p0 $0x1BF5;
	p2 =	por !p2, p0  }
0x20: {  	[sflag:s8] =	ssyncset.s32 @!p0 $0xFFFFF086;
	s6 =	sadd.s32 @!p0 s3, s7;
	s7 =	simm.s32 @!p0 $0x108  }
0x21: {  	s3 =	sadd.s32 s3, s9;
	s6 =	sadd.s32 @!p0 $0x88, s6;
	s7 =	simm.s32 @p2 $0x1082  }
0x22: {  	[simem:s7], [sflag:s8] =	dma.local @!p0 [hbm:s6], $0xF7A  }
0x23: {  	s9 =	sor.u32 $0xD0000000, s2;
	s6 =	simm.s32 $0x108;
	_ =	swait.ge @!p0 [sflag:s8], $0x0  }
0x24: {  	s3 =	sadd.s32 $0x88, s3;
	s6 =	simm.s32 @!p1 $0x1082;
	[sflag:s4] =	ssyncset.s32 $0xFFFFF086  }
0x25: {  	[simem:s6], [sflag:s4] =	dma.local [hbm:s3], $0xF7A  }
0x26: {  	[smem:$0x3F87] =	sst s1;
	(tag) =	ssettag s2;
	_ =	strace s9  }
0x27: {  	s1 =	sld [smem:$0x3F97]  }
0x28: {  	s2 =	sld [smem:$0x3F98]  }
0x29: {  	s4 =	sld [smem:$0x3F9A]  }
0x2a: {  	p0 =	seq.s32 s5, $0x0;
	s5 =	sld [smem:$0x3F9B]  }
0x2b: {  	s6 =	sld [smem:$0x3F9C]  }
0x2c: {  	s7 =	sld [smem:$0x3F9D]  }
0x2d: {  	s3 =	simm.s32 $0x108;
	s8 =	sld [smem:$0x3F9E]  }
0x2e: {  	s3 =	simm.s32 @!p0 $0x1082;
	s9 =	sld [smem:$0x3F9F]  }
0x2f: {  	lr =	sadd.s32 s0, s3;
	s0 =	sld [smem:$0x3F96]  }
0x30: {  	s3 =	sld [smem:$0x3F99]  }
0x31: {  	[smem:$0x3FA2] =	sst s10  }
0x32: {  	s10 =	sld [smem:$0x3FA0];
	_ =	sdelay $0x3  }
0x33: {  	p0 =	seq.s32 s10, $0x1;
	s10 =	sld [smem:$0x3FA2];
	_ =	sdelay $0x3  }
0x34: {  	[smem:$0x3FA2] =	sst s10  }
0x35: {  	s10 =	sld [smem:$0x3FA1];
	_ =	sdelay $0x3  }
0x36: {  	p1 =	seq.s32 s10, $0x1;
	s10 =	sld [smem:$0x3FA2];
	_ =	sdelay $0x3  }
0x37: {  	[smem:$0x3FA2] =	sst s10  }
0x38: {  	s10 =	sld [smem:$0x3FA3]  }
0x39: {  	_ = 	snop;
	(pc) =	sbr.ind lr, $3  }
0x3a: {  	_ = 	snop  }
0x3b: {  	_ = 	snop  }
0x3c: {  	p2 =	seq.s32 s10, $0x1;
	s10 =	sld [smem:$0x3FA2]  }
0x3d: {  	_ =	shalt  }
0x3e: {  	_ =	shalt  }
0x3f: {  	_ =	shalt  }
0x40: {  	_ =	shalt  }
0x41: {  	_ =	shalt  }
0x42: {  	_ =	shalt  }
0x43: {  	_ =	shalt  }
0x44: {  	_ =	shalt  }
0x45: {  	_ =	shalt  }
0x46: {  	_ =	shalt  }
0x47: {  	_ =	shalt  }
0x48: {  	_ =	shalt  }
0x49: {  	_ =	shalt  }
0x4a: {  	_ =	shalt  }
0x4b: {  	_ =	shalt  }
0x4c: {  	_ =	shalt  }
0x4d: {  	_ =	shalt  }
0x4e: {  	_ =	shalt  }
0x4f: {  	_ =	shalt  }
0x50: {  	_ =	shalt  }
0x51: {  	_ =	shalt  }
0x52: {  	_ =	shalt  }
0x53: {  	_ =	shalt  }
0x54: {  	_ =	shalt  }
0x55: {  	_ =	shalt  }
0x56: {  	_ =	shalt  }
0x57: {  	_ =	shalt  }
0x58: {  	_ =	shalt  }
0x59: {  	_ =	shalt  }
0x5a: {  	_ =	shalt  }
0x5b: {  	_ =	shalt  }
0x5c: {  	_ =	shalt  }
0x5d: {  	_ =	shalt  }
0x5e: {  	_ =	shalt  }
0x5f: {  	_ =	shalt  }
0x60: {  	_ =	shalt  }
0x61: {  	_ =	shalt  }
0x62: {  	_ =	shalt  }
0x63: {  	_ =	shalt  }
0x64: {  	_ =	shalt  }
0x65: {  	_ =	shalt  }
0x66: {  	_ =	shalt  }
0x67: {  	_ =	shalt  }
0x68: {  	_ =	shalt  }
0x69: {  	_ =	shalt  }
0x6a: {  	_ =	shalt  }
0x6b: {  	_ =	shalt  }
0x6c: {  	_ =	shalt  }
0x6d: {  	_ =	shalt  }
0x6e: {  	_ =	shalt  }
0x6f: {  	_ =	shalt  }
0x70: {  	_ =	shalt  }
0x71: {  	_ =	shalt  }
0x72: {  	_ =	shalt  }
0x73: {  	_ =	shalt  }
0x74: {  	_ =	shalt  }
0x75: {  	_ =	shalt  }
0x76: {  	_ =	shalt  }
0x77: {  	_ =	shalt  }
0x78: {  	_ =	shalt  }
0x79: {  	_ =	shalt  }
0x7a: {  	_ =	shalt  }
0x7b: {  	_ =	shalt  }
0x7c: {  	_ =	shalt  }
0x7d: {  	_ =	shalt  }
0x7e: {  	_ =	shalt  }
0x7f: {  	_ =	shalt  }
0x80: {  	_ =	shalt  }
0x81: {  	_ =	shalt  }
0x82: {  	_ =	shalt  }
0x83: {  	_ =	shalt  }
0x84: {  	_ =	shalt  }
0x85: {  	_ =	shalt  }
0x86: {  	_ =	shalt  }
0x87: {  	_ =	shalt  }
.Lfunc_end0:
.L_simem_size_0:
called_computation_lowered:
.L_overlay_start_0:
0x88: {  	s2 =	sld [smem:$0x3FD9]  }
0x89: {  	s3 =	sld [smem:$0x3FFE];
	_ =	sdelay $0x1  }
0x8a: {  	s1 =	srdreg.scid  }
0x8b: {  	s0 =	sand.u32 $0x1, s1  }
0x8c: {  	s16 =	sshll.u32 s0, $0xA;
	s2 =	sadd.s32 s3, s2  }
0x8d: {  	s2 =	sadd.s32 s2, s16  }
0x8e: {  	[smem:$0x3FAE] =	sst s2  }
0x8f: {  	_ = 	snop  }
0x90: {  	(tm) =	ssettm $0x1  }
0x91: {  	s17 =	sld [smem:$0x3FFB];
	_ =	sdelay $0x3  }
0x92: {  	_ =	strace s17  }
0x93: {  	s2 =	sld [smem:$0x3FFC];
	_ =	sdelay $0x3  }
0x94: {  	_ =	strace s2  }
0x95: {  	s2 =	sld [smem:$0x3FFD];
	_ =	sdelay $0x3  }
0x96: {  	_ =	strace s2  }
0x97: {  	_ =	strace $0x8FFFFFFF  }
0x98: {  	s18 =	sld [smem:$0x3FDB];
	_ =	sdelay $0x1  }
0x99: {  	s19 =	simm.s32 $_scs_section_size  }
0x9a: {  	s4 =	simm.s32 $_size__tile_overlayer_lowered;
	s5 =	simm.s32 $_tile_overlayer_lowered  }
0x9b: {  	s22 =	simm.s32 $0x1BFF;
	s21 =	sshll.u32 s5, $0x1;
	s2 =	sadd.s32 s19, s18  }
0x9c: {  	s6 =	simm.s32 $0x0;
	s20 =	sshll.u32 s4, $0x1;
	s4 =	sadd.s32 s21, s2  }
0x9d: {  	[timem:s6], [sflag:s22] =	dma.local [hbm:s4], s20  }
0x9e: {  	_ =	swait.ge [sflag:s22], s20  }
0x9f: {  	s3 =	ssub.s32 $0x0, s20;
	[sflag:s22] =	ssyncset.done $0x0  }
0xa0: {  	[sflag:s22] =	ssyncadd.s32 s3;
	_ =	sdelay $0x1  }
0xa1: {  	s23 =	simm.s32 $0x1B8B  }
0xa2: {  	_ =	swait.ge [sflag:s23], $0x1  }
0xa3: {  	[sflag:s23] =	ssyncset.done $0x0  }
0xa4: {  	s25 =	simm.s32 $0x1B8E;
	s24 =	sld [smem:$0x3FFE];
	[sflag:s23] =	ssyncadd.s32 $0xFFFFFFFF  }
0xa5: {  	s26 =	simm.s32 $execute0_lowered;
	[smem:$0x3FD2] =	sst s25  }
0xa6: {  	s4 =	sshll.u32 s26, $0x1;
	_ =	strace $0x80000046;
	[dreg:$0x1] =	wrdreg $0xFFFFFFFF  }
0xa7: {  	s28 =	simm.s32 $_size_execute0_lowered;
	s2 =	sadd.s32 s2, s4;
	[dreg:$0x0] =	wrdreg $0x0  }
0xa8: {  	s4 =	sshll.u32 s28, $0x1;
	[dreg:$0x2] =	wrdreg s2  }
0xa9: {  	[dreg:$0x3] =	wrdreg s4  }
0xaa: {  	[dreg:$0x4] =	wrdreg $0xC0  }
0xab: {  	_ =	task [dreg:s6], $0x5FFFF  }
0xac: {  	[dreg:$0x1] =	wrdreg $0xFFFFFFFF  }
0xad: {  	[dreg:$0x0] =	wrdreg $0x60  }
0xae: {  	[dreg:$0x2] =	wrdreg s24  }
0xaf: {  	[dreg:$0x3] =	wrdreg $0xE0000  }
0xb0: {  	[dreg:$0x4] =	wrdreg $0x9  }
0xb1: {  	_ =	task.clear_ibuf [dreg:s6], $0x5FFFF;
	_ =	strace $0x90000046  }
0xb2: {  	s29 =	simm.s32 $0x9;
	_ =	strace $0x80000048  }
0xb3: {  	_ =	swait.ge [sflag:s29], $0x1  }
0xb4: {  	[sflag:s29] =	ssyncadd.s32 $0xFFFFFFFF  }
0xb5: {  	_ =	strace $0x90000048  }
0xb6: {  	_ =	sfence  }
0xb7: {  	s30 =	sld [smem:$0x0];
	_ =	sdelay $0x2  }
0xb8: {  	s31 =	sshll.u32 s1, $0xD;
	s1 =	sshrl.u32 s1, $0x2  }
0xb9: {  	s3 =	sand.u32 $0x4000, s31;
	s1 =	sadd.s32 s1, s30  }
0xba: {  	s0 =	sor.u32 s3, s0;
	s1 =	sshll.u32 s1, $0x11  }
0xbb: {  	s0 =	sor.u32 s1, s0  }
0xbc: {  	s0 =	sadd.s32 $0x8F2B, s0  }
0xbd: {  	[sflag:s0] =	ssyncadd.remote.s32 $0x1  }
0xbe: {  	_ =	sfence.sel $0xFFFF  }
0xbf: {  	[dreg:$0x0] =	wrdreg $0xFFFFFFFF;
	(pc) =	sbr.abs _section_cstart, $3  }
0xc0: {  	[dreg:$0x1] =	wrdreg $0xFFFFFFFF  }
0xc1: {  	_ =	task.clear_ibuf [dreg:s6], $0x2FFFF;
	_ =	strace $0x9FFFFFFF  }
0xc2: {  	(tm) =	ssettm $0x7FFFFFFF  }
0xc3: {  	_ =	shalt  }
tec
execute0_lowered:
.L_overlay_start_1:
0x0: {  	(tag) =	ssettag $0x1  }
0x1: {  	s1 =	srdreg.scid  }
0x2: {  	s0 =	stileid.u32;
	s6 =	rddreg [dreg:$0x0]  }
0x3: {  	s2 =	rddreg [dreg:$0x1];
	s3 =	simm.s32 $0x0;
	s11 =	simm.s32 $0x5000  }
0x4: {  	s12 =	simm.s32 $0x80;
	s13 =	simm.s32 $0xA000;
	s14 =	simm.s32 $0xB000  }
0x5: {  	s15 =	simm.s32 $0x100;
	s16 =	simm.s32 $0xC000;
	s17 =	simm.s32 $0x180  }
0x6: {  	s18 =	simm.s32 $0xD000;
	s21 =	simm.s32 $0x1;
	s22 =	simm.s32 $0x2  }
0x7: {  	s23 =	simm.s32 $0x3;
	s24 =	simm.s32 $0x4;
	s25 =	simm.s32 $0x9E00  }
0x8: {  	s28 =	simm.s32 $0x9F00;
	s29 =	simm.s32 $0x9F80;
	s5 =	smul.u32 $0x5000, s0  }
0x9: {  	s30 =	simm.s32 $0x0;
	s1 =	sand.u32 $0x1, s1;
	s8 =	smul.u32 $0x4F00, s0  }
0xa: {  	[smem:$0x7FF] =	sst s3;
	s31 =	sshll.u32 s0, $0x6;
	s4 =	smul.u32 $0x50000, s1  }
0xb: {  	s9 =	smul.u32 $0x4F000, s1;
	_ =	strace $0x80000047;
	s1 =	ssub.s32 $0x2, s1  }
0xc: {  	s19 =	sor.u32 $0x1C05, s31;
	s26 =	sshrl.u32 s1, $0x1;
	s20 =	sadd.s32 s8, s2  }
0xd: {  	s7 =	sadd.s32 s5, s4;
	s4 =	sadd.s32 $0x3200, s6;
	s5 =	sshrl.u32 s5, $0x3  }
0xe: {  	s9 =	sadd.s32 s8, s9;
	s1 =	ssub.s32 s1, s26;
	s20 =	sshrl.u32 s20, $0x3  }
0xf: {  	s26 =	simm.s32 $0x9E80;
	s7 =	sshrl.u32 s7, $0x3;
	s10 =	sadd.s32 s5, s6  }
0x10: {  	s9 =	sshrl.u32 s9, $0x3;
	s5 =	sadd.s32 $0x34C00, s6;
	s7 =	sadd.s32 s7, s6  }
0x11: {  	s9 =	sadd.s32 s9, s6;
	s6 =	sadd.s32 $0x16C00, s7;
	s7 =	sadd.s32 $0x2AC00, s10  }
0x12: {  	s8 =	sadd.s32 $0x35600, s9;
	s9 =	smax.u32 s1, $0x1;
	s10 =	simm.s32 $0x5  }
.LBB2_1:
0x13: {  	[tilespmem:s3], [sflag:$0x5] =	stream.linear.gather [hbm4b:s6+s3], $0x5000, $0x38;
	[tilespmem:$0x12F00] =	vst v63  }
0x14: {  	_ =	swait.ge [sflag:s10], $0x5000  }
0x15: {  	[sflag:s10] =	ssyncset.done $0x0  }
0x16: {  	[sflag:s10] =	ssyncadd.s32 $0xFFFFB000  }
0x17: {  	[tilespmem:s11], [sflag:$0x5] =	stream.linear.gather [hbm4b:s7+s3], $0x5000, $0x38;
	[tilespmem:$0x12F00] =	vst v63  }
0x18: {  	_ =	swait.ge [sflag:s10], $0x5000  }
0x19: {  	[sflag:s10] =	ssyncset.done $0x0  }
0x1a: {  	[sflag:s10] =	ssyncadd.s32 $0xFFFFB000  }
0x1b: {  	[tilespmem:s13], [sflag:$0x1] =	stream.indirect.gather [hbm4b:s4+s12], $0x20, s3, s12, $0xb8;
	[tilespmem:$0x12F00] =	vst v63  }
0x1c: {  	_ = 	snop  }
0x1d: {  	[tilespmem:s14], [sflag:$0x2] =	stream.indirect.gather [hbm4b:s4+s12], $0x20, s12, s12, $0xb8;
	[tilespmem:$0x12F00] =	vst v63  }
0x1e: {  	_ = 	snop  }
0x1f: {  	[tilespmem:s16], [sflag:$0x3] =	stream.indirect.gather [hbm4b:s4+s12], $0x20, s15, s12, $0xb8;
	[tilespmem:$0x12F00] =	vst v63  }
0x20: {  	_ = 	snop  }
0x21: {  	[tilespmem:s18], [sflag:$0x4] =	stream.indirect.gather [hbm4b:s4+s12], $0x20, s17, s12, $0xb8;
	[tilespmem:$0x12F00] =	vst v63  }
0x22: {  	[spmem:s20], [sflag:s19] =	dma.local [hbm:s5], $0x9E0  }
0x23: {  	_ =	swait.ge [sflag:s10], $0x9E0  }
0x24: {  	[sflag:s10] =	ssyncset.done $0x0  }
0x25: {  	[sflag:s10] =	ssyncadd.s32 $0xFFFFF620  }
0x26: {  	[bflag:$0x0] =	sbarrier.arrive $0xFFFF  }
0x27: {  	_ =	swait.ge [sflag:s21], $0x1000  }
0x28: {  	[sflag:s21] =	ssyncset.done $0x0  }
0x29: {  	s1 =	simm.s32 $0x5000;
	[sflag:s21] =	ssyncadd.s32 $0xFFFFF000  }
0x2a: {  	[spmem:s2] =	stream.indirect.scatter.add.f32 [tilespmem:s13], [sflag:$0x5], $0x20, s1, s12, $0xb8;
	[tilespmem:$0x12F00] =	vst v63  }
0x2b: {  	_ =	swait.ge [sflag:s10], $0x1000  }
0x2c: {  	[sflag:s10] =	ssyncset.done $0x0  }
0x2d: {  	s0 =	simm.s32 $0x200;
	[sflag:s10] =	ssyncadd.s32 $0xFFFFF000  }
0x2e: {  	[tilespmem:s13], [sflag:$0x1] =	stream.indirect.gather [hbm4b:s4+s12], $0x20, s0, s12, $0xb8;
	[tilespmem:$0x12F00] =	vst v63  }
0x2f: {  	_ =	swait.ge [sflag:s22], $0x1000  }
0x30: {  	[sflag:s22] =	ssyncset.done $0x0  }
0x31: {  	s0 =	simm.s32 $0x5080;
	[sflag:s22] =	ssyncadd.s32 $0xFFFFF000  }
0x32: {  	[spmem:s2] =	stream.indirect.scatter.add.f32 [tilespmem:s14], [sflag:$0x5], $0x20, s0, s12, $0xb8;
	[tilespmem:$0x12F00] =	vst v63  }
0x33: {  	_ =	swait.ge [sflag:s10], $0x1000  }
0x34: {  	[sflag:s10] =	ssyncset.done $0x0  }
0x35: {  	s0 =	simm.s32 $0x280;
	[sflag:s10] =	ssyncadd.s32 $0xFFFFF000  }
0x36: {  	[tilespmem:s14], [sflag:$0x2] =	stream.indirect.gather [hbm4b:s4+s12], $0x20, s0, s12, $0xb8;
	[tilespmem:$0x12F00] =	vst v63  }
0x37: {  	_ =	swait.ge [sflag:s23], $0x1000  }
0x38: {  	[sflag:s23] =	ssyncset.done $0x0  }
0x39: {  	s0 =	simm.s32 $0x5100;
	[sflag:s23] =	ssyncadd.s32 $0xFFFFF000  }
0x3a: {  	[spmem:s2] =	stream.indirect.scatter.add.f32 [tilespmem:s16], [sflag:$0x5], $0x20, s0, s12, $0xb8;
	[tilespmem:$0x12F00] =	vst v63  }
0x3b: {  	_ =	swait.ge [sflag:s10], $0x1000  }
0x3c: {  	[sflag:s10] =	ssyncset.done $0x0  }
0x3d: {  	s0 =	simm.s32 $0x300;
	[sflag:s10] =	ssyncadd.s32 $0xFFFFF000  }
0x3e: {  	[tilespmem:s16], [sflag:$0x3] =	stream.indirect.gather [hbm4b:s4+s12], $0x20, s0, s12, $0xb8;
	[tilespmem:$0x12F00] =	vst v63  }
0x3f: {  	_ =	swait.ge [sflag:s24], $0x1000  }
0x40: {  	[sflag:s24] =	ssyncset.done $0x0  }
0x41: {  	s0 =	simm.s32 $0x5180;
	[sflag:s24] =	ssyncadd.s32 $0xFFFFF000  }
0x42: {  	[spmem:s2] =	stream.indirect.scatter.add.f32 [tilespmem:s18], [sflag:$0x5], $0x20, s0, s12, $0xb8;
	[tilespmem:$0x12F00] =	vst v63  }
0x43: {  	_ =	swait.ge [sflag:s10], $0x1000  }
0x44: {  	[sflag:s10] =	ssyncset.done $0x0  }
0x45: {  	s31 =	simm.s32 $0x800;
	s1 =	simm.s32 $0x380;
	[sflag:s10] =	ssyncadd.s32 $0xFFFFF000  }
.LBB2_2:
0x46: {  	[tilespmem:s18], [sflag:$0x4] =	stream.indirect.gather [hbm4b:s4+s12], $0x20, s1, s12, $0xb8;
	[tilespmem:$0x12F00] =	vst v63  }
0x47: {  	s1 =	smov.u32 s31  }
0x48: {  	p0 =	sne.s32 s31, $0x13000;
	s31 =	sadd.s32 $0x800, s31;
	_ =	swait.ge [sflag:s21], $0x1000  }
0x49: {  	s1 =	sshra.s32 s1, $0x2;
	[sflag:s21] =	ssyncset.done $0x0  }
0x4a: {  	s0 =	sadd.s32 $0x5000, s1;
	[sflag:s21] =	ssyncadd.s32 $0xFFFFF000  }
0x4b: {  	[spmem:s2] =	stream.indirect.scatter.add.f32 [tilespmem:s13], [sflag:$0x5], $0x20, s0, s12, $0xb8;
	[tilespmem:$0x12F00] =	vst v63  }
0x4c: {  	_ =	swait.ge [sflag:s10], $0x1000  }
0x4d: {  	[sflag:s10] =	ssyncset.done $0x0  }
0x4e: {  	s0 =	sadd.s32 $0x200, s1;
	[sflag:s10] =	ssyncadd.s32 $0xFFFFF000  }
0x4f: {  	[tilespmem:s13], [sflag:$0x1] =	stream.indirect.gather [hbm4b:s4+s12], $0x20, s0, s12, $0xb8;
	[tilespmem:$0x12F00] =	vst v63  }
0x50: {  	_ =	swait.ge [sflag:s22], $0x1000  }
0x51: {  	[sflag:s22] =	ssyncset.done $0x0  }
0x52: {  	s0 =	sadd.s32 $0x5080, s1;
	[sflag:s22] =	ssyncadd.s32 $0xFFFFF000  }
0x53: {  	[spmem:s2] =	stream.indirect.scatter.add.f32 [tilespmem:s14], [sflag:$0x5], $0x20, s0, s12, $0xb8;
	[tilespmem:$0x12F00] =	vst v63  }
0x54: {  	_ =	swait.ge [sflag:s10], $0x1000  }
0x55: {  	[sflag:s10] =	ssyncset.done $0x0  }
0x56: {  	s0 =	sadd.s32 $0x280, s1;
	[sflag:s10] =	ssyncadd.s32 $0xFFFFF000  }
0x57: {  	[tilespmem:s14], [sflag:$0x2] =	stream.indirect.gather [hbm4b:s4+s12], $0x20, s0, s12, $0xb8;
	[tilespmem:$0x12F00] =	vst v63  }
0x58: {  	_ =	swait.ge [sflag:s23], $0x1000  }
0x59: {  	[sflag:s23] =	ssyncset.done $0x0  }
0x5a: {  	s0 =	sadd.s32 $0x5100, s1;
	[sflag:s23] =	ssyncadd.s32 $0xFFFFF000  }
0x5b: {  	[spmem:s2] =	stream.indirect.scatter.add.f32 [tilespmem:s16], [sflag:$0x5], $0x20, s0, s12, $0xb8;
	[tilespmem:$0x12F00] =	vst v63  }
0x5c: {  	_ =	swait.ge [sflag:s10], $0x1000  }
0x5d: {  	[sflag:s10] =	ssyncset.done $0x0  }
0x5e: {  	s0 =	sadd.s32 $0x300, s1;
	[sflag:s10] =	ssyncadd.s32 $0xFFFFF000  }
0x5f: {  	[tilespmem:s16], [sflag:$0x3] =	stream.indirect.gather [hbm4b:s4+s12], $0x20, s0, s12, $0xb8;
	[tilespmem:$0x12F00] =	vst v63  }
0x60: {  	_ =	swait.ge [sflag:s24], $0x1000  }
0x61: {  	[sflag:s24] =	ssyncset.done $0x0  }
.Ltmp0:
0x62: {  	s0 =	sadd.s32 $0x5180, s1;
	[sflag:s24] =	ssyncadd.s32 $0xFFFFF000;
	(pc) =	sbr.rel @p0 .LBB2_2-.Ltmp0, $4  }
0x63: {  	[spmem:s2] =	stream.indirect.scatter.add.f32 [tilespmem:s18], [sflag:$0x5], $0x20, s0, s12, $0xb8;
	[tilespmem:$0x12F00] =	vst v63  }
0x64: {  	_ =	swait.ge [sflag:s10], $0x1000  }
0x65: {  	[sflag:s10] =	ssyncset.done $0x0  }
0x66: {  	s1 =	sadd.s32 $0x380, s1;
	[sflag:s10] =	ssyncadd.s32 $0xFFFFF000  }
0x67: {  	[tilespmem:s18], [sflag:$0x4] =	stream.indirect.gather [hbm4b:s4+s12], $0x20, s1, s12, $0xb8;
	[tilespmem:$0x12F00] =	vst v63  }
0x68: {  	_ =	swait.ge [sflag:s21], $0x1000  }
0x69: {  	[sflag:s21] =	ssyncset.done $0x0  }
0x6a: {  	[sflag:s21] =	ssyncadd.s32 $0xFFFFF000  }
0x6b: {  	[spmem:s2] =	stream.indirect.scatter.add.f32 [tilespmem:s13], [sflag:$0x5], $0x20, s25, s12, $0xb8;
	[tilespmem:$0x12F00] =	vst v63  }
0x6c: {  	_ =	swait.ge [sflag:s10], $0x1000  }
0x6d: {  	[sflag:s10] =	ssyncset.done $0x0  }
0x6e: {  	[sflag:s10] =	ssyncadd.s32 $0xFFFFF000  }
0x6f: {  	_ =	swait.ge [sflag:s22], $0x1000  }
0x70: {  	[sflag:s22] =	ssyncset.done $0x0  }
0x71: {  	[sflag:s22] =	ssyncadd.s32 $0xFFFFF000  }
0x72: {  	[spmem:s2] =	stream.indirect.scatter.add.f32 [tilespmem:s14], [sflag:$0x5], $0x20, s26, s12, $0xb8;
	[tilespmem:$0x12F00] =	vst v63  }
0x73: {  	_ =	swait.ge [sflag:s10], $0x1000  }
0x74: {  	[sflag:s10] =	ssyncset.done $0x0  }
0x75: {  	[sflag:s10] =	ssyncadd.s32 $0xFFFFF000  }
0x76: {  	_ =	swait.ge [sflag:s23], $0x1000  }
0x77: {  	[sflag:s23] =	ssyncset.done $0x0  }
0x78: {  	[sflag:s23] =	ssyncadd.s32 $0xFFFFF000  }
0x79: {  	[spmem:s2] =	stream.indirect.scatter.add.f32 [tilespmem:s16], [sflag:$0x5], $0x20, s28, s12, $0xb8;
	[tilespmem:$0x12F00] =	vst v63  }
0x7a: {  	_ =	swait.ge [sflag:s10], $0x1000  }
0x7b: {  	[sflag:s10] =	ssyncset.done $0x0  }
0x7c: {  	[sflag:s10] =	ssyncadd.s32 $0xFFFFF000  }
0x7d: {  	_ =	swait.ge [sflag:s24], $0x1000  }
0x7e: {  	[sflag:s24] =	ssyncset.done $0x0  }
0x7f: {  	[sflag:s24] =	ssyncadd.s32 $0xFFFFF000  }
0x80: {  	[spmem:s2] =	stream.indirect.scatter.add.f32 [tilespmem:s18], [sflag:$0x5], $0x20, s29, s12, $0xb8;
	[tilespmem:$0x12F00] =	vst v63  }
0x81: {  	_ =	swait.ge [sflag:s10], $0x1000  }
0x82: {  	s30 =	sadd.s32 $0x1, s30;
	[sflag:s10] =	ssyncset.done $0x0  }
0x83: {  	p0 =	sne.s32 s30, s9;
	[sflag:s10] =	ssyncadd.s32 $0xFFFFF000  }
.Ltmp1:
0x84: {  	[bflag:$0x0] =	sbarrier.arrive $0xFFFF;
	(pc) =	sbr.rel @p0 .LBB2_1-.Ltmp1, $4  }
0x85: {  	[hbm:s8], [sflag:s19] =	dma.local [spmem:s20], $0x9E0  }
0x86: {  	_ =	swait.ge [sflag:s10], $0x9E0  }
0x87: {  	[sflag:s10] =	ssyncset.done $0x0  }
0x88: {  	[sflag:s10] =	ssyncadd.s32 $0xFFFFF620  }
0x89: {  	_ =	sfence.sel $0x180000  }
0x8a: {  	[bflag:$0x0] =	sbarrier.arrive $0xFFFF  }
0x8b: {  	_ =	strace $0x90000047  }
0x8c: {  	s0 =	stileid.u32;
	[bflag:$0x2] =	sbarrier.arrive $0xFFFF  }
0x8d: {  	p0 =	sne.s32 s0, $0x0;
	s0 =	rddreg [dreg:$0x2]  }
0x8e: {  	s0 =	sadd.s32 @!p0 $0x100000, s0  }
0x8f: {  	[sflag:s0] =	ssyncadd.tile.s32 @!p0 $0x1;
	_ =	shalt  }
.Lfunc_end2:
_tile_overlayer_lowered:
.L_overlay_start_2:
0x90: {  	(tag) =	ssettag $0x2  }
0x91: {  	s0 =	rddreg [dreg:$0x0];
	s2 =	stileid.u32  }
0x92: {  	s1 =	rddreg [dreg:$0x1];
	p0 =	sne.s32 s2, $0x0  }
0x93: {  	s3 =	rddreg [dreg:$0x2];
	[bflag:$0x3] =	sbarrier.arrive $0xFFFF;
	s2 =	simm.s32 @!p0 $0x1C05  }
0x94: {  	[timem:s3], [sflag:s2] =	dma.local @!p0 [hbm:s0], s1  }
0x95: {  	s0 =	simm.s32 @!p0 $0x5  }
0x96: {  	_ =	swait.ge @!p0 [sflag:s0], s1  }
0x97: {  	s1 =	ssub.s32 @!p0 $0x0, s1;
	[sflag:s0] =	ssyncset.done @!p0 $0x0  }
0x98: {  	[sflag:s0] =	ssyncadd.s32 @!p0 s1  }
0x99: {  	[bflag:$0x3] =	sbarrier.arrive $0xFFFF  }
0x9a: {  	_ =	shalt  }

</sc_bundles>
